<compile_context>
chip_gen: v7x
topology: tpu7x:2x2x1
jax: 0.10.2.dev20260603
libtpu: 0.0.44.dev20260713+nightly
codegen_flags: <defaults>
</compile_context>

<pallas_src>
import functools

import jax
import jax.numpy as jnp
from jax import lax
from jax.experimental import pallas as pl
from jax.experimental.pallas import tpu as pltpu
from jax.experimental.pallas import tpu_sc as plsc

F32 = jnp.float32
_LN_EPS = 1e-5


def _ln(x, g, b):
    m = jnp.mean(x, axis=-1, keepdims=True)
    v = jnp.mean(x * x, axis=-1, keepdims=True) - m * m
    return (x - m) * lax.rsqrt(v + _LN_EPS) * g + b


def _dot(a, b):
    return lax.dot_general(a, b, (((1,), (0,)), ((), ())),
                           preferred_element_type=F32)


def _dot_t(a, b):
    return lax.dot_general(a, b, (((1,), (1,)), ((), ())),
                           preferred_element_type=F32)


def _gelu_exact(x):
    return x * 0.5 * (1.0 + lax.erf(x * (2.0 ** -0.5)))


def _geglu(x, w1, b1, w2, b2):
    h = _dot(x, w1) + b1
    half = h.shape[-1] // 2
    return _dot(h[:, :half] * _gelu_exact(h[:, half:]), w2) + b2


def _largest_chunk(n, cap, mult=8):
    best = mult
    for d in range(mult, cap + 1, mult):
        if n % d == 0:
            best = d
    return best


def _k1_body(nl, nch, in_dim, d_ref, lat_ref, cag_ref, cab_ref, caq_ref,
             wg_ref, msub_ref, tb_ref, wo_ref, bo_ref, o_ref,
             a1s, qauxs, ms, ls, acc):
    c = pl.program_id(1)

    @pl.when(c == 0)
    def _init():
        xn = _ln(lat_ref[...], cag_ref[...], cab_ref[...])
        q = _dot(xn, caq_ref[...]) * 0.125
        qt = _dot_t(q, wg_ref[:, :64])
        qm = _dot_t(q, msub_ref[:, :64])
        qk0 = _dot_t(q, tb_ref[:, :64])
        a1s[0:nl] = qt - qm * (1.0 / in_dim)
        a1s[nl:nl + 1] = jnp.ones((1, qt.shape[-1]), F32)
        a1s[nl + 1:] = jnp.zeros((7, qt.shape[-1]), F32)
        qauxs[...] = jnp.broadcast_to(qk0, (nl, 8))
        ms[...] = jnp.full((nl, 1), -jnp.inf, F32)
        ls[...] = jnp.zeros((nl, 1), F32)
        acc[...] = jnp.zeros((nl, 64), F32)

    d = d_ref[0]
    s = _dot_t(a1s[...], d)
    rs1 = s[nl:nl + 1]
    rs2 = _dot_t(jnp.ones((1, d.shape[-1]), F32), d * d)
    mu = rs1 * (1.0 / in_dim)
    var = rs2 * (1.0 / in_dim) - mu * mu
    rstd = lax.rsqrt(var + _LN_EPS)
    sim = rstd * s[0:nl] + qauxs[:, 0:1]
    m_new = jnp.maximum(ms[...], jnp.max(sim, axis=-1, keepdims=True))
    p = jnp.exp(sim - m_new)
    alpha = jnp.exp(ms[...] - m_new)
    pr = p * rstd
    gm = _dot(pr, d)
    lsum = _dot_t(p, jnp.ones((1, p.shape[-1]), F32))
    prm = _dot_t(pr, mu)
    contrib = _dot(gm, wg_ref[:, 64:]) - prm * msub_ref[:, 64:] \
        + lsum * tb_ref[:, 64:]
    ls[...] = ls[...] * alpha + lsum
    acc[...] = acc[...] * alpha + contrib
    ms[...] = m_new

    @pl.when(c == nch - 1)
    def _fin():
        out = acc[...] / ls[...]
        o_ref[0] = _dot(out, wo_ref[...]) + bo_ref[...] + lat_ref[...]


def _k2_body(bsz, nl, x1_ref, cffg_ref, cffb_ref, w1_ref, b1_ref, w2_ref,
             b2_ref, rag_ref, rab_ref, raq_ref, raq2e_ref,
             x2_ref, qra_ref, e_ref):
    x1 = x1_ref[...]
    x2 = x1 + _geglu(_ln(x1, cffg_ref[...], cffb_ref[...]),
                     w1_ref[...], b1_ref[...], w2_ref[...], b2_ref[...])
    xn2 = _ln(x2, rag_ref[...], rab_ref[...])
    qra = _dot(xn2, raq_ref[...])
    x2_ref[...] = x2
    qra_ref[...] = qra
    rows = jnp.concatenate([qra[i * nl:i * nl + 1] for i in range(bsz)], 0)
    e_ref[...] = _dot(rows, raq2e_ref[...])


def _k3_body(chr_, nbuf, buf_ref, e_ref, rag_ref, rab_ref, sout_ref,
             sc_ref, w_ref):
    c = pl.program_id(1)

    @pl.when(c == 0)
    def _init():
        e_row = e_ref[0]
        g = rag_ref[...]
        b = rab_ref[...]
        dh = e_row.shape[-1]
        lane = lax.broadcasted_iota(jnp.int32, (1, g.shape[-1]), 1)
        hmask = (lane < dh).astype(F32)
        e_pad = jnp.concatenate(
            [e_row, jnp.zeros((1, g.shape[-1] - dh), F32)], axis=1)
        g2h = g * g * hmask
        gbe = g * (b - e_pad) * hmask
        w_ref[0:1] = jnp.ones((1, g.shape[-1]), F32)
        w_ref[1:2] = g2h
        w_ref[2:3] = gbe
        sc_ref[0] = jnp.sum(g2h)
        sc_ref[1] = jnp.sum(gbe)
        sc_ref[2] = jnp.sum((b - e_pad) * (b - e_pad) * hmask)

    x = buf_ref[0]
    xx = x * x
    r1 = _dot_t(w_ref[0:3], x)
    r2 = _dot_t(w_ref[0:2], xx)
    inv_d = 1.0 / x.shape[-1]
    m = r1[0:1] * inv_d
    bv = r1[1:2]
    cv = r1[2:3]
    var = r2[0:1] * inv_d - m * m
    av = r2[1:2]
    irv = 1.0 / (var + _LN_EPS)
    rstd = lax.rsqrt(var + _LN_EPS)
    score = irv * (av - 2.0 * m * bv + m * m * sc_ref[0]) \
        + 2.0 * rstd * (cv - m * sc_ref[1]) + sc_ref[2]

    iota = lax.broadcasted_iota(jnp.int32, (1, chr_), 1)
    valid = (iota + c * chr_) < nbuf
    sout_ref[...] = jnp.where(valid, score, jnp.inf).reshape(1, 1, 1, chr_)


def _sc_topk_gather(bsz, nbuf, spad, dbuf, scores, buf, interpret=False):
    shard = spad // 32
    nsteps = shard // 16
    inf = jnp.float32(jnp.inf)
    big_i = jnp.int32(2 ** 30)

    def _lane_update(carry, v, vi):
        b1v, b1i, b2v, b2i = carry
        l1 = v < b1v
        l2 = v < b2v
        n2v = jnp.where(l1, b1v, jnp.where(l2, v, b2v))
        n2i = jnp.where(l1, b1i, jnp.where(l2, vi, b2i))
        n1v = jnp.where(l1, v, b1v)
        n1i = jnp.where(l1, vi, b1i)
        return n1v, n1i, n2v, n2i

    gdn = lax.GatherDimensionNumbers(offset_dims=(), collapsed_slice_dims=(0,),
                                     start_index_map=(0,))

    def _perm(x, idx):
        return lax.gather(x, idx[:, None], gdn, (1,),
                          mode=lax.GatherScatterMode.PROMISE_IN_BOUNDS)

    def _bfly_min(x):
        lanes_c = lax.broadcasted_iota(jnp.int32, (16,), 0)
        for sh in (1, 2, 4, 8):
            x = jnp.minimum(x, _perm(x, lanes_c ^ sh))
        return x

    def _cross_lane_top2(b1v, b1i, b2v, b2i):
        m1s = _bfly_min(b1v)
        i1s = _bfly_min(jnp.where(b1v == m1s, b1i, big_i))
        c2v = jnp.where(b1i == i1s, inf, b1v)
        m2s = jnp.minimum(_bfly_min(c2v), _bfly_min(b2v))
        i2s = jnp.minimum(_bfly_min(jnp.where(c2v == m2s, b1i, big_i)),
                          _bfly_min(jnp.where(b2v == m2s, b2i, big_i)))
        return m1s, i1s, m2s, i2s

    shard16 = spad // 16
    nsteps = shard16 // 16
    nb_sc = -(-bsz // 2)

    @functools.partial(
        pl.kernel,
        mesh=plsc.VectorSubcoreMesh(core_axis_name="c", subcore_axis_name="s"),
        out_type=[jax.ShapeDtypeStruct((nb_sc, 2, 16, 16), F32),
                  jax.ShapeDtypeStruct((nb_sc, 2, 16, 16), jnp.int32)],
        scratch_types=[
            pltpu.VMEM((shard16,), F32),
            pltpu.VMEM((16,), F32),
            pltpu.VMEM((16,), jnp.int32),
        ],
        interpret=interpret,
    )
    def _stage_a(scores_hbm, cv_hbm, ci_hbm, sc_v, cv_v, ci_v):
        cid = lax.axis_index("c")
        sid = lax.axis_index("s")
        base = sid * shard16
        lanes = lax.broadcasted_iota(jnp.int32, (16,), 0)
        for slot in range(nb_sc):
            b_eff = jnp.minimum(2 * slot + cid, bsz - 1)
            pltpu.sync_copy(
                scores_hbm.at[pl.ds(b_eff * spad + base, shard16)], sc_v)

            def step(j, carry):
                v = sc_v[pl.ds(j * 16, 16)]
                vi = lanes + (j * 16 + base)
                return _lane_update(carry, v, vi)

            init = (jnp.full((16,), inf, F32), jnp.zeros((16,), jnp.int32),
                    jnp.full((16,), inf, F32), jnp.zeros((16,), jnp.int32))
            b1v, b1i, b2v, b2i = lax.fori_loop(0, nsteps, step, init)
            m1s, i1s, m2s, i2s = _cross_lane_top2(b1v, b1i, b2v, b2i)
            cv_v[...] = jnp.where(lanes == 0, m1s,
                                  jnp.where(lanes == 1, m2s,
                                            jnp.full((16,), inf, F32)))
            ci_v[...] = jnp.where(lanes == 0, i1s,
                                  jnp.where(lanes == 1, i2s,
                                            jnp.zeros((16,), jnp.int32)))
            pltpu.sync_copy(cv_v, cv_hbm.at[slot, cid, sid])
            pltpu.sync_copy(ci_v, ci_hbm.at[slot, cid, sid])

    cvals, cidx = _stage_a(scores)

    @functools.partial(
        pl.kernel,
        mesh=plsc.VectorSubcoreMesh(core_axis_name="c", subcore_axis_name="s"),
        out_type=jax.ShapeDtypeStruct((bsz, 16, dbuf), F32),
        scratch_types=[
            pltpu.VMEM((16, 16), F32),
            pltpu.VMEM((16, 16), jnp.int32),
            pltpu.VMEM((16,), jnp.int32),
            pltpu.VMEM((16, dbuf), F32),
            pltpu.SemaphoreType.DMA,
        ],
        interpret=interpret,
    )
    def _stage_b(cv_hbm, ci_hbm, buf_hbm, out_hbm, mv_v, mi_v, gi_v,
                 rows_v, sem):
        cid = lax.axis_index("c")
        sid = lax.axis_index("s")
        lanes = lax.broadcasted_iota(jnp.int32, (16,), 0)
        bfin = 2 * sid + cid
        is_fin = (sid < nb_sc) & (bfin < bsz)
        slot_safe = jnp.minimum(sid, nb_sc - 1)
        bfin_safe = jnp.minimum(bfin, bsz - 1)

        pltpu.sync_copy(cv_hbm.at[slot_safe, cid], mv_v)
        pltpu.sync_copy(ci_hbm.at[slot_safe, cid], mi_v)

        carry = (jnp.full((16,), inf, F32), jnp.zeros((16,), jnp.int32),
                 jnp.full((16,), inf, F32), jnp.zeros((16,), jnp.int32))
        for j in range(16):
            carry = _lane_update(carry, mv_v[j], mi_v[j])
        _, fi1s, _, fi2s = _cross_lane_top2(*carry)
        fi = jnp.where(lanes == 1, fi2s, fi1s)
        fi = jnp.minimum(jnp.maximum(fi, 0), nbuf - 1)
        gi_v[...] = fi + bfin_safe * nbuf

        pltpu.async_copy(buf_hbm.at[gi_v], rows_v, sem).wait()

        @pl.when(is_fin)
        def _out():
            pltpu.sync_copy(rows_v, out_hbm.at[bfin_safe])

    rows = _stage_b(cvals, cidx, buf.reshape(bsz * nbuf, dbuf))
    return rows[:, :2]


def _k4_body(nl, x2_ref, qra_ref, rows_ref, rag_ref, rab_ref, rak_ref,
             rav_ref, raow_ref, raob_ref, lag_ref, lab_ref, laq_ref,
             lakv_ref, laow_ref, laob_ref, lffg_ref, lffb_ref, lw1_ref,
             lb1_ref, lw2_ref, lb2_ref, fg_ref, fb_ref, hw_ref, hb_ref,
             o_ref):
    rn = _ln(rows_ref[0], rag_ref[...], rab_ref[...])
    reps, labels = rn[:, :64], rn[:, 64:]
    k2 = _dot(labels, rak_ref[...])
    v2 = _dot(reps, rav_ref[...])
    q = qra_ref[0]
    sim = _dot_t(q, k2) * 0.125
    mx = jnp.max(sim, axis=-1, keepdims=True)
    p = jnp.exp(sim - mx)
    attn = p / jnp.sum(p, axis=-1, keepdims=True)
    out = _dot(attn, v2)
    x3 = _dot(out, raow_ref[...]) + raob_ref[...] + x2_ref[0]

    xn3 = _ln(x3, lag_ref[...], lab_ref[...])
    qq = _dot(xn3, laq_ref[...])
    kvv = _dot(xn3, lakv_ref[...])
    dm = qq.shape[-1]
    kk, vv = kvv[:, :dm], kvv[:, dm:]
    heads, dh = 8, 32
    outs = []
    scale = dh ** -0.5
    for h in range(heads):
        sl = slice(h * dh, (h + 1) * dh)
        s = _dot_t(qq[:, sl], kk[:, sl]) * scale
        smx = jnp.max(s, axis=-1, keepdims=True)
        ps = jnp.exp(s - smx)
        a = ps / jnp.sum(ps, axis=-1, keepdims=True)
        outs.append(_dot(a, vv[:, sl]))
    att = jnp.concatenate(outs, axis=-1)
    x4 = _dot(att, laow_ref[...]) + laob_ref[...] + x3
    x5 = x4 + _geglu(_ln(x4, lffg_ref[...], lffb_ref[...]), lw1_ref[...],
                     lb1_ref[...], lw2_ref[...], lb2_ref[...])
    pooled = jnp.mean(x5, axis=0, keepdims=True)
    pn = _ln(pooled, fg_ref[...], fb_ref[...])
    o_ref[0] = _dot(pn, hw_ref[...]) + hb_ref[...]


def _full(shape):
    nd = len(shape)
    return pl.BlockSpec(shape, lambda b, c=0, _nd=nd: (0,) * _nd)


def _fourier_enc(h, w, max_freq=10.0, num_bands=6):
    pos = jnp.stack(jnp.meshgrid(jnp.linspace(-1.0, 1.0, h),
                                 jnp.linspace(-1.0, 1.0, w),
                                 indexing='ij'), axis=-1)
    x = pos[..., None]
    scales = jnp.linspace(1.0, max_freq / 2, num_bands, dtype=F32)
    xs = x * scales * jnp.pi
    enc = jnp.concatenate([jnp.sin(xs), jnp.cos(xs), x], axis=-1)
    return enc.reshape(h, w, -1)


def kernel(data, retrieval_buffer, params, interpret=False):
    p = params
    bsz, h, w, cch = data.shape
    n_tok = h * w
    nbuf, dbuf = retrieval_buffer.shape[1], retrieval_buffer.shape[2]
    nl, ld = p['latents'].shape

    enc = _fourier_enc(h, w)
    in_dim = cch + enc.shape[-1]
    in_pad = 32
    d_full = jnp.concatenate(
        [data.reshape(bsz, n_tok, cch),
         jnp.broadcast_to(enc.reshape(1, n_tok, enc.shape[-1]),
                          (bsz, n_tok, enc.shape[-1])),
         jnp.zeros((bsz, n_tok, in_pad - in_dim), F32)], axis=-1)

    g, b = p['ca_ctx_norm_g'], p['ca_ctx_norm_b']
    wkv = p['ca_kv']
    wg = jnp.pad(wkv * g[:, None], ((0, in_pad - in_dim), (0, 0)))
    msub = jnp.sum(wg, axis=0)[None]
    tb = (b @ wkv)[None]

    row = lambda t: t[None]

    ch = _largest_chunk(n_tok, 6272)
    nch = n_tok // ch
    x1 = pl.pallas_call(
        functools.partial(_k1_body, nl, nch, float(in_dim)),
        grid=(bsz, nch),
        in_specs=[
            pl.BlockSpec((1, ch, in_pad), lambda b_, c: (b_, c, 0)),
            _full((nl, ld)), _full((1, ld)), _full((1, ld)),
            _full((ld, 64)), _full((in_pad, 128)), _full((1, 128)),
            _full((1, 128)), _full((64, ld)), _full((1, ld)),
        ],
        out_specs=pl.BlockSpec((1, nl, ld), lambda b_, c: (b_, 0, 0)),
        out_shape=jax.ShapeDtypeStruct((bsz, nl, ld), F32),
        scratch_shapes=[pltpu.VMEM((nl + 8, 32), F32),
                        pltpu.VMEM((nl, 8), F32), pltpu.VMEM((nl, 1), F32),
                        pltpu.VMEM((nl, 1), F32), pltpu.VMEM((nl, 64), F32)],
        interpret=interpret,
    )(d_full, p['latents'], row(p['ca_norm_g']), row(p['ca_norm_b']),
      p['ca_q'], wg, msub, tb, p['ca_out_w'], row(p['ca_out_b']))

    x1f = x1.reshape(bsz * nl, ld)
    x2f, qraf, e4 = pl.pallas_call(
        functools.partial(_k2_body, bsz, nl),
        grid=(1,),
        in_specs=[
            _full((bsz * nl, ld)), _full((1, ld)), _full((1, ld)),
            _full((ld, 8 * ld)), _full((1, 8 * ld)), _full((4 * ld, ld)),
            _full((1, ld)), _full((1, ld)), _full((1, ld)),
            _full((ld, 64)), _full((64, 64)),
        ],
        out_specs=[_full((bsz * nl, ld)), _full((bsz * nl, 64)),
                   _full((bsz, 64))],
        out_shape=[jax.ShapeDtypeStruct((bsz * nl, ld), F32),
                   jax.ShapeDtypeStruct((bsz * nl, 64), F32),
                   jax.ShapeDtypeStruct((bsz, 64), F32)],
        interpret=interpret,
    )(x1f, row(p['cff_norm_g']), row(p['cff_norm_b']), p['cff_w1'],
      row(p['cff_b1']), p['cff_w2'], row(p['cff_b2']), row(p['ra_norm_g']),
      row(p['ra_norm_b']), p['ra_q'], p['ra_q2e'])

    spad = -(-nbuf // 512) * 512
    chr_ = _largest_chunk(spad, 4096)
    nchr = spad // chr_
    scores = pl.pallas_call(
        functools.partial(_k3_body, chr_, nbuf),
        grid=(bsz, nchr),
        in_specs=[
            pl.BlockSpec((1, chr_, dbuf), lambda b_, c: (b_, c, 0)),
            pl.BlockSpec((1, 1, 64), lambda b_, c: (b_, 0, 0)),
            _full((1, dbuf)), _full((1, dbuf)),
        ],
        out_specs=pl.BlockSpec((1, 1, 1, chr_), lambda b_, c: (b_, c, 0, 0)),
        out_shape=jax.ShapeDtypeStruct((bsz, nchr, 1, chr_), F32),
        scratch_shapes=[pltpu.SMEM((3,), F32), pltpu.VMEM((3, 128), F32)],
        interpret=interpret,
    )(retrieval_buffer, e4.reshape(bsz, 1, 64), row(p['ra_ctx_norm_g']),
      row(p['ra_ctx_norm_b']))
    scores = scores.reshape(bsz * spad)

    gathered = _sc_topk_gather(bsz, nbuf, spad, dbuf, scores,
                               retrieval_buffer, interpret=interpret)

    out = pl.pallas_call(
        functools.partial(_k4_body, nl),
        grid=(bsz,),
        in_specs=[
            pl.BlockSpec((1, nl, ld), lambda b_: (b_, 0, 0)),
            pl.BlockSpec((1, nl, 64), lambda b_: (b_, 0, 0)),
            pl.BlockSpec((1, 2, dbuf), lambda b_: (b_, 0, 0)),
            _full((1, dbuf)), _full((1, dbuf)), _full((64, 64)),
            _full((64, 64)), _full((64, ld)), _full((1, ld)),
            _full((1, ld)), _full((1, ld)), _full((ld, ld)),
            _full((ld, 2 * ld)), _full((ld, ld)), _full((1, ld)),
            _full((1, ld)), _full((1, ld)), _full((ld, 8 * ld)),
            _full((1, 8 * ld)), _full((4 * ld, ld)), _full((1, ld)),
            _full((1, ld)), _full((1, ld)), _full((ld, 1000)),
            _full((1, 1000)),
        ],
        out_specs=pl.BlockSpec((1, 1, 1000), lambda b_: (b_, 0, 0)),
        out_shape=jax.ShapeDtypeStruct((bsz, 1, 1000), F32),
        interpret=interpret,
    )(x2f.reshape(bsz, nl, ld), qraf.reshape(bsz, nl, 64), gathered,
      row(p['ra_ctx_norm_g']), row(p['ra_ctx_norm_b']), p['ra_k'], p['ra_v'],
      p['ra_out_w'], row(p['ra_out_b']), row(p['la_norm_g']),
      row(p['la_norm_b']), p['la_q'], p['la_kv'], p['la_out_w'],
      row(p['la_out_b']), row(p['lff_norm_g']), row(p['lff_norm_b']),
      p['lff_w1'], row(p['lff_b1']), p['lff_w2'], row(p['lff_b2']),
      row(p['final_norm_g']), row(p['final_norm_b']), p['head_w'],
      row(p['head_b']))
    return out.reshape(bsz, 1000)

# --- scband reference (transcript-rebuilt; emitter-appended) ---
"""Pipeline reference for scband-perceiver-retriever-51135880626371 (READ-ONLY COPY).

The authoritative reference and input builder live on the scoring server;
editing this copy changes nothing except your own understanding.
"""

import jax, jax.numpy as jnp
import numpy as np

B, H, W, C = 4, 224, 224, 3
NBUF, DREPS, DLAB = 100000, 64, 64
DBUF = DREPS + DLAB
NUM_FREQ_BANDS = 6
MAX_FREQ = 10.0
NUM_LATENTS = 64
LATENT_DIM = 256
CROSS_HEADS, CROSS_DIM_HEAD = 1, 64
LATENT_HEADS, LATENT_DIM_HEAD = 8, 32
NUM_CLASSES = 1000
TOPK = 2
INPUT_DIM = C + 2 * (2 * NUM_FREQ_BANDS + 1)

def _p(k, *shape):
    return jax.random.normal(k, shape, dtype=jnp.float32) * 0.02

def setup_inputs(seed: int = 0):
    key = jax.random.key(seed)
    ks = jax.random.split(key, 24)
    data = jax.random.normal(ks[0], (B, H, W, C), dtype=jnp.float32)
    retrieval_buffer = jax.random.normal(ks[1], (B, NBUF, DBUF), dtype=jnp.float32)
    ci = CROSS_HEADS * CROSS_DIM_HEAD
    li = LATENT_HEADS * LATENT_DIM_HEAD
    params = {
        'latents': _p(ks[2], NUM_LATENTS, LATENT_DIM),
        'ca_norm_g': jnp.ones((LATENT_DIM,), jnp.float32), 'ca_norm_b': jnp.zeros((LATENT_DIM,), jnp.float32),
        'ca_ctx_norm_g': jnp.ones((INPUT_DIM,), jnp.float32), 'ca_ctx_norm_b': jnp.zeros((INPUT_DIM,), jnp.float32),
        'ca_q': _p(ks[3], LATENT_DIM, ci), 'ca_kv': _p(ks[4], INPUT_DIM, 2 * ci),
        'ca_out_w': _p(ks[5], ci, LATENT_DIM), 'ca_out_b': jnp.zeros((LATENT_DIM,), jnp.float32),
        'cff_norm_g': jnp.ones((LATENT_DIM,), jnp.float32), 'cff_norm_b': jnp.zeros((LATENT_DIM,), jnp.float32),
        'cff_w1': _p(ks[6], LATENT_DIM, LATENT_DIM * 8), 'cff_b1': jnp.zeros((LATENT_DIM * 8,), jnp.float32),
        'cff_w2': _p(ks[7], LATENT_DIM * 4, LATENT_DIM), 'cff_b2': jnp.zeros((LATENT_DIM,), jnp.float32),
        'ra_norm_g': jnp.ones((LATENT_DIM,), jnp.float32), 'ra_norm_b': jnp.zeros((LATENT_DIM,), jnp.float32),
        'ra_ctx_norm_g': jnp.ones((DBUF,), jnp.float32), 'ra_ctx_norm_b': jnp.zeros((DBUF,), jnp.float32),
        'ra_q': _p(ks[8], LATENT_DIM, ci), 'ra_k': _p(ks[9], DLAB, ci), 'ra_v': _p(ks[10], DREPS, ci),
        'ra_q2e': _p(ks[11], ci, DREPS),
        'ra_out_w': _p(ks[12], ci, LATENT_DIM), 'ra_out_b': jnp.zeros((LATENT_DIM,), jnp.float32),
        'la_norm_g': jnp.ones((LATENT_DIM,), jnp.float32), 'la_norm_b': jnp.zeros((LATENT_DIM,), jnp.float32),
        'la_q': _p(ks[13], LATENT_DIM, li), 'la_kv': _p(ks[14], LATENT_DIM, 2 * li),
        'la_out_w': _p(ks[15], li, LATENT_DIM), 'la_out_b': jnp.zeros((LATENT_DIM,), jnp.float32),
        'lff_norm_g': jnp.ones((LATENT_DIM,), jnp.float32), 'lff_norm_b': jnp.zeros((LATENT_DIM,), jnp.float32),
        'lff_w1': _p(ks[16], LATENT_DIM, LATENT_DIM * 8), 'lff_b1': jnp.zeros((LATENT_DIM * 8,), jnp.float32),
        'lff_w2': _p(ks[17], LATENT_DIM * 4, LATENT_DIM), 'lff_b2': jnp.zeros((LATENT_DIM,), jnp.float32),
        'final_norm_g': jnp.ones((LATENT_DIM,), jnp.float32), 'final_norm_b': jnp.zeros((LATENT_DIM,), jnp.float32),
        'head_w': _p(ks[18], LATENT_DIM, NUM_CLASSES), 'head_b': jnp.zeros((NUM_CLASSES,), jnp.float32),
    }
    return {'data': data, 'retrieval_buffer': retrieval_buffer, 'params': params}

def layer_norm(x, g, b):
    m = jnp.mean(x, axis=-1, keepdims=True)
    v = jnp.var(x, axis=-1, keepdims=True)
    return (x - m) / jnp.sqrt(v + 1e-5) * g + b

def fourier_encode(x, max_freq, num_bands):
    x = x[..., None]
    scales = jnp.linspace(1.0, max_freq / 2, num_bands, dtype=x.dtype)
    xs = x * scales * jnp.pi
    return jnp.concatenate([jnp.sin(xs), jnp.cos(xs), x], axis=-1)

def mh_attention(x, ctx, wq, wkv, wo, bo, heads, dim_head):
    b, n, _ = x.shape
    q = x @ wq
    kv = ctx @ wkv
    k, v = jnp.split(kv, 2, axis=-1)
    def split_heads(t):
        return t.reshape(t.shape[0], t.shape[1], heads, dim_head).transpose(0, 2, 1, 3)
    q, k, v = split_heads(q), split_heads(k), split_heads(v)
    sim = jnp.einsum('bhid,bhjd->bhij', q, k) * (dim_head ** -0.5)
    attn = jax.nn.softmax(sim, axis=-1)
    out = jnp.einsum('bhij,bhjd->bhid', attn, v)
    out = out.transpose(0, 2, 1, 3).reshape(b, n, heads * dim_head)
    return out @ wo + bo

def geglu_ff(x, w1, b1, w2, b2):
    h = x @ w1 + b1
    a, g = jnp.split(h, 2, axis=-1)
    return (a * jax.nn.gelu(g, approximate=False)) @ w2 + b2

def retrieval_attention(x, ctx, p):
    b, n, _ = x.shape
    q = x @ p['ra_q']
    emb = q @ p['ra_q2e']
    # faithful to torch: retrieve_nearest_neighbors always uses embedding[:, 0, :]
    input_reps = emb[:, 0, :]
    buffer_reps = ctx[..., :DREPS]
    dist = jnp.linalg.norm(buffer_reps - input_reps[:, None, :], axis=-1)
    _, idx = jax.lax.top_k(-dist, TOPK)  # smallest distances
    gathered = jnp.take_along_axis(ctx, idx[:, :, None], axis=1)  # [b, topk, DBUF]
    retrieved = jnp.broadcast_to(gathered[:, None, :, :], (b, n, TOPK, ctx.shape[-1]))
    reps = retrieved[..., :DREPS]
    labels = retrieved[..., DREPS:]
    k = labels @ p['ra_k']  # reps_for_v: k from labels
    v = reps @ p['ra_v']    # v from reps
    sim = jnp.einsum('bid,bijd->bij', q, k) * (CROSS_DIM_HEAD ** -0.5)
    attn = jax.nn.softmax(sim, axis=-1)
    out = jnp.einsum('bij,bijd->bid', attn, v)
    return out @ p['ra_out_w'] + p['ra_out_b']

def forward(data, retrieval_buffer, p):
    b, h, w, c = data.shape
    pos = jnp.stack(jnp.meshgrid(jnp.linspace(-1.0, 1.0, h), jnp.linspace(-1.0, 1.0, w), indexing='ij'), axis=-1)
    enc = fourier_encode(pos, MAX_FREQ, NUM_FREQ_BANDS).reshape(h, w, -1)
    enc = jnp.broadcast_to(enc[None], (b,) + enc.shape)
    d = jnp.concatenate([data, enc], axis=-1).reshape(b, h * w, -1)
    x = jnp.broadcast_to(p['latents'][None], (b, NUM_LATENTS, LATENT_DIM))
    xn = layer_norm(x, p['ca_norm_g'], p['ca_norm_b'])
    dn = layer_norm(d, p['ca_ctx_norm_g'], p['ca_ctx_norm_b'])
    x = mh_attention(xn, dn, p['ca_q'], p['ca_kv'], p['ca_out_w'], p['ca_out_b'], CROSS_HEADS, CROSS_DIM_HEAD) + x
    x = geglu_ff(layer_norm(x, p['cff_norm_g'], p['cff_norm_b']), p['cff_w1'], p['cff_b1'], p['cff_w2'], p['cff_b2']) + x
    xn = layer_norm(x, p['ra_norm_g'], p['ra_norm_b'])
    bn = layer_norm(retrieval_buffer, p['ra_ctx_norm_g'], p['ra_ctx_norm_b'])
    x = retrieval_attention(xn, bn, p) + x
    xn = layer_norm(x, p['la_norm_g'], p['la_norm_b'])
    x = mh_attention(xn, xn, p['la_q'], p['la_kv'], p['la_out_w'], p['la_out_b'], LATENT_HEADS, LATENT_DIM_HEAD) + x
    x = geglu_ff(layer_norm(x, p['lff_norm_g'], p['lff_norm_b']), p['lff_w1'], p['lff_b1'], p['lff_w2'], p['lff_b2']) + x
    x = jnp.mean(x, axis=1)
    x = layer_norm(x, p['final_norm_g'], p['final_norm_b'])
    return x @ p['head_w'] + p['head_b']

def reference(data, retrieval_buffer, params):
    return forward(data, retrieval_buffer, params)

if __name__ == "__main__":
    import jax
    _d = setup_inputs()
    print(jax.jit(kernel)(*tuple(_d.values())))

</pallas_src>

<mosaic_0001>
#map = affine_map<(d0, d1) -> (0, 0, 0, 0)>
#map1 = affine_map<(d0, d1) -> (0, 0)>
#map2 = affine_map<(d0, d1) -> (0)>
#map3 = affine_map<(d0, d1) -> (0, 0, 0)>
module attributes {stable_mosaic.version = 14 : i64} {
  func.func @_rewritten_body(%arg0: i32, %arg1: i32, %arg2: memref<2x2x16x16xf32, #tpu.memory_space<hbm>>, %arg3: memref<2x2x16x16xi32, #tpu.memory_space<hbm>>, %arg4: memref<400000x128xf32, #tpu.memory_space<hbm>>, %arg5: memref<1xf32, #tpu.memory_space<hbm>>, %arg6: memref<1xi32, #tpu.memory_space<hbm>>, %arg7: memref<4x16x128xf32, #tpu.memory_space<hbm>>, %arg8: memref<16x16xf32, #tpu.memory_space<vmem>>, %arg9: memref<16x16xi32, #tpu.memory_space<vmem>>, %arg10: memref<16xi32, #tpu.memory_space<vmem>>, %arg11: memref<16x128xf32, #tpu.memory_space<vmem>>, %arg12: memref<!tpu.dma_semaphore, #tpu.memory_space<semaphore_mem>>) attributes {dimension_semantics = [#tpu.dimension_semantics<core_parallel>, #tpu.dimension_semantics<subcore_parallel>], iteration_bounds = array<i64: 2, 16>, scalar_prefetch = 0 : i64, scratch_operands = 5 : i64, tpu.core_type = #tpu.core_type<sc_vector_subcore>, window_params = [{transform_indices = #map}, {transform_indices = #map}, {transform_indices = #map1}, {transform_indices = #map2}, {transform_indices = #map2}, {transform_indices = #map3}]} {
    %empty_ref3A = memref.alloca() : memref<16xf32, #tpu.memory_space<vmem>>
    %empty_ref3A_0 = memref.alloca() : memref<16xi32, #tpu.memory_space<vmem>>
    "tpu.region"() ({
      %run_scoped3A = tpu.sem_alloc : memref<!tpu.dma_semaphore, #tpu.memory_space<semaphore_mem>>
      %dma_start3A_513 = arith.constant 0 : i32
      %dma_start3A_514 = tpu.memref_slice %empty_ref3A[%dma_start3A_513] : memref<16xf32, #tpu.memory_space<vmem>> -> memref<1xf32, #tpu.memory_space<vmem>>
      %dma_start3A_515 = arith.constant 0 : i32
      %dma_start3A_516 = tpu.memref_slice %empty_ref3A[%dma_start3A_515] : memref<16xf32, #tpu.memory_space<vmem>> -> memref<1xf32, #tpu.memory_space<vmem>>
      tpu.enqueue_dma source(%arg5 : memref<1xf32, #tpu.memory_space<hbm>>) target(%dma_start3A_516 : memref<1xf32, #tpu.memory_space<vmem>>) target_semaphore(%run_scoped3A : memref<!tpu.dma_semaphore, #tpu.memory_space<semaphore_mem>>)
      %dma_start3A_517 = arith.constant 0 : i32
      %dma_start3A_518 = tpu.memref_slice %empty_ref3A_0[%dma_start3A_517] : memref<16xi32, #tpu.memory_space<vmem>> -> memref<1xi32, #tpu.memory_space<vmem>>
      %dma_start3A_519 = arith.constant 0 : i32
      %dma_start3A_520 = tpu.memref_slice %empty_ref3A_0[%dma_start3A_519] : memref<16xi32, #tpu.memory_space<vmem>> -> memref<1xi32, #tpu.memory_space<vmem>>
      tpu.enqueue_dma source(%arg6 : memref<1xi32, #tpu.memory_space<hbm>>) target(%dma_start3A_520 : memref<1xi32, #tpu.memory_space<vmem>>) target_semaphore(%run_scoped3A : memref<!tpu.dma_semaphore, #tpu.memory_space<semaphore_mem>>)
      %dma_wait3A_521 = arith.constant 0 : i32
      %dma_wait3A_522 = tpu.memref_slice %empty_ref3A[%dma_wait3A_521] : memref<16xf32, #tpu.memory_space<vmem>> -> memref<1xf32, #tpu.memory_space<vmem>>
      %dma_wait3A_523 = arith.constant 0 : i32
      %dma_wait3A_524 = tpu.memref_slice %empty_ref3A[%dma_wait3A_523] : memref<16xf32, #tpu.memory_space<vmem>> -> memref<1xf32, #tpu.memory_space<vmem>>
      tpu.wait_dma2 semaphore(%run_scoped3A : memref<!tpu.dma_semaphore, #tpu.memory_space<semaphore_mem>>) src(%arg5 : memref<1xf32, #tpu.memory_space<hbm>>) dst(%dma_wait3A_524 : memref<1xf32, #tpu.memory_space<vmem>>)
      %dma_wait3A_525 = arith.constant 0 : i32
      %dma_wait3A_526 = tpu.memref_slice %empty_ref3A_0[%dma_wait3A_525] : memref<16xi32, #tpu.memory_space<vmem>> -> memref<1xi32, #tpu.memory_space<vmem>>
      %dma_wait3A_527 = arith.constant 0 : i32
      %dma_wait3A_528 = tpu.memref_slice %empty_ref3A_0[%dma_wait3A_527] : memref<16xi32, #tpu.memory_space<vmem>> -> memref<1xi32, #tpu.memory_space<vmem>>
      tpu.wait_dma2 semaphore(%run_scoped3A : memref<!tpu.dma_semaphore, #tpu.memory_space<semaphore_mem>>) src(%arg6 : memref<1xi32, #tpu.memory_space<hbm>>) dst(%dma_wait3A_528 : memref<1xi32, #tpu.memory_space<vmem>>)
      tpu.yield
    }) : () -> ()
    %get3A = arith.constant 0 : index
    %get3A_1 = tpu.vector_load %empty_ref3A[%get3A] {strides = array<i32>} : memref<16xf32, #tpu.memory_space<vmem>>, vector<16xf32>,
    %get3A_2 = vector.shape_cast %get3A_1 : vector<16xf32> to vector<16xf32>
    %slice3A = vector.extract_strided_slice %get3A_2 {offsets = [0], sizes = [1], strides = [1]} : vector<16xf32> to vector<1xf32>
    %squeeze3A = vector.extract %slice3A[0] : f32 from vector<1xf32>
    %get3A_3 = arith.constant 0 : index
    %get3A_4 = tpu.vector_load %empty_ref3A_0[%get3A_3] {strides = array<i32>} : memref<16xi32, #tpu.memory_space<vmem>>, vector<16xi32>,
    %get3A_5 = vector.shape_cast %get3A_4 : vector<16xi32> to vector<16xi32>
    %slice3A_6 = vector.extract_strided_slice %get3A_5 {offsets = [0], sizes = [1], strides = [1]} : vector<16xi32> to vector<1xi32>
    %squeeze3A_7 = vector.extract %slice3A_6[0] : i32 from vector<1xi32>
    %iota3A = tpu.iota {dimensions = array<i32: 0>} : vector<16xi32>
    %mul3A = arith.constant 2 : i32
    %mul3A_8 = arith.muli %mul3A, %arg1 : i32
    %add3A = arith.addi %mul3A_8, %arg0 : i32
    %lt3A = arith.constant 2 : i32
    %lt3A_9 = arith.cmpi slt, %arg1, %lt3A : i32
    %lt3A_10 = arith.constant 4 : i32
    %lt3A_11 = arith.cmpi slt, %add3A, %lt3A_10 : i32
    %and3A = arith.andi %lt3A_9, %lt3A_11 : i1
    %min3A = arith.constant 1 : i32
    %min3A_12 = arith.minsi %arg1, %min3A : i32
    %min3A_13 = arith.constant 3 : i32
    %min3A_14 = arith.minsi %add3A, %min3A_13 : i32
    "tpu.region"() ({
      %run_scoped3A = tpu.sem_alloc : memref<!tpu.dma_semaphore, #tpu.memory_space<semaphore_mem>>
      %dma_start3A_513 = arith.constant 0 : i32
      %dma_start3A_514 = arith.constant 0 : i32
      %dma_start3A_515 = tpu.memref_slice %arg2[%min3A_12, %arg0, %dma_start3A_513, %dma_start3A_514] : memref<2x2x16x16xf32, #tpu.memory_space<hbm>> -> memref<1x1x16x16xf32, #tpu.memory_space<hbm>>
      %dma_start3A_516 = tpu.memref_squeeze %dma_start3A_515 : memref<1x1x16x16xf32, #tpu.memory_space<hbm>> -> memref<16x16xf32, #tpu.memory_space<hbm>>
      %dma_start3A_517 = arith.constant 0 : i32
      %dma_start3A_518 = arith.constant 0 : i32
      %dma_start3A_519 = tpu.memref_slice %arg2[%min3A_12, %arg0, %dma_start3A_517, %dma_start3A_518] : memref<2x2x16x16xf32, #tpu.memory_space<hbm>> -> memref<1x1x16x16xf32, #tpu.memory_space<hbm>>
      %dma_start3A_520 = tpu.memref_squeeze %dma_start3A_519 : memref<1x1x16x16xf32, #tpu.memory_space<hbm>> -> memref<16x16xf32, #tpu.memory_space<hbm>>
      tpu.enqueue_dma source(%dma_start3A_520 : memref<16x16xf32, #tpu.memory_space<hbm>>) target(%arg8 : memref<16x16xf32, #tpu.memory_space<vmem>>) target_semaphore(%run_scoped3A : memref<!tpu.dma_semaphore, #tpu.memory_space<semaphore_mem>>)
      %dma_wait3A_521 = arith.constant 0 : i32
      %dma_wait3A_522 = arith.constant 0 : i32
      %dma_wait3A_523 = tpu.memref_slice %arg2[%min3A_12, %arg0, %dma_wait3A_521, %dma_wait3A_522] : memref<2x2x16x16xf32, #tpu.memory_space<hbm>> -> memref<1x1x16x16xf32, #tpu.memory_space<hbm>>
      %dma_wait3A_524 = tpu.memref_squeeze %dma_wait3A_523 : memref<1x1x16x16xf32, #tpu.memory_space<hbm>> -> memref<16x16xf32, #tpu.memory_space<hbm>>
      %dma_wait3A_525 = arith.constant 0 : i32
      %dma_wait3A_526 = arith.constant 0 : i32
      %dma_wait3A_527 = tpu.memref_slice %arg2[%min3A_12, %arg0, %dma_wait3A_525, %dma_wait3A_526] : memref<2x2x16x16xf32, #tpu.memory_space<hbm>> -> memref<1x1x16x16xf32, #tpu.memory_space<hbm>>
      %dma_wait3A_528 = tpu.memref_squeeze %dma_wait3A_527 : memref<1x1x16x16xf32, #tpu.memory_space<hbm>> -> memref<16x16xf32, #tpu.memory_space<hbm>>
      tpu.wait_dma2 semaphore(%run_scoped3A : memref<!tpu.dma_semaphore, #tpu.memory_space<semaphore_mem>>) src(%dma_wait3A_528 : memref<16x16xf32, #tpu.memory_space<hbm>>) dst(%arg8 : memref<16x16xf32, #tpu.memory_space<vmem>>)
      tpu.yield
    }) : () -> ()
    "tpu.region"() ({
      %run_scoped3A = tpu.sem_alloc : memref<!tpu.dma_semaphore, #tpu.memory_space<semaphore_mem>>
      %dma_start3A_513 = arith.constant 0 : i32
      %dma_start3A_514 = arith.constant 0 : i32
      %dma_start3A_515 = tpu.memref_slice %arg3[%min3A_12, %arg0, %dma_start3A_513, %dma_start3A_514] : memref<2x2x16x16xi32, #tpu.memory_space<hbm>> -> memref<1x1x16x16xi32, #tpu.memory_space<hbm>>
      %dma_start3A_516 = tpu.memref_squeeze %dma_start3A_515 : memref<1x1x16x16xi32, #tpu.memory_space<hbm>> -> memref<16x16xi32, #tpu.memory_space<hbm>>
      %dma_start3A_517 = arith.constant 0 : i32
      %dma_start3A_518 = arith.constant 0 : i32
      %dma_start3A_519 = tpu.memref_slice %arg3[%min3A_12, %arg0, %dma_start3A_517, %dma_start3A_518] : memref<2x2x16x16xi32, #tpu.memory_space<hbm>> -> memref<1x1x16x16xi32, #tpu.memory_space<hbm>>
      %dma_start3A_520 = tpu.memref_squeeze %dma_start3A_519 : memref<1x1x16x16xi32, #tpu.memory_space<hbm>> -> memref<16x16xi32, #tpu.memory_space<hbm>>
      tpu.enqueue_dma source(%dma_start3A_520 : memref<16x16xi32, #tpu.memory_space<hbm>>) target(%arg9 : memref<16x16xi32, #tpu.memory_space<vmem>>) target_semaphore(%run_scoped3A : memref<!tpu.dma_semaphore, #tpu.memory_space<semaphore_mem>>)
      %dma_wait3A_521 = arith.constant 0 : i32
      %dma_wait3A_522 = arith.constant 0 : i32
      %dma_wait3A_523 = tpu.memref_slice %arg3[%min3A_12, %arg0, %dma_wait3A_521, %dma_wait3A_522] : memref<2x2x16x16xi32, #tpu.memory_space<hbm>> -> memref<1x1x16x16xi32, #tpu.memory_space<hbm>>
      %dma_wait3A_524 = tpu.memref_squeeze %dma_wait3A_523 : memref<1x1x16x16xi32, #tpu.memory_space<hbm>> -> memref<16x16xi32, #tpu.memory_space<hbm>>
      %dma_wait3A_525 = arith.constant 0 : i32
      %dma_wait3A_526 = arith.constant 0 : i32
      %dma_wait3A_527 = tpu.memref_slice %arg3[%min3A_12, %arg0, %dma_wait3A_525, %dma_wait3A_526] : memref<2x2x16x16xi32, #tpu.memory_space<hbm>> -> memref<1x1x16x16xi32, #tpu.memory_space<hbm>>
      %dma_wait3A_528 = tpu.memref_squeeze %dma_wait3A_527 : memref<1x1x16x16xi32, #tpu.memory_space<hbm>> -> memref<16x16xi32, #tpu.memory_space<hbm>>
      tpu.wait_dma2 semaphore(%run_scoped3A : memref<!tpu.dma_semaphore, #tpu.memory_space<semaphore_mem>>) src(%dma_wait3A_528 : memref<16x16xi32, #tpu.memory_space<hbm>>) dst(%arg9 : memref<16x16xi32, #tpu.memory_space<vmem>>)
      tpu.yield
    }) : () -> ()
    %broadcast_in_dim3A = vector.broadcast %squeeze3A : f32 to vector<16xf32>
    %broadcast_in_dim3A_15 = arith.constant 0 : i32
    %broadcast_in_dim3A_16 = vector.broadcast %broadcast_in_dim3A_15 : i32 to vector<16xi32>
    %broadcast_in_dim3A_17 = vector.broadcast %squeeze3A : f32 to vector<16xf32>
    %broadcast_in_dim3A_18 = arith.constant 0 : i32
    %broadcast_in_dim3A_19 = vector.broadcast %broadcast_in_dim3A_18 : i32 to vector<16xi32>
    %get3A_20 = arith.constant 0 : i32
    %get3A_21 = arith.index_cast %get3A_20 : i32 to index
    %get3A_22 = arith.constant 0 : index
    %get3A_23 = tpu.vector_load %arg8[%get3A_21, %get3A_22] {strides = array<i32>} : memref<16x16xf32, #tpu.memory_space<vmem>>, vector<1x16xf32>,
    %get3A_24 = vector.shape_cast %get3A_23 : vector<1x16xf32> to vector<16xf32>
    %get3A_25 = arith.constant 0 : i32
    %get3A_26 = arith.index_cast %get3A_25 : i32 to index
    %get3A_27 = arith.constant 0 : index
    %get3A_28 = tpu.vector_load %arg9[%get3A_26, %get3A_27] {strides = array<i32>} : memref<16x16xi32, #tpu.memory_space<vmem>>, vector<1x16xi32>,
    %get3A_29 = vector.shape_cast %get3A_28 : vector<1x16xi32> to vector<16xi32>
    %lt3A_30 = arith.cmpf olt, %get3A_24, %broadcast_in_dim3A : vector<16xf32>
    %lt3A_31 = arith.cmpf olt, %get3A_24, %broadcast_in_dim3A_17 : vector<16xf32>
    %select_n3A = arith.select %lt3A_31, %get3A_24, %broadcast_in_dim3A_17 : vector<16xi1>, vector<16xf32>
    %select_n3A_32 = arith.select %lt3A_30, %broadcast_in_dim3A, %select_n3A : vector<16xi1>, vector<16xf32>
    %select_n3A_33 = arith.select %lt3A_31, %get3A_29, %broadcast_in_dim3A_19 : vector<16xi1>, vector<16xi32>
    %select_n3A_34 = arith.select %lt3A_30, %broadcast_in_dim3A_16, %select_n3A_33 : vector<16xi1>, vector<16xi32>
    %select_n3A_35 = arith.select %lt3A_30, %get3A_24, %broadcast_in_dim3A : vector<16xi1>, vector<16xf32>
    %select_n3A_36 = arith.select %lt3A_30, %get3A_29, %broadcast_in_dim3A_16 : vector<16xi1>, vector<16xi32>
    %get3A_37 = arith.constant 1 : i32
    %get3A_38 = arith.index_cast %get3A_37 : i32 to index
    %get3A_39 = arith.constant 0 : index
    %get3A_40 = tpu.vector_load %arg8[%get3A_38, %get3A_39] {strides = array<i32>} : memref<16x16xf32, #tpu.memory_space<vmem>>, vector<1x16xf32>,
    %get3A_41 = vector.shape_cast %get3A_40 : vector<1x16xf32> to vector<16xf32>
    %get3A_42 = arith.constant 1 : i32
    %get3A_43 = arith.index_cast %get3A_42 : i32 to index
    %get3A_44 = arith.constant 0 : index
    %get3A_45 = tpu.vector_load %arg9[%get3A_43, %get3A_44] {strides = array<i32>} : memref<16x16xi32, #tpu.memory_space<vmem>>, vector<1x16xi32>,
    %get3A_46 = vector.shape_cast %get3A_45 : vector<1x16xi32> to vector<16xi32>
    %lt3A_47 = arith.cmpf olt, %get3A_41, %select_n3A_35 : vector<16xf32>
    %lt3A_48 = arith.cmpf olt, %get3A_41, %select_n3A_32 : vector<16xf32>
    %select_n3A_49 = arith.select %lt3A_48, %get3A_41, %select_n3A_32 : vector<16xi1>, vector<16xf32>
    %select_n3A_50 = arith.select %lt3A_47, %select_n3A_35, %select_n3A_49 : vector<16xi1>, vector<16xf32>
    %select_n3A_51 = arith.select %lt3A_48, %get3A_46, %select_n3A_34 : vector<16xi1>, vector<16xi32>
    %select_n3A_52 = arith.select %lt3A_47, %select_n3A_36, %select_n3A_51 : vector<16xi1>, vector<16xi32>
    %select_n3A_53 = arith.select %lt3A_47, %get3A_41, %select_n3A_35 : vector<16xi1>, vector<16xf32>
    %select_n3A_54 = arith.select %lt3A_47, %get3A_46, %select_n3A_36 : vector<16xi1>, vector<16xi32>
    %get3A_55 = arith.constant 2 : i32
    %get3A_56 = arith.index_cast %get3A_55 : i32 to index
    %get3A_57 = arith.constant 0 : index
    %get3A_58 = tpu.vector_load %arg8[%get3A_56, %get3A_57] {strides = array<i32>} : memref<16x16xf32, #tpu.memory_space<vmem>>, vector<1x16xf32>,
    %get3A_59 = vector.shape_cast %get3A_58 : vector<1x16xf32> to vector<16xf32>
    %get3A_60 = arith.constant 2 : i32
    %get3A_61 = arith.index_cast %get3A_60 : i32 to index
    %get3A_62 = arith.constant 0 : index
    %get3A_63 = tpu.vector_load %arg9[%get3A_61, %get3A_62] {strides = array<i32>} : memref<16x16xi32, #tpu.memory_space<vmem>>, vector<1x16xi32>,
    %get3A_64 = vector.shape_cast %get3A_63 : vector<1x16xi32> to vector<16xi32>
    %lt3A_65 = arith.cmpf olt, %get3A_59, %select_n3A_53 : vector<16xf32>
    %lt3A_66 = arith.cmpf olt, %get3A_59, %select_n3A_50 : vector<16xf32>
    %select_n3A_67 = arith.select %lt3A_66, %get3A_59, %select_n3A_50 : vector<16xi1>, vector<16xf32>
    %select_n3A_68 = arith.select %lt3A_65, %select_n3A_53, %select_n3A_67 : vector<16xi1>, vector<16xf32>
    %select_n3A_69 = arith.select %lt3A_66, %get3A_64, %select_n3A_52 : vector<16xi1>, vector<16xi32>
    %select_n3A_70 = arith.select %lt3A_65, %select_n3A_54, %select_n3A_69 : vector<16xi1>, vector<16xi32>
    %select_n3A_71 = arith.select %lt3A_65, %get3A_59, %select_n3A_53 : vector<16xi1>, vector<16xf32>
    %select_n3A_72 = arith.select %lt3A_65, %get3A_64, %select_n3A_54 : vector<16xi1>, vector<16xi32>
    %get3A_73 = arith.constant 3 : i32
    %get3A_74 = arith.index_cast %get3A_73 : i32 to index
    %get3A_75 = arith.constant 0 : index
    %get3A_76 = tpu.vector_load %arg8[%get3A_74, %get3A_75] {strides = array<i32>} : memref<16x16xf32, #tpu.memory_space<vmem>>, vector<1x16xf32>,
    %get3A_77 = vector.shape_cast %get3A_76 : vector<1x16xf32> to vector<16xf32>
    %get3A_78 = arith.constant 3 : i32
    %get3A_79 = arith.index_cast %get3A_78 : i32 to index
    %get3A_80 = arith.constant 0 : index
    %get3A_81 = tpu.vector_load %arg9[%get3A_79, %get3A_80] {strides = array<i32>} : memref<16x16xi32, #tpu.memory_space<vmem>>, vector<1x16xi32>,
    %get3A_82 = vector.shape_cast %get3A_81 : vector<1x16xi32> to vector<16xi32>
    %lt3A_83 = arith.cmpf olt, %get3A_77, %select_n3A_71 : vector<16xf32>
    %lt3A_84 = arith.cmpf olt, %get3A_77, %select_n3A_68 : vector<16xf32>
    %select_n3A_85 = arith.select %lt3A_84, %get3A_77, %select_n3A_68 : vector<16xi1>, vector<16xf32>
    %select_n3A_86 = arith.select %lt3A_83, %select_n3A_71, %select_n3A_85 : vector<16xi1>, vector<16xf32>
    %select_n3A_87 = arith.select %lt3A_84, %get3A_82, %select_n3A_70 : vector<16xi1>, vector<16xi32>
    %select_n3A_88 = arith.select %lt3A_83, %select_n3A_72, %select_n3A_87 : vector<16xi1>, vector<16xi32>
    %select_n3A_89 = arith.select %lt3A_83, %get3A_77, %select_n3A_71 : vector<16xi1>, vector<16xf32>
    %select_n3A_90 = arith.select %lt3A_83, %get3A_82, %select_n3A_72 : vector<16xi1>, vector<16xi32>
    %get3A_91 = arith.constant 4 : i32
    %get3A_92 = arith.index_cast %get3A_91 : i32 to index
    %get3A_93 = arith.constant 0 : index
    %get3A_94 = tpu.vector_load %arg8[%get3A_92, %get3A_93] {strides = array<i32>} : memref<16x16xf32, #tpu.memory_space<vmem>>, vector<1x16xf32>,
    %get3A_95 = vector.shape_cast %get3A_94 : vector<1x16xf32> to vector<16xf32>
    %get3A_96 = arith.constant 4 : i32
    %get3A_97 = arith.index_cast %get3A_96 : i32 to index
    %get3A_98 = arith.constant 0 : index
    %get3A_99 = tpu.vector_load %arg9[%get3A_97, %get3A_98] {strides = array<i32>} : memref<16x16xi32, #tpu.memory_space<vmem>>, vector<1x16xi32>,
    %get3A_100 = vector.shape_cast %get3A_99 : vector<1x16xi32> to vector<16xi32>
    %lt3A_101 = arith.cmpf olt, %get3A_95, %select_n3A_89 : vector<16xf32>
    %lt3A_102 = arith.cmpf olt, %get3A_95, %select_n3A_86 : vector<16xf32>
    %select_n3A_103 = arith.select %lt3A_102, %get3A_95, %select_n3A_86 : vector<16xi1>, vector<16xf32>
    %select_n3A_104 = arith.select %lt3A_101, %select_n3A_89, %select_n3A_103 : vector<16xi1>, vector<16xf32>
    %select_n3A_105 = arith.select %lt3A_102, %get3A_100, %select_n3A_88 : vector<16xi1>, vector<16xi32>
    %select_n3A_106 = arith.select %lt3A_101, %select_n3A_90, %select_n3A_105 : vector<16xi1>, vector<16xi32>
    %select_n3A_107 = arith.select %lt3A_101, %get3A_95, %select_n3A_89 : vector<16xi1>, vector<16xf32>
    %select_n3A_108 = arith.select %lt3A_101, %get3A_100, %select_n3A_90 : vector<16xi1>, vector<16xi32>
    %get3A_109 = arith.constant 5 : i32
    %get3A_110 = arith.index_cast %get3A_109 : i32 to index
    %get3A_111 = arith.constant 0 : index
    %get3A_112 = tpu.vector_load %arg8[%get3A_110, %get3A_111] {strides = array<i32>} : memref<16x16xf32, #tpu.memory_space<vmem>>, vector<1x16xf32>,
    %get3A_113 = vector.shape_cast %get3A_112 : vector<1x16xf32> to vector<16xf32>
    %get3A_114 = arith.constant 5 : i32
    %get3A_115 = arith.index_cast %get3A_114 : i32 to index
    %get3A_116 = arith.constant 0 : index
    %get3A_117 = tpu.vector_load %arg9[%get3A_115, %get3A_116] {strides = array<i32>} : memref<16x16xi32, #tpu.memory_space<vmem>>, vector<1x16xi32>,
    %get3A_118 = vector.shape_cast %get3A_117 : vector<1x16xi32> to vector<16xi32>
    %lt3A_119 = arith.cmpf olt, %get3A_113, %select_n3A_107 : vector<16xf32>
    %lt3A_120 = arith.cmpf olt, %get3A_113, %select_n3A_104 : vector<16xf32>
    %select_n3A_121 = arith.select %lt3A_120, %get3A_113, %select_n3A_104 : vector<16xi1>, vector<16xf32>
    %select_n3A_122 = arith.select %lt3A_119, %select_n3A_107, %select_n3A_121 : vector<16xi1>, vector<16xf32>
    %select_n3A_123 = arith.select %lt3A_120, %get3A_118, %select_n3A_106 : vector<16xi1>, vector<16xi32>
    %select_n3A_124 = arith.select %lt3A_119, %select_n3A_108, %select_n3A_123 : vector<16xi1>, vector<16xi32>
    %select_n3A_125 = arith.select %lt3A_119, %get3A_113, %select_n3A_107 : vector<16xi1>, vector<16xf32>
    %select_n3A_126 = arith.select %lt3A_119, %get3A_118, %select_n3A_108 : vector<16xi1>, vector<16xi32>
    %get3A_127 = arith.constant 6 : i32
    %get3A_128 = arith.index_cast %get3A_127 : i32 to index
    %get3A_129 = arith.constant 0 : index
    %get3A_130 = tpu.vector_load %arg8[%get3A_128, %get3A_129] {strides = array<i32>} : memref<16x16xf32, #tpu.memory_space<vmem>>, vector<1x16xf32>,
    %get3A_131 = vector.shape_cast %get3A_130 : vector<1x16xf32> to vector<16xf32>
    %get3A_132 = arith.constant 6 : i32
    %get3A_133 = arith.index_cast %get3A_132 : i32 to index
    %get3A_134 = arith.constant 0 : index
    %get3A_135 = tpu.vector_load %arg9[%get3A_133, %get3A_134] {strides = array<i32>} : memref<16x16xi32, #tpu.memory_space<vmem>>, vector<1x16xi32>,
    %get3A_136 = vector.shape_cast %get3A_135 : vector<1x16xi32> to vector<16xi32>
    %lt3A_137 = arith.cmpf olt, %get3A_131, %select_n3A_125 : vector<16xf32>
    %lt3A_138 = arith.cmpf olt, %get3A_131, %select_n3A_122 : vector<16xf32>
    %select_n3A_139 = arith.select %lt3A_138, %get3A_131, %select_n3A_122 : vector<16xi1>, vector<16xf32>
    %select_n3A_140 = arith.select %lt3A_137, %select_n3A_125, %select_n3A_139 : vector<16xi1>, vector<16xf32>
    %select_n3A_141 = arith.select %lt3A_138, %get3A_136, %select_n3A_124 : vector<16xi1>, vector<16xi32>
    %select_n3A_142 = arith.select %lt3A_137, %select_n3A_126, %select_n3A_141 : vector<16xi1>, vector<16xi32>
    %select_n3A_143 = arith.select %lt3A_137, %get3A_131, %select_n3A_125 : vector<16xi1>, vector<16xf32>
    %select_n3A_144 = arith.select %lt3A_137, %get3A_136, %select_n3A_126 : vector<16xi1>, vector<16xi32>
    %get3A_145 = arith.constant 7 : i32
    %get3A_146 = arith.index_cast %get3A_145 : i32 to index
    %get3A_147 = arith.constant 0 : index
    %get3A_148 = tpu.vector_load %arg8[%get3A_146, %get3A_147] {strides = array<i32>} : memref<16x16xf32, #tpu.memory_space<vmem>>, vector<1x16xf32>,
    %get3A_149 = vector.shape_cast %get3A_148 : vector<1x16xf32> to vector<16xf32>
    %get3A_150 = arith.constant 7 : i32
    %get3A_151 = arith.index_cast %get3A_150 : i32 to index
    %get3A_152 = arith.constant 0 : index
    %get3A_153 = tpu.vector_load %arg9[%get3A_151, %get3A_152] {strides = array<i32>} : memref<16x16xi32, #tpu.memory_space<vmem>>, vector<1x16xi32>,
    %get3A_154 = vector.shape_cast %get3A_153 : vector<1x16xi32> to vector<16xi32>
    %lt3A_155 = arith.cmpf olt, %get3A_149, %select_n3A_143 : vector<16xf32>
    %lt3A_156 = arith.cmpf olt, %get3A_149, %select_n3A_140 : vector<16xf32>
    %select_n3A_157 = arith.select %lt3A_156, %get3A_149, %select_n3A_140 : vector<16xi1>, vector<16xf32>
    %select_n3A_158 = arith.select %lt3A_155, %select_n3A_143, %select_n3A_157 : vector<16xi1>, vector<16xf32>
    %select_n3A_159 = arith.select %lt3A_156, %get3A_154, %select_n3A_142 : vector<16xi1>, vector<16xi32>
    %select_n3A_160 = arith.select %lt3A_155, %select_n3A_144, %select_n3A_159 : vector<16xi1>, vector<16xi32>
    %select_n3A_161 = arith.select %lt3A_155, %get3A_149, %select_n3A_143 : vector<16xi1>, vector<16xf32>
    %select_n3A_162 = arith.select %lt3A_155, %get3A_154, %select_n3A_144 : vector<16xi1>, vector<16xi32>
    %get3A_163 = arith.constant 8 : i32
    %get3A_164 = arith.index_cast %get3A_163 : i32 to index
    %get3A_165 = arith.constant 0 : index
    %get3A_166 = tpu.vector_load %arg8[%get3A_164, %get3A_165] {strides = array<i32>} : memref<16x16xf32, #tpu.memory_space<vmem>>, vector<1x16xf32>,
    %get3A_167 = vector.shape_cast %get3A_166 : vector<1x16xf32> to vector<16xf32>
    %get3A_168 = arith.constant 8 : i32
    %get3A_169 = arith.index_cast %get3A_168 : i32 to index
    %get3A_170 = arith.constant 0 : index
    %get3A_171 = tpu.vector_load %arg9[%get3A_169, %get3A_170] {strides = array<i32>} : memref<16x16xi32, #tpu.memory_space<vmem>>, vector<1x16xi32>,
    %get3A_172 = vector.shape_cast %get3A_171 : vector<1x16xi32> to vector<16xi32>
    %lt3A_173 = arith.cmpf olt, %get3A_167, %select_n3A_161 : vector<16xf32>
    %lt3A_174 = arith.cmpf olt, %get3A_167, %select_n3A_158 : vector<16xf32>
    %select_n3A_175 = arith.select %lt3A_174, %get3A_167, %select_n3A_158 : vector<16xi1>, vector<16xf32>
    %select_n3A_176 = arith.select %lt3A_173, %select_n3A_161, %select_n3A_175 : vector<16xi1>, vector<16xf32>
    %select_n3A_177 = arith.select %lt3A_174, %get3A_172, %select_n3A_160 : vector<16xi1>, vector<16xi32>
    %select_n3A_178 = arith.select %lt3A_173, %select_n3A_162, %select_n3A_177 : vector<16xi1>, vector<16xi32>
    %select_n3A_179 = arith.select %lt3A_173, %get3A_167, %select_n3A_161 : vector<16xi1>, vector<16xf32>
    %select_n3A_180 = arith.select %lt3A_173, %get3A_172, %select_n3A_162 : vector<16xi1>, vector<16xi32>
    %get3A_181 = arith.constant 9 : i32
    %get3A_182 = arith.index_cast %get3A_181 : i32 to index
    %get3A_183 = arith.constant 0 : index
    %get3A_184 = tpu.vector_load %arg8[%get3A_182, %get3A_183] {strides = array<i32>} : memref<16x16xf32, #tpu.memory_space<vmem>>, vector<1x16xf32>,
    %get3A_185 = vector.shape_cast %get3A_184 : vector<1x16xf32> to vector<16xf32>
    %get3A_186 = arith.constant 9 : i32
    %get3A_187 = arith.index_cast %get3A_186 : i32 to index
    %get3A_188 = arith.constant 0 : index
    %get3A_189 = tpu.vector_load %arg9[%get3A_187, %get3A_188] {strides = array<i32>} : memref<16x16xi32, #tpu.memory_space<vmem>>, vector<1x16xi32>,
    %get3A_190 = vector.shape_cast %get3A_189 : vector<1x16xi32> to vector<16xi32>
    %lt3A_191 = arith.cmpf olt, %get3A_185, %select_n3A_179 : vector<16xf32>
    %lt3A_192 = arith.cmpf olt, %get3A_185, %select_n3A_176 : vector<16xf32>
    %select_n3A_193 = arith.select %lt3A_192, %get3A_185, %select_n3A_176 : vector<16xi1>, vector<16xf32>
    %select_n3A_194 = arith.select %lt3A_191, %select_n3A_179, %select_n3A_193 : vector<16xi1>, vector<16xf32>
    %select_n3A_195 = arith.select %lt3A_192, %get3A_190, %select_n3A_178 : vector<16xi1>, vector<16xi32>
    %select_n3A_196 = arith.select %lt3A_191, %select_n3A_180, %select_n3A_195 : vector<16xi1>, vector<16xi32>
    %select_n3A_197 = arith.select %lt3A_191, %get3A_185, %select_n3A_179 : vector<16xi1>, vector<16xf32>
    %select_n3A_198 = arith.select %lt3A_191, %get3A_190, %select_n3A_180 : vector<16xi1>, vector<16xi32>
    %get3A_199 = arith.constant 10 : i32
    %get3A_200 = arith.index_cast %get3A_199 : i32 to index
    %get3A_201 = arith.constant 0 : index
    %get3A_202 = tpu.vector_load %arg8[%get3A_200, %get3A_201] {strides = array<i32>} : memref<16x16xf32, #tpu.memory_space<vmem>>, vector<1x16xf32>,
    %get3A_203 = vector.shape_cast %get3A_202 : vector<1x16xf32> to vector<16xf32>
    %get3A_204 = arith.constant 10 : i32
    %get3A_205 = arith.index_cast %get3A_204 : i32 to index
    %get3A_206 = arith.constant 0 : index
    %get3A_207 = tpu.vector_load %arg9[%get3A_205, %get3A_206] {strides = array<i32>} : memref<16x16xi32, #tpu.memory_space<vmem>>, vector<1x16xi32>,
    %get3A_208 = vector.shape_cast %get3A_207 : vector<1x16xi32> to vector<16xi32>
    %lt3A_209 = arith.cmpf olt, %get3A_203, %select_n3A_197 : vector<16xf32>
    %lt3A_210 = arith.cmpf olt, %get3A_203, %select_n3A_194 : vector<16xf32>
    %select_n3A_211 = arith.select %lt3A_210, %get3A_203, %select_n3A_194 : vector<16xi1>, vector<16xf32>
    %select_n3A_212 = arith.select %lt3A_209, %select_n3A_197, %select_n3A_211 : vector<16xi1>, vector<16xf32>
    %select_n3A_213 = arith.select %lt3A_210, %get3A_208, %select_n3A_196 : vector<16xi1>, vector<16xi32>
    %select_n3A_214 = arith.select %lt3A_209, %select_n3A_198, %select_n3A_213 : vector<16xi1>, vector<16xi32>
    %select_n3A_215 = arith.select %lt3A_209, %get3A_203, %select_n3A_197 : vector<16xi1>, vector<16xf32>
    %select_n3A_216 = arith.select %lt3A_209, %get3A_208, %select_n3A_198 : vector<16xi1>, vector<16xi32>
    %get3A_217 = arith.constant 11 : i32
    %get3A_218 = arith.index_cast %get3A_217 : i32 to index
    %get3A_219 = arith.constant 0 : index
    %get3A_220 = tpu.vector_load %arg8[%get3A_218, %get3A_219] {strides = array<i32>} : memref<16x16xf32, #tpu.memory_space<vmem>>, vector<1x16xf32>,
    %get3A_221 = vector.shape_cast %get3A_220 : vector<1x16xf32> to vector<16xf32>
    %get3A_222 = arith.constant 11 : i32
    %get3A_223 = arith.index_cast %get3A_222 : i32 to index
    %get3A_224 = arith.constant 0 : index
    %get3A_225 = tpu.vector_load %arg9[%get3A_223, %get3A_224] {strides = array<i32>} : memref<16x16xi32, #tpu.memory_space<vmem>>, vector<1x16xi32>,
    %get3A_226 = vector.shape_cast %get3A_225 : vector<1x16xi32> to vector<16xi32>
    %lt3A_227 = arith.cmpf olt, %get3A_221, %select_n3A_215 : vector<16xf32>
    %lt3A_228 = arith.cmpf olt, %get3A_221, %select_n3A_212 : vector<16xf32>
    %select_n3A_229 = arith.select %lt3A_228, %get3A_221, %select_n3A_212 : vector<16xi1>, vector<16xf32>
    %select_n3A_230 = arith.select %lt3A_227, %select_n3A_215, %select_n3A_229 : vector<16xi1>, vector<16xf32>
    %select_n3A_231 = arith.select %lt3A_228, %get3A_226, %select_n3A_214 : vector<16xi1>, vector<16xi32>
    %select_n3A_232 = arith.select %lt3A_227, %select_n3A_216, %select_n3A_231 : vector<16xi1>, vector<16xi32>
    %select_n3A_233 = arith.select %lt3A_227, %get3A_221, %select_n3A_215 : vector<16xi1>, vector<16xf32>
    %select_n3A_234 = arith.select %lt3A_227, %get3A_226, %select_n3A_216 : vector<16xi1>, vector<16xi32>
    %get3A_235 = arith.constant 12 : i32
    %get3A_236 = arith.index_cast %get3A_235 : i32 to index
    %get3A_237 = arith.constant 0 : index
    %get3A_238 = tpu.vector_load %arg8[%get3A_236, %get3A_237] {strides = array<i32>} : memref<16x16xf32, #tpu.memory_space<vmem>>, vector<1x16xf32>,
    %get3A_239 = vector.shape_cast %get3A_238 : vector<1x16xf32> to vector<16xf32>
    %get3A_240 = arith.constant 12 : i32
    %get3A_241 = arith.index_cast %get3A_240 : i32 to index
    %get3A_242 = arith.constant 0 : index
    %get3A_243 = tpu.vector_load %arg9[%get3A_241, %get3A_242] {strides = array<i32>} : memref<16x16xi32, #tpu.memory_space<vmem>>, vector<1x16xi32>,
    %get3A_244 = vector.shape_cast %get3A_243 : vector<1x16xi32> to vector<16xi32>
    %lt3A_245 = arith.cmpf olt, %get3A_239, %select_n3A_233 : vector<16xf32>
    %lt3A_246 = arith.cmpf olt, %get3A_239, %select_n3A_230 : vector<16xf32>
    %select_n3A_247 = arith.select %lt3A_246, %get3A_239, %select_n3A_230 : vector<16xi1>, vector<16xf32>
    %select_n3A_248 = arith.select %lt3A_245, %select_n3A_233, %select_n3A_247 : vector<16xi1>, vector<16xf32>
    %select_n3A_249 = arith.select %lt3A_246, %get3A_244, %select_n3A_232 : vector<16xi1>, vector<16xi32>
    %select_n3A_250 = arith.select %lt3A_245, %select_n3A_234, %select_n3A_249 : vector<16xi1>, vector<16xi32>
    %select_n3A_251 = arith.select %lt3A_245, %get3A_239, %select_n3A_233 : vector<16xi1>, vector<16xf32>
    %select_n3A_252 = arith.select %lt3A_245, %get3A_244, %select_n3A_234 : vector<16xi1>, vector<16xi32>
    %get3A_253 = arith.constant 13 : i32
    %get3A_254 = arith.index_cast %get3A_253 : i32 to index
    %get3A_255 = arith.constant 0 : index
    %get3A_256 = tpu.vector_load %arg8[%get3A_254, %get3A_255] {strides = array<i32>} : memref<16x16xf32, #tpu.memory_space<vmem>>, vector<1x16xf32>,
    %get3A_257 = vector.shape_cast %get3A_256 : vector<1x16xf32> to vector<16xf32>
    %get3A_258 = arith.constant 13 : i32
    %get3A_259 = arith.index_cast %get3A_258 : i32 to index
    %get3A_260 = arith.constant 0 : index
    %get3A_261 = tpu.vector_load %arg9[%get3A_259, %get3A_260] {strides = array<i32>} : memref<16x16xi32, #tpu.memory_space<vmem>>, vector<1x16xi32>,
    %get3A_262 = vector.shape_cast %get3A_261 : vector<1x16xi32> to vector<16xi32>
    %lt3A_263 = arith.cmpf olt, %get3A_257, %select_n3A_251 : vector<16xf32>
    %lt3A_264 = arith.cmpf olt, %get3A_257, %select_n3A_248 : vector<16xf32>
    %select_n3A_265 = arith.select %lt3A_264, %get3A_257, %select_n3A_248 : vector<16xi1>, vector<16xf32>
    %select_n3A_266 = arith.select %lt3A_263, %select_n3A_251, %select_n3A_265 : vector<16xi1>, vector<16xf32>
    %select_n3A_267 = arith.select %lt3A_264, %get3A_262, %select_n3A_250 : vector<16xi1>, vector<16xi32>
    %select_n3A_268 = arith.select %lt3A_263, %select_n3A_252, %select_n3A_267 : vector<16xi1>, vector<16xi32>
    %select_n3A_269 = arith.select %lt3A_263, %get3A_257, %select_n3A_251 : vector<16xi1>, vector<16xf32>
    %select_n3A_270 = arith.select %lt3A_263, %get3A_262, %select_n3A_252 : vector<16xi1>, vector<16xi32>
    %get3A_271 = arith.constant 14 : i32
    %get3A_272 = arith.index_cast %get3A_271 : i32 to index
    %get3A_273 = arith.constant 0 : index
    %get3A_274 = tpu.vector_load %arg8[%get3A_272, %get3A_273] {strides = array<i32>} : memref<16x16xf32, #tpu.memory_space<vmem>>, vector<1x16xf32>,
    %get3A_275 = vector.shape_cast %get3A_274 : vector<1x16xf32> to vector<16xf32>
    %get3A_276 = arith.constant 14 : i32
    %get3A_277 = arith.index_cast %get3A_276 : i32 to index
    %get3A_278 = arith.constant 0 : index
    %get3A_279 = tpu.vector_load %arg9[%get3A_277, %get3A_278] {strides = array<i32>} : memref<16x16xi32, #tpu.memory_space<vmem>>, vector<1x16xi32>,
    %get3A_280 = vector.shape_cast %get3A_279 : vector<1x16xi32> to vector<16xi32>
    %lt3A_281 = arith.cmpf olt, %get3A_275, %select_n3A_269 : vector<16xf32>
    %lt3A_282 = arith.cmpf olt, %get3A_275, %select_n3A_266 : vector<16xf32>
    %select_n3A_283 = arith.select %lt3A_282, %get3A_275, %select_n3A_266 : vector<16xi1>, vector<16xf32>
    %select_n3A_284 = arith.select %lt3A_281, %select_n3A_269, %select_n3A_283 : vector<16xi1>, vector<16xf32>
    %select_n3A_285 = arith.select %lt3A_282, %get3A_280, %select_n3A_268 : vector<16xi1>, vector<16xi32>
    %select_n3A_286 = arith.select %lt3A_281, %select_n3A_270, %select_n3A_285 : vector<16xi1>, vector<16xi32>
    %select_n3A_287 = arith.select %lt3A_281, %get3A_275, %select_n3A_269 : vector<16xi1>, vector<16xf32>
    %select_n3A_288 = arith.select %lt3A_281, %get3A_280, %select_n3A_270 : vector<16xi1>, vector<16xi32>
    %get3A_289 = arith.constant 15 : i32
    %get3A_290 = arith.index_cast %get3A_289 : i32 to index
    %get3A_291 = arith.constant 0 : index
    %get3A_292 = tpu.vector_load %arg8[%get3A_290, %get3A_291] {strides = array<i32>} : memref<16x16xf32, #tpu.memory_space<vmem>>, vector<1x16xf32>,
    %get3A_293 = vector.shape_cast %get3A_292 : vector<1x16xf32> to vector<16xf32>
    %get3A_294 = arith.constant 15 : i32
    %get3A_295 = arith.index_cast %get3A_294 : i32 to index
    %get3A_296 = arith.constant 0 : index
    %get3A_297 = tpu.vector_load %arg9[%get3A_295, %get3A_296] {strides = array<i32>} : memref<16x16xi32, #tpu.memory_space<vmem>>, vector<1x16xi32>,
    %get3A_298 = vector.shape_cast %get3A_297 : vector<1x16xi32> to vector<16xi32>
    %lt3A_299 = arith.cmpf olt, %get3A_293, %select_n3A_287 : vector<16xf32>
    %lt3A_300 = arith.cmpf olt, %get3A_293, %select_n3A_284 : vector<16xf32>
    %select_n3A_301 = arith.select %lt3A_300, %get3A_293, %select_n3A_284 : vector<16xi1>, vector<16xf32>
    %select_n3A_302 = arith.select %lt3A_299, %select_n3A_287, %select_n3A_301 : vector<16xi1>, vector<16xf32>
    %select_n3A_303 = arith.select %lt3A_300, %get3A_298, %select_n3A_286 : vector<16xi1>, vector<16xi32>
    %select_n3A_304 = arith.select %lt3A_299, %select_n3A_288, %select_n3A_303 : vector<16xi1>, vector<16xi32>
    %select_n3A_305 = arith.select %lt3A_299, %get3A_293, %select_n3A_287 : vector<16xi1>, vector<16xf32>
    %select_n3A_306 = arith.select %lt3A_299, %get3A_298, %select_n3A_288 : vector<16xi1>, vector<16xi32>
    %iota3A_307 = tpu.iota {dimensions = array<i32: 0>} : vector<16xi32>
    %xor3A = arith.constant 1 : i32
    %xor3A_308 = vector.broadcast %xor3A : i32 to vector<16xi32>
    %xor3A_309 = arith.xori %iota3A_307, %xor3A_308 : vector<16xi32>
    %broadcast_in_dim3A_310 = vector.shape_cast %xor3A_309 : vector<16xi32> to vector<16x1xi32>
    %gather3A = vector.shape_cast %broadcast_in_dim3A_310 : vector<16x1xi32> to vector<16xi32>
    %gather3A_311 = tpu.dynamic_gather %select_n3A_305[%gather3A] in [0] : vector<16xf32>, vector<16xi32> -> vector<16xf32>
    %min3A_312 = arith.minimumf %select_n3A_305, %gather3A_311 : vector<16xf32>
    %xor3A_313 = arith.constant 2 : i32
    %xor3A_314 = vector.broadcast %xor3A_313 : i32 to vector<16xi32>
    %xor3A_315 = arith.xori %iota3A_307, %xor3A_314 : vector<16xi32>
    %broadcast_in_dim3A_316 = vector.shape_cast %xor3A_315 : vector<16xi32> to vector<16x1xi32>
    %gather3A_317 = vector.shape_cast %broadcast_in_dim3A_316 : vector<16x1xi32> to vector<16xi32>
    %gather3A_318 = tpu.dynamic_gather %min3A_312[%gather3A_317] in [0] : vector<16xf32>, vector<16xi32> -> vector<16xf32>
    %min3A_319 = arith.minimumf %min3A_312, %gather3A_318 : vector<16xf32>
    %xor3A_320 = arith.constant 4 : i32
    %xor3A_321 = vector.broadcast %xor3A_320 : i32 to vector<16xi32>
    %xor3A_322 = arith.xori %iota3A_307, %xor3A_321 : vector<16xi32>
    %broadcast_in_dim3A_323 = vector.shape_cast %xor3A_322 : vector<16xi32> to vector<16x1xi32>
    %gather3A_324 = vector.shape_cast %broadcast_in_dim3A_323 : vector<16x1xi32> to vector<16xi32>
    %gather3A_325 = tpu.dynamic_gather %min3A_319[%gather3A_324] in [0] : vector<16xf32>, vector<16xi32> -> vector<16xf32>
    %min3A_326 = arith.minimumf %min3A_319, %gather3A_325 : vector<16xf32>
    %xor3A_327 = arith.constant 8 : i32
    %xor3A_328 = vector.broadcast %xor3A_327 : i32 to vector<16xi32>
    %xor3A_329 = arith.xori %iota3A_307, %xor3A_328 : vector<16xi32>
    %broadcast_in_dim3A_330 = vector.shape_cast %xor3A_329 : vector<16xi32> to vector<16x1xi32>
    %gather3A_331 = vector.shape_cast %broadcast_in_dim3A_330 : vector<16x1xi32> to vector<16xi32>
    %gather3A_332 = tpu.dynamic_gather %min3A_326[%gather3A_331] in [0] : vector<16xf32>, vector<16xi32> -> vector<16xf32>
    %min3A_333 = arith.minimumf %min3A_326, %gather3A_332 : vector<16xf32>
    %eq3A = arith.cmpf oeq, %select_n3A_305, %min3A_333 : vector<16xf32>
    %broadcast_in_dim3A_334 = vector.broadcast %squeeze3A_7 : i32 to vector<16xi32>
    %select_n3A_335 = arith.select %eq3A, %select_n3A_306, %broadcast_in_dim3A_334 : vector<16xi1>, vector<16xi32>
    %iota3A_336 = tpu.iota {dimensions = array<i32: 0>} : vector<16xi32>
    %xor3A_337 = arith.constant 1 : i32
    %xor3A_338 = vector.broadcast %xor3A_337 : i32 to vector<16xi32>
    %xor3A_339 = arith.xori %iota3A_336, %xor3A_338 : vector<16xi32>
    %broadcast_in_dim3A_340 = vector.shape_cast %xor3A_339 : vector<16xi32> to vector<16x1xi32>
    %gather3A_341 = vector.shape_cast %broadcast_in_dim3A_340 : vector<16x1xi32> to vector<16xi32>
    %gather3A_342 = tpu.dynamic_gather %select_n3A_335[%gather3A_341] in [0] : vector<16xi32>, vector<16xi32> -> vector<16xi32>
    %min3A_343 = arith.minsi %select_n3A_335, %gather3A_342 : vector<16xi32>
    %xor3A_344 = arith.constant 2 : i32
    %xor3A_345 = vector.broadcast %xor3A_344 : i32 to vector<16xi32>
    %xor3A_346 = arith.xori %iota3A_336, %xor3A_345 : vector<16xi32>
    %broadcast_in_dim3A_347 = vector.shape_cast %xor3A_346 : vector<16xi32> to vector<16x1xi32>
    %gather3A_348 = vector.shape_cast %broadcast_in_dim3A_347 : vector<16x1xi32> to vector<16xi32>
    %gather3A_349 = tpu.dynamic_gather %min3A_343[%gather3A_348] in [0] : vector<16xi32>, vector<16xi32> -> vector<16xi32>
    %min3A_350 = arith.minsi %min3A_343, %gather3A_349 : vector<16xi32>
    %xor3A_351 = arith.constant 4 : i32
    %xor3A_352 = vector.broadcast %xor3A_351 : i32 to vector<16xi32>
    %xor3A_353 = arith.xori %iota3A_336, %xor3A_352 : vector<16xi32>
    %broadcast_in_dim3A_354 = vector.shape_cast %xor3A_353 : vector<16xi32> to vector<16x1xi32>
    %gather3A_355 = vector.shape_cast %broadcast_in_dim3A_354 : vector<16x1xi32> to vector<16xi32>
    %gather3A_356 = tpu.dynamic_gather %min3A_350[%gather3A_355] in [0] : vector<16xi32>, vector<16xi32> -> vector<16xi32>
    %min3A_357 = arith.minsi %min3A_350, %gather3A_356 : vector<16xi32>
    %xor3A_358 = arith.constant 8 : i32
    %xor3A_359 = vector.broadcast %xor3A_358 : i32 to vector<16xi32>
    %xor3A_360 = arith.xori %iota3A_336, %xor3A_359 : vector<16xi32>
    %broadcast_in_dim3A_361 = vector.shape_cast %xor3A_360 : vector<16xi32> to vector<16x1xi32>
    %gather3A_362 = vector.shape_cast %broadcast_in_dim3A_361 : vector<16x1xi32> to vector<16xi32>
    %gather3A_363 = tpu.dynamic_gather %min3A_357[%gather3A_362] in [0] : vector<16xi32>, vector<16xi32> -> vector<16xi32>
    %min3A_364 = arith.minsi %min3A_357, %gather3A_363 : vector<16xi32>
    %eq3A_365 = arith.cmpi eq, %select_n3A_306, %min3A_364 : vector<16xi32>
    %broadcast_in_dim3A_366 = vector.broadcast %squeeze3A : f32 to vector<16xf32>
    %select_n3A_367 = arith.select %eq3A_365, %broadcast_in_dim3A_366, %select_n3A_305 : vector<16xi1>, vector<16xf32>
    %iota3A_368 = tpu.iota {dimensions = array<i32: 0>} : vector<16xi32>
    %xor3A_369 = arith.constant 1 : i32
    %xor3A_370 = vector.broadcast %xor3A_369 : i32 to vector<16xi32>
    %xor3A_371 = arith.xori %iota3A_368, %xor3A_370 : vector<16xi32>
    %broadcast_in_dim3A_372 = vector.shape_cast %xor3A_371 : vector<16xi32> to vector<16x1xi32>
    %gather3A_373 = vector.shape_cast %broadcast_in_dim3A_372 : vector<16x1xi32> to vector<16xi32>
    %gather3A_374 = tpu.dynamic_gather %select_n3A_367[%gather3A_373] in [0] : vector<16xf32>, vector<16xi32> -> vector<16xf32>
    %min3A_375 = arith.minimumf %select_n3A_367, %gather3A_374 : vector<16xf32>
    %xor3A_376 = arith.constant 2 : i32
    %xor3A_377 = vector.broadcast %xor3A_376 : i32 to vector<16xi32>
    %xor3A_378 = arith.xori %iota3A_368, %xor3A_377 : vector<16xi32>
    %broadcast_in_dim3A_379 = vector.shape_cast %xor3A_378 : vector<16xi32> to vector<16x1xi32>
    %gather3A_380 = vector.shape_cast %broadcast_in_dim3A_379 : vector<16x1xi32> to vector<16xi32>
    %gather3A_381 = tpu.dynamic_gather %min3A_375[%gather3A_380] in [0] : vector<16xf32>, vector<16xi32> -> vector<16xf32>
    %min3A_382 = arith.minimumf %min3A_375, %gather3A_381 : vector<16xf32>
    %xor3A_383 = arith.constant 4 : i32
    %xor3A_384 = vector.broadcast %xor3A_383 : i32 to vector<16xi32>
    %xor3A_385 = arith.xori %iota3A_368, %xor3A_384 : vector<16xi32>
    %broadcast_in_dim3A_386 = vector.shape_cast %xor3A_385 : vector<16xi32> to vector<16x1xi32>
    %gather3A_387 = vector.shape_cast %broadcast_in_dim3A_386 : vector<16x1xi32> to vector<16xi32>
    %gather3A_388 = tpu.dynamic_gather %min3A_382[%gather3A_387] in [0] : vector<16xf32>, vector<16xi32> -> vector<16xf32>
    %min3A_389 = arith.minimumf %min3A_382, %gather3A_388 : vector<16xf32>
    %xor3A_390 = arith.constant 8 : i32
    %xor3A_391 = vector.broadcast %xor3A_390 : i32 to vector<16xi32>
    %xor3A_392 = arith.xori %iota3A_368, %xor3A_391 : vector<16xi32>
    %broadcast_in_dim3A_393 = vector.shape_cast %xor3A_392 : vector<16xi32> to vector<16x1xi32>
    %gather3A_394 = vector.shape_cast %broadcast_in_dim3A_393 : vector<16x1xi32> to vector<16xi32>
    %gather3A_395 = tpu.dynamic_gather %min3A_389[%gather3A_394] in [0] : vector<16xf32>, vector<16xi32> -> vector<16xf32>
    %min3A_396 = arith.minimumf %min3A_389, %gather3A_395 : vector<16xf32>
    %iota3A_397 = tpu.iota {dimensions = array<i32: 0>} : vector<16xi32>
    %xor3A_398 = arith.constant 1 : i32
    %xor3A_399 = vector.broadcast %xor3A_398 : i32 to vector<16xi32>
    %xor3A_400 = arith.xori %iota3A_397, %xor3A_399 : vector<16xi32>
    %broadcast_in_dim3A_401 = vector.shape_cast %xor3A_400 : vector<16xi32> to vector<16x1xi32>
    %gather3A_402 = vector.shape_cast %broadcast_in_dim3A_401 : vector<16x1xi32> to vector<16xi32>
    %gather3A_403 = tpu.dynamic_gather %select_n3A_302[%gather3A_402] in [0] : vector<16xf32>, vector<16xi32> -> vector<16xf32>
    %min3A_404 = arith.minimumf %select_n3A_302, %gather3A_403 : vector<16xf32>
    %xor3A_405 = arith.constant 2 : i32
    %xor3A_406 = vector.broadcast %xor3A_405 : i32 to vector<16xi32>
    %xor3A_407 = arith.xori %iota3A_397, %xor3A_406 : vector<16xi32>
    %broadcast_in_dim3A_408 = vector.shape_cast %xor3A_407 : vector<16xi32> to vector<16x1xi32>
    %gather3A_409 = vector.shape_cast %broadcast_in_dim3A_408 : vector<16x1xi32> to vector<16xi32>
    %gather3A_410 = tpu.dynamic_gather %min3A_404[%gather3A_409] in [0] : vector<16xf32>, vector<16xi32> -> vector<16xf32>
    %min3A_411 = arith.minimumf %min3A_404, %gather3A_410 : vector<16xf32>
    %xor3A_412 = arith.constant 4 : i32
    %xor3A_413 = vector.broadcast %xor3A_412 : i32 to vector<16xi32>
    %xor3A_414 = arith.xori %iota3A_397, %xor3A_413 : vector<16xi32>
    %broadcast_in_dim3A_415 = vector.shape_cast %xor3A_414 : vector<16xi32> to vector<16x1xi32>
    %gather3A_416 = vector.shape_cast %broadcast_in_dim3A_415 : vector<16x1xi32> to vector<16xi32>
    %gather3A_417 = tpu.dynamic_gather %min3A_411[%gather3A_416] in [0] : vector<16xf32>, vector<16xi32> -> vector<16xf32>
    %min3A_418 = arith.minimumf %min3A_411, %gather3A_417 : vector<16xf32>
    %xor3A_419 = arith.constant 8 : i32
    %xor3A_420 = vector.broadcast %xor3A_419 : i32 to vector<16xi32>
    %xor3A_421 = arith.xori %iota3A_397, %xor3A_420 : vector<16xi32>
    %broadcast_in_dim3A_422 = vector.shape_cast %xor3A_421 : vector<16xi32> to vector<16x1xi32>
    %gather3A_423 = vector.shape_cast %broadcast_in_dim3A_422 : vector<16x1xi32> to vector<16xi32>
    %gather3A_424 = tpu.dynamic_gather %min3A_418[%gather3A_423] in [0] : vector<16xf32>, vector<16xi32> -> vector<16xf32>
    %min3A_425 = arith.minimumf %min3A_418, %gather3A_424 : vector<16xf32>
    %min3A_426 = arith.minimumf %min3A_396, %min3A_425 : vector<16xf32>
    %eq3A_427 = arith.cmpf oeq, %select_n3A_367, %min3A_426 : vector<16xf32>
    %broadcast_in_dim3A_428 = vector.broadcast %squeeze3A_7 : i32 to vector<16xi32>
    %select_n3A_429 = arith.select %eq3A_427, %select_n3A_306, %broadcast_in_dim3A_428 : vector<16xi1>, vector<16xi32>
    %iota3A_430 = tpu.iota {dimensions = array<i32: 0>} : vector<16xi32>
    %xor3A_431 = arith.constant 1 : i32
    %xor3A_432 = vector.broadcast %xor3A_431 : i32 to vector<16xi32>
    %xor3A_433 = arith.xori %iota3A_430, %xor3A_432 : vector<16xi32>
    %broadcast_in_dim3A_434 = vector.shape_cast %xor3A_433 : vector<16xi32> to vector<16x1xi32>
    %gather3A_435 = vector.shape_cast %broadcast_in_dim3A_434 : vector<16x1xi32> to vector<16xi32>
    %gather3A_436 = tpu.dynamic_gather %select_n3A_429[%gather3A_435] in [0] : vector<16xi32>, vector<16xi32> -> vector<16xi32>
    %min3A_437 = arith.minsi %select_n3A_429, %gather3A_436 : vector<16xi32>
    %xor3A_438 = arith.constant 2 : i32
    %xor3A_439 = vector.broadcast %xor3A_438 : i32 to vector<16xi32>
    %xor3A_440 = arith.xori %iota3A_430, %xor3A_439 : vector<16xi32>
    %broadcast_in_dim3A_441 = vector.shape_cast %xor3A_440 : vector<16xi32> to vector<16x1xi32>
    %gather3A_442 = vector.shape_cast %broadcast_in_dim3A_441 : vector<16x1xi32> to vector<16xi32>
    %gather3A_443 = tpu.dynamic_gather %min3A_437[%gather3A_442] in [0] : vector<16xi32>, vector<16xi32> -> vector<16xi32>
    %min3A_444 = arith.minsi %min3A_437, %gather3A_443 : vector<16xi32>
    %xor3A_445 = arith.constant 4 : i32
    %xor3A_446 = vector.broadcast %xor3A_445 : i32 to vector<16xi32>
    %xor3A_447 = arith.xori %iota3A_430, %xor3A_446 : vector<16xi32>
    %broadcast_in_dim3A_448 = vector.shape_cast %xor3A_447 : vector<16xi32> to vector<16x1xi32>
    %gather3A_449 = vector.shape_cast %broadcast_in_dim3A_448 : vector<16x1xi32> to vector<16xi32>
    %gather3A_450 = tpu.dynamic_gather %min3A_444[%gather3A_449] in [0] : vector<16xi32>, vector<16xi32> -> vector<16xi32>
    %min3A_451 = arith.minsi %min3A_444, %gather3A_450 : vector<16xi32>
    %xor3A_452 = arith.constant 8 : i32
    %xor3A_453 = vector.broadcast %xor3A_452 : i32 to vector<16xi32>
    %xor3A_454 = arith.xori %iota3A_430, %xor3A_453 : vector<16xi32>
    %broadcast_in_dim3A_455 = vector.shape_cast %xor3A_454 : vector<16xi32> to vector<16x1xi32>
    %gather3A_456 = vector.shape_cast %broadcast_in_dim3A_455 : vector<16x1xi32> to vector<16xi32>
    %gather3A_457 = tpu.dynamic_gather %min3A_451[%gather3A_456] in [0] : vector<16xi32>, vector<16xi32> -> vector<16xi32>
    %min3A_458 = arith.minsi %min3A_451, %gather3A_457 : vector<16xi32>
    %eq3A_459 = arith.cmpf oeq, %select_n3A_302, %min3A_426 : vector<16xf32>
    %broadcast_in_dim3A_460 = vector.broadcast %squeeze3A_7 : i32 to vector<16xi32>
    %select_n3A_461 = arith.select %eq3A_459, %select_n3A_304, %broadcast_in_dim3A_460 : vector<16xi1>, vector<16xi32>
    %iota3A_462 = tpu.iota {dimensions = array<i32: 0>} : vector<16xi32>
    %xor3A_463 = arith.constant 1 : i32
    %xor3A_464 = vector.broadcast %xor3A_463 : i32 to vector<16xi32>
    %xor3A_465 = arith.xori %iota3A_462, %xor3A_464 : vector<16xi32>
    %broadcast_in_dim3A_466 = vector.shape_cast %xor3A_465 : vector<16xi32> to vector<16x1xi32>
    %gather3A_467 = vector.shape_cast %broadcast_in_dim3A_466 : vector<16x1xi32> to vector<16xi32>
    %gather3A_468 = tpu.dynamic_gather %select_n3A_461[%gather3A_467] in [0] : vector<16xi32>, vector<16xi32> -> vector<16xi32>
    %min3A_469 = arith.minsi %select_n3A_461, %gather3A_468 : vector<16xi32>
    %xor3A_470 = arith.constant 2 : i32
    %xor3A_471 = vector.broadcast %xor3A_470 : i32 to vector<16xi32>
    %xor3A_472 = arith.xori %iota3A_462, %xor3A_471 : vector<16xi32>
    %broadcast_in_dim3A_473 = vector.shape_cast %xor3A_472 : vector<16xi32> to vector<16x1xi32>
    %gather3A_474 = vector.shape_cast %broadcast_in_dim3A_473 : vector<16x1xi32> to vector<16xi32>
    %gather3A_475 = tpu.dynamic_gather %min3A_469[%gather3A_474] in [0] : vector<16xi32>, vector<16xi32> -> vector<16xi32>
    %min3A_476 = arith.minsi %min3A_469, %gather3A_475 : vector<16xi32>
    %xor3A_477 = arith.constant 4 : i32
    %xor3A_478 = vector.broadcast %xor3A_477 : i32 to vector<16xi32>
    %xor3A_479 = arith.xori %iota3A_462, %xor3A_478 : vector<16xi32>
    %broadcast_in_dim3A_480 = vector.shape_cast %xor3A_479 : vector<16xi32> to vector<16x1xi32>
    %gather3A_481 = vector.shape_cast %broadcast_in_dim3A_480 : vector<16x1xi32> to vector<16xi32>
    %gather3A_482 = tpu.dynamic_gather %min3A_476[%gather3A_481] in [0] : vector<16xi32>, vector<16xi32> -> vector<16xi32>
    %min3A_483 = arith.minsi %min3A_476, %gather3A_482 : vector<16xi32>
    %xor3A_484 = arith.constant 8 : i32
    %xor3A_485 = vector.broadcast %xor3A_484 : i32 to vector<16xi32>
    %xor3A_486 = arith.xori %iota3A_462, %xor3A_485 : vector<16xi32>
    %broadcast_in_dim3A_487 = vector.shape_cast %xor3A_486 : vector<16xi32> to vector<16x1xi32>
    %gather3A_488 = vector.shape_cast %broadcast_in_dim3A_487 : vector<16x1xi32> to vector<16xi32>
    %gather3A_489 = tpu.dynamic_gather %min3A_483[%gather3A_488] in [0] : vector<16xi32>, vector<16xi32> -> vector<16xi32>
    %min3A_490 = arith.minsi %min3A_483, %gather3A_489 : vector<16xi32>
    %min3A_491 = arith.minsi %min3A_458, %min3A_490 : vector<16xi32>
    %eq3A_492 = arith.constant 1 : i32
    %eq3A_493 = vector.broadcast %eq3A_492 : i32 to vector<16xi32>
    %eq3A_494 = arith.cmpi eq, %iota3A, %eq3A_493 : vector<16xi32>
    %select_n3A_495 = arith.select %eq3A_494, %min3A_491, %min3A_364 : vector<16xi1>, vector<16xi32>
    %max3A = arith.constant 0 : i32
    %max3A_496 = vector.broadcast %max3A : i32 to vector<16xi32>
    %max3A_497 = arith.maxsi %select_n3A_495, %max3A_496 : vector<16xi32>
    %min3A_498 = arith.constant 99999 : i32
    %min3A_499 = vector.broadcast %min3A_498 : i32 to vector<16xi32>
    %min3A_500 = arith.minsi %max3A_497, %min3A_499 : vector<16xi32>
    %mul3A_501 = arith.constant 100000 : i32
    %mul3A_502 = arith.muli %min3A_14, %mul3A_501 : i32
    %add3A_503 = vector.broadcast %mul3A_502 : i32 to vector<16xi32>
    %add3A_504 = arith.addi %min3A_500, %add3A_503 : vector<16xi32>
    %swap3A = arith.constant 0 : index
    %swap3A_505 = tpu.vector_load %arg10[%swap3A] {strides = array<i32>} : memref<16xi32, #tpu.memory_space<vmem>>, vector<16xi32>,
    %swap3A_506 = vector.shape_cast %swap3A_505 : vector<16xi32> to vector<16xi32>
    %swap3A_507 = vector.shape_cast %add3A_504 : vector<16xi32> to vector<16xi32>
    tpu.vector_store %arg10[%swap3A], %swap3A_507 {strides = array<i32>} : memref<16xi32, #tpu.memory_space<vmem>>, vector<16xi32>,
    %dma_start3A = arith.constant 0 : i32
    %dma_start3A_508 = arith.constant 0 : i32
    %dma_start3A_509 = tpu.memref_slice %arg4[%dma_start3A, %dma_start3A_508] : memref<400000x128xf32, #tpu.memory_space<hbm>> -> memref<400000x128xf32, #tpu.memory_space<hbm>>
    tpu.enqueue_indirect_dma source(%dma_start3A_509 : memref<400000x128xf32, #tpu.memory_space<hbm>>) target(%arg11 : memref<16x128xf32, #tpu.memory_space<vmem>>) offsets(%arg10 : memref<16xi32, #tpu.memory_space<vmem>>) semaphore(%arg12 : memref<!tpu.dma_semaphore, #tpu.memory_space<semaphore_mem>>)
    %dma_wait3A = arith.constant 0 : i32
    %dma_wait3A_510 = arith.constant 0 : i32
    %dma_wait3A_511 = tpu.memref_slice %arg4[%dma_wait3A, %dma_wait3A_510] : memref<400000x128xf32, #tpu.memory_space<hbm>> -> memref<400000x128xf32, #tpu.memory_space<hbm>>
    tpu.wait_indirect_dma semaphore(%arg12 : memref<!tpu.dma_semaphore, #tpu.memory_space<semaphore_mem>>) src(%dma_wait3A_511 : memref<400000x128xf32, #tpu.memory_space<hbm>>) dst(%arg11 : memref<16x128xf32, #tpu.memory_space<vmem>>)
    %convert_element_type3A = arith.extui %and3A : i1 to i32
    %cond3A = arith.constant 0 : i32
    %cond3A_512 = arith.cmpi ne, %convert_element_type3A, %cond3A : i32
    scf.if %cond3A_512 {
      "tpu.region"() ({
        %run_scoped3A = tpu.sem_alloc : memref<!tpu.dma_semaphore, #tpu.memory_space<semaphore_mem>>
        %dma_start3A_513 = arith.constant 0 : i32
        %dma_start3A_514 = arith.constant 0 : i32
        %dma_start3A_515 = tpu.memref_slice %arg7[%min3A_14, %dma_start3A_513, %dma_start3A_514] : memref<4x16x128xf32, #tpu.memory_space<hbm>> -> memref<1x16x128xf32, #tpu.memory_space<hbm>>
        %dma_start3A_516 = tpu.memref_squeeze %dma_start3A_515 : memref<1x16x128xf32, #tpu.memory_space<hbm>> -> memref<16x128xf32, #tpu.memory_space<hbm>>
        %dma_start3A_517 = arith.constant 0 : i32
        %dma_start3A_518 = arith.constant 0 : i32
        %dma_start3A_519 = tpu.memref_slice %arg7[%min3A_14, %dma_start3A_517, %dma_start3A_518] : memref<4x16x128xf32, #tpu.memory_space<hbm>> -> memref<1x16x128xf32, #tpu.memory_space<hbm>>
        %dma_start3A_520 = tpu.memref_squeeze %dma_start3A_519 : memref<1x16x128xf32, #tpu.memory_space<hbm>> -> memref<16x128xf32, #tpu.memory_space<hbm>>
        tpu.enqueue_dma source(%arg11 : memref<16x128xf32, #tpu.memory_space<vmem>>) target(%dma_start3A_520 : memref<16x128xf32, #tpu.memory_space<hbm>>) target_semaphore(%run_scoped3A : memref<!tpu.dma_semaphore, #tpu.memory_space<semaphore_mem>>)
        %dma_wait3A_521 = arith.constant 0 : i32
        %dma_wait3A_522 = arith.constant 0 : i32
        %dma_wait3A_523 = tpu.memref_slice %arg7[%min3A_14, %dma_wait3A_521, %dma_wait3A_522] : memref<4x16x128xf32, #tpu.memory_space<hbm>> -> memref<1x16x128xf32, #tpu.memory_space<hbm>>
        %dma_wait3A_524 = tpu.memref_squeeze %dma_wait3A_523 : memref<1x16x128xf32, #tpu.memory_space<hbm>> -> memref<16x128xf32, #tpu.memory_space<hbm>>
        %dma_wait3A_525 = arith.constant 0 : i32
        %dma_wait3A_526 = arith.constant 0 : i32
        %dma_wait3A_527 = tpu.memref_slice %arg7[%min3A_14, %dma_wait3A_525, %dma_wait3A_526] : memref<4x16x128xf32, #tpu.memory_space<hbm>> -> memref<1x16x128xf32, #tpu.memory_space<hbm>>
        %dma_wait3A_528 = tpu.memref_squeeze %dma_wait3A_527 : memref<1x16x128xf32, #tpu.memory_space<hbm>> -> memref<16x128xf32, #tpu.memory_space<hbm>>
        tpu.wait_dma2 semaphore(%run_scoped3A : memref<!tpu.dma_semaphore, #tpu.memory_space<semaphore_mem>>) src(%arg11 : memref<16x128xf32, #tpu.memory_space<vmem>>) dst(%dma_wait3A_528 : memref<16x128xf32, #tpu.memory_space<hbm>>)
        tpu.yield
      }) : () -> ()
    } else {
    }
    return
  }
}

#map = affine_map<(d0, d1) -> (0)>
#map1 = affine_map<(d0, d1) -> (0, 0, 0, 0)>
module attributes {stable_mosaic.version = 14 : i64} {
  func.func @_rewritten_body(%arg0: i32, %arg1: i32, %arg2: memref<401408xf32, #tpu.memory_space<hbm>>, %arg3: memref<1xf32, #tpu.memory_space<hbm>>, %arg4: memref<1xi32, #tpu.memory_space<hbm>>, %arg5: memref<2x2x16x16xf32, #tpu.memory_space<hbm>>, %arg6: memref<2x2x16x16xi32, #tpu.memory_space<hbm>>, %arg7: memref<6272xf32, #tpu.memory_space<vmem>>, %arg8: memref<16xf32, #tpu.memory_space<vmem>>, %arg9: memref<16xi32, #tpu.memory_space<vmem>>) attributes {dimension_semantics = [#tpu.dimension_semantics<core_parallel>, #tpu.dimension_semantics<subcore_parallel>], iteration_bounds = array<i64: 2, 16>, scalar_prefetch = 0 : i64, scratch_operands = 3 : i64, tpu.core_type = #tpu.core_type<sc_vector_subcore>, window_params = [{transform_indices = #map}, {transform_indices = #map}, {transform_indices = #map}, {transform_indices = #map1}, {transform_indices = #map1}]} {
    %empty_ref3A = memref.alloca() : memref<16xf32, #tpu.memory_space<vmem>>
    %empty_ref3A_0 = memref.alloca() : memref<16xi32, #tpu.memory_space<vmem>>
    "tpu.region"() ({
      %run_scoped3A_471 = tpu.sem_alloc : memref<!tpu.dma_semaphore, #tpu.memory_space<semaphore_mem>>
      %dma_start3A = arith.constant 0 : i32
      %dma_start3A_472 = tpu.memref_slice %empty_ref3A[%dma_start3A] : memref<16xf32, #tpu.memory_space<vmem>> -> memref<1xf32, #tpu.memory_space<vmem>>
      %dma_start3A_473 = arith.constant 0 : i32
      %dma_start3A_474 = tpu.memref_slice %empty_ref3A[%dma_start3A_473] : memref<16xf32, #tpu.memory_space<vmem>> -> memref<1xf32, #tpu.memory_space<vmem>>
      tpu.enqueue_dma source(%arg3 : memref<1xf32, #tpu.memory_space<hbm>>) target(%dma_start3A_474 : memref<1xf32, #tpu.memory_space<vmem>>) target_semaphore(%run_scoped3A_471 : memref<!tpu.dma_semaphore, #tpu.memory_space<semaphore_mem>>)
      %dma_start3A_475 = arith.constant 0 : i32
      %dma_start3A_476 = tpu.memref_slice %empty_ref3A_0[%dma_start3A_475] : memref<16xi32, #tpu.memory_space<vmem>> -> memref<1xi32, #tpu.memory_space<vmem>>
      %dma_start3A_477 = arith.constant 0 : i32
      %dma_start3A_478 = tpu.memref_slice %empty_ref3A_0[%dma_start3A_477] : memref<16xi32, #tpu.memory_space<vmem>> -> memref<1xi32, #tpu.memory_space<vmem>>
      tpu.enqueue_dma source(%arg4 : memref<1xi32, #tpu.memory_space<hbm>>) target(%dma_start3A_478 : memref<1xi32, #tpu.memory_space<vmem>>) target_semaphore(%run_scoped3A_471 : memref<!tpu.dma_semaphore, #tpu.memory_space<semaphore_mem>>)
      %dma_wait3A = arith.constant 0 : i32
      %dma_wait3A_479 = tpu.memref_slice %empty_ref3A[%dma_wait3A] : memref<16xf32, #tpu.memory_space<vmem>> -> memref<1xf32, #tpu.memory_space<vmem>>
      %dma_wait3A_480 = arith.constant 0 : i32
      %dma_wait3A_481 = tpu.memref_slice %empty_ref3A[%dma_wait3A_480] : memref<16xf32, #tpu.memory_space<vmem>> -> memref<1xf32, #tpu.memory_space<vmem>>
      tpu.wait_dma2 semaphore(%run_scoped3A_471 : memref<!tpu.dma_semaphore, #tpu.memory_space<semaphore_mem>>) src(%arg3 : memref<1xf32, #tpu.memory_space<hbm>>) dst(%dma_wait3A_481 : memref<1xf32, #tpu.memory_space<vmem>>)
      %dma_wait3A_482 = arith.constant 0 : i32
      %dma_wait3A_483 = tpu.memref_slice %empty_ref3A_0[%dma_wait3A_482] : memref<16xi32, #tpu.memory_space<vmem>> -> memref<1xi32, #tpu.memory_space<vmem>>
      %dma_wait3A_484 = arith.constant 0 : i32
      %dma_wait3A_485 = tpu.memref_slice %empty_ref3A_0[%dma_wait3A_484] : memref<16xi32, #tpu.memory_space<vmem>> -> memref<1xi32, #tpu.memory_space<vmem>>
      tpu.wait_dma2 semaphore(%run_scoped3A_471 : memref<!tpu.dma_semaphore, #tpu.memory_space<semaphore_mem>>) src(%arg4 : memref<1xi32, #tpu.memory_space<hbm>>) dst(%dma_wait3A_485 : memref<1xi32, #tpu.memory_space<vmem>>)
      tpu.yield
    }) : () -> ()
    %get3A = arith.constant 0 : index
    %get3A_1 = tpu.vector_load %empty_ref3A[%get3A] {strides = array<i32>} : memref<16xf32, #tpu.memory_space<vmem>>, vector<16xf32>,
    %get3A_2 = vector.shape_cast %get3A_1 : vector<16xf32> to vector<16xf32>
    %slice3A = vector.extract_strided_slice %get3A_2 {offsets = [0], sizes = [1], strides = [1]} : vector<16xf32> to vector<1xf32>
    %squeeze3A = vector.extract %slice3A[0] : f32 from vector<1xf32>
    %get3A_3 = arith.constant 0 : index
    %get3A_4 = tpu.vector_load %empty_ref3A_0[%get3A_3] {strides = array<i32>} : memref<16xi32, #tpu.memory_space<vmem>>, vector<16xi32>,
    %get3A_5 = vector.shape_cast %get3A_4 : vector<16xi32> to vector<16xi32>
    %slice3A_6 = vector.extract_strided_slice %get3A_5 {offsets = [0], sizes = [1], strides = [1]} : vector<16xi32> to vector<1xi32>
    %squeeze3A_7 = vector.extract %slice3A_6[0] : i32 from vector<1xi32>
    %mul3A = arith.constant 6272 : i32
    %mul3A_8 = arith.muli %arg1, %mul3A : i32
    %iota3A = tpu.iota {dimensions = array<i32: 0>} : vector<16xi32>
    %add3A = arith.constant 0 : i32
    %add3A_9 = arith.addi %add3A, %arg0 : i32
    %min3A = arith.constant 3 : i32
    %min3A_10 = arith.minsi %add3A_9, %min3A : i32
    %mul3A_11 = arith.constant 100352 : i32
    %mul3A_12 = arith.muli %min3A_10, %mul3A_11 : i32
    %add3A_13 = arith.addi %mul3A_12, %mul3A_8 : i32
    "tpu.region"() ({
      %run_scoped3A_471 = tpu.sem_alloc : memref<!tpu.dma_semaphore, #tpu.memory_space<semaphore_mem>>
      %dma_start3A = tpu.memref_slice %arg2[%add3A_13] : memref<401408xf32, #tpu.memory_space<hbm>> -> memref<6272xf32, #tpu.memory_space<hbm>>
      %dma_start3A_472 = tpu.memref_slice %arg2[%add3A_13] : memref<401408xf32, #tpu.memory_space<hbm>> -> memref<6272xf32, #tpu.memory_space<hbm>>
      tpu.enqueue_dma source(%dma_start3A_472 : memref<6272xf32, #tpu.memory_space<hbm>>) target(%arg7 : memref<6272xf32, #tpu.memory_space<vmem>>) target_semaphore(%run_scoped3A_471 : memref<!tpu.dma_semaphore, #tpu.memory_space<semaphore_mem>>)
      %dma_wait3A = tpu.memref_slice %arg2[%add3A_13] : memref<401408xf32, #tpu.memory_space<hbm>> -> memref<6272xf32, #tpu.memory_space<hbm>>
      %dma_wait3A_473 = tpu.memref_slice %arg2[%add3A_13] : memref<401408xf32, #tpu.memory_space<hbm>> -> memref<6272xf32, #tpu.memory_space<hbm>>
      tpu.wait_dma2 semaphore(%run_scoped3A_471 : memref<!tpu.dma_semaphore, #tpu.memory_space<semaphore_mem>>) src(%dma_wait3A_473 : memref<6272xf32, #tpu.memory_space<hbm>>) dst(%arg7 : memref<6272xf32, #tpu.memory_space<vmem>>)
      tpu.yield
    }) : () -> ()
    %broadcast_in_dim3A = vector.broadcast %squeeze3A : f32 to vector<16xf32>
    %broadcast_in_dim3A_14 = arith.constant 0 : i32
    %broadcast_in_dim3A_15 = vector.broadcast %broadcast_in_dim3A_14 : i32 to vector<16xi32>
    %broadcast_in_dim3A_16 = vector.broadcast %squeeze3A : f32 to vector<16xf32>
    %broadcast_in_dim3A_17 = arith.constant 0 : i32
    %broadcast_in_dim3A_18 = vector.broadcast %broadcast_in_dim3A_17 : i32 to vector<16xi32>
    %scan3A = arith.constant 0 : i32
    %scan3A_19 = arith.constant 392 : i32
    %scan3A_20 = arith.addi %scan3A, %scan3A_19 : i32
    %scan3A_21 = arith.constant 1 : i32
    %scan3A_22:4 = scf.for %scan3A_471 = %scan3A to %scan3A_20 step %scan3A_21 iter_args(%scan3A_472 = %broadcast_in_dim3A, %scan3A_473 = %broadcast_in_dim3A_15, %scan3A_474 = %broadcast_in_dim3A_16, %scan3A_475 = %broadcast_in_dim3A_18) -> (vector<16xf32>, vector<16xi32>, vector<16xf32>, vector<16xi32>)  : i32 {
      %mul3A_476 = arith.constant 16 : i32
      %mul3A_477 = arith.muli %scan3A_471, %mul3A_476 : i32
      %get3A_478 = arith.index_cast %mul3A_477 : i32 to index
      %get3A_479 = tpu.vector_load %arg7[%get3A_478] {strides = array<i32>} : memref<6272xf32, #tpu.memory_space<vmem>>, vector<16xf32>,
      %get3A_480 = vector.shape_cast %get3A_479 : vector<16xf32> to vector<16xf32>
      %mul3A_481 = arith.constant 16 : i32
      %mul3A_482 = arith.muli %scan3A_471, %mul3A_481 : i32
      %add3A_483 = arith.addi %mul3A_482, %mul3A_8 : i32
      %add3A_484 = vector.broadcast %add3A_483 : i32 to vector<16xi32>
      %add3A_485 = arith.addi %iota3A, %add3A_484 : vector<16xi32>
      %lt3A = arith.cmpf olt, %get3A_480, %scan3A_472 : vector<16xf32>
      %lt3A_486 = arith.cmpf olt, %get3A_480, %scan3A_474 : vector<16xf32>
      %select_n3A_487 = arith.select %lt3A_486, %get3A_480, %scan3A_474 : vector<16xi1>, vector<16xf32>
      %select_n3A_488 = arith.select %lt3A, %scan3A_472, %select_n3A_487 : vector<16xi1>, vector<16xf32>
      %select_n3A_489 = arith.select %lt3A_486, %add3A_485, %scan3A_475 : vector<16xi1>, vector<16xi32>
      %select_n3A_490 = arith.select %lt3A, %scan3A_473, %select_n3A_489 : vector<16xi1>, vector<16xi32>
      %select_n3A_491 = arith.select %lt3A, %get3A_480, %scan3A_472 : vector<16xi1>, vector<16xf32>
      %select_n3A_492 = arith.select %lt3A, %add3A_485, %scan3A_473 : vector<16xi1>, vector<16xi32>
      scf.yield %select_n3A_491, %select_n3A_492, %select_n3A_488, %select_n3A_490 : vector<16xf32>, vector<16xi32>, vector<16xf32>, vector<16xi32>
    }
    %scan3A_23 = arith.constant 392 : i32
    %iota3A_24 = tpu.iota {dimensions = array<i32: 0>} : vector<16xi32>
    %xor3A = arith.constant 1 : i32
    %xor3A_25 = vector.broadcast %xor3A : i32 to vector<16xi32>
    %xor3A_26 = arith.xori %iota3A_24, %xor3A_25 : vector<16xi32>
    %broadcast_in_dim3A_27 = vector.shape_cast %xor3A_26 : vector<16xi32> to vector<16x1xi32>
    %gather3A = vector.shape_cast %broadcast_in_dim3A_27 : vector<16x1xi32> to vector<16xi32>
    %gather3A_28 = tpu.dynamic_gather %scan3A_22#0[%gather3A] in [0] : vector<16xf32>, vector<16xi32> -> vector<16xf32>
    %min3A_29 = arith.minimumf %scan3A_22#0, %gather3A_28 : vector<16xf32>
    %xor3A_30 = arith.constant 2 : i32
    %xor3A_31 = vector.broadcast %xor3A_30 : i32 to vector<16xi32>
    %xor3A_32 = arith.xori %iota3A_24, %xor3A_31 : vector<16xi32>
    %broadcast_in_dim3A_33 = vector.shape_cast %xor3A_32 : vector<16xi32> to vector<16x1xi32>
    %gather3A_34 = vector.shape_cast %broadcast_in_dim3A_33 : vector<16x1xi32> to vector<16xi32>
    %gather3A_35 = tpu.dynamic_gather %min3A_29[%gather3A_34] in [0] : vector<16xf32>, vector<16xi32> -> vector<16xf32>
    %min3A_36 = arith.minimumf %min3A_29, %gather3A_35 : vector<16xf32>
    %xor3A_37 = arith.constant 4 : i32
    %xor3A_38 = vector.broadcast %xor3A_37 : i32 to vector<16xi32>
    %xor3A_39 = arith.xori %iota3A_24, %xor3A_38 : vector<16xi32>
    %broadcast_in_dim3A_40 = vector.shape_cast %xor3A_39 : vector<16xi32> to vector<16x1xi32>
    %gather3A_41 = vector.shape_cast %broadcast_in_dim3A_40 : vector<16x1xi32> to vector<16xi32>
    %gather3A_42 = tpu.dynamic_gather %min3A_36[%gather3A_41] in [0] : vector<16xf32>, vector<16xi32> -> vector<16xf32>
    %min3A_43 = arith.minimumf %min3A_36, %gather3A_42 : vector<16xf32>
    %xor3A_44 = arith.constant 8 : i32
    %xor3A_45 = vector.broadcast %xor3A_44 : i32 to vector<16xi32>
    %xor3A_46 = arith.xori %iota3A_24, %xor3A_45 : vector<16xi32>
    %broadcast_in_dim3A_47 = vector.shape_cast %xor3A_46 : vector<16xi32> to vector<16x1xi32>
    %gather3A_48 = vector.shape_cast %broadcast_in_dim3A_47 : vector<16x1xi32> to vector<16xi32>
    %gather3A_49 = tpu.dynamic_gather %min3A_43[%gather3A_48] in [0] : vector<16xf32>, vector<16xi32> -> vector<16xf32>
    %min3A_50 = arith.minimumf %min3A_43, %gather3A_49 : vector<16xf32>
    %eq3A = arith.cmpf oeq, %scan3A_22#0, %min3A_50 : vector<16xf32>
    %broadcast_in_dim3A_51 = vector.broadcast %squeeze3A_7 : i32 to vector<16xi32>
    %select_n3A = arith.select %eq3A, %scan3A_22#1, %broadcast_in_dim3A_51 : vector<16xi1>, vector<16xi32>
    %iota3A_52 = tpu.iota {dimensions = array<i32: 0>} : vector<16xi32>
    %xor3A_53 = arith.constant 1 : i32
    %xor3A_54 = vector.broadcast %xor3A_53 : i32 to vector<16xi32>
    %xor3A_55 = arith.xori %iota3A_52, %xor3A_54 : vector<16xi32>
    %broadcast_in_dim3A_56 = vector.shape_cast %xor3A_55 : vector<16xi32> to vector<16x1xi32>
    %gather3A_57 = vector.shape_cast %broadcast_in_dim3A_56 : vector<16x1xi32> to vector<16xi32>
    %gather3A_58 = tpu.dynamic_gather %select_n3A[%gather3A_57] in [0] : vector<16xi32>, vector<16xi32> -> vector<16xi32>
    %min3A_59 = arith.minsi %select_n3A, %gather3A_58 : vector<16xi32>
    %xor3A_60 = arith.constant 2 : i32
    %xor3A_61 = vector.broadcast %xor3A_60 : i32 to vector<16xi32>
    %xor3A_62 = arith.xori %iota3A_52, %xor3A_61 : vector<16xi32>
    %broadcast_in_dim3A_63 = vector.shape_cast %xor3A_62 : vector<16xi32> to vector<16x1xi32>
    %gather3A_64 = vector.shape_cast %broadcast_in_dim3A_63 : vector<16x1xi32> to vector<16xi32>
    %gather3A_65 = tpu.dynamic_gather %min3A_59[%gather3A_64] in [0] : vector<16xi32>, vector<16xi32> -> vector<16xi32>
    %min3A_66 = arith.minsi %min3A_59, %gather3A_65 : vector<16xi32>
    %xor3A_67 = arith.constant 4 : i32
    %xor3A_68 = vector.broadcast %xor3A_67 : i32 to vector<16xi32>
    %xor3A_69 = arith.xori %iota3A_52, %xor3A_68 : vector<16xi32>
    %broadcast_in_dim3A_70 = vector.shape_cast %xor3A_69 : vector<16xi32> to vector<16x1xi32>
    %gather3A_71 = vector.shape_cast %broadcast_in_dim3A_70 : vector<16x1xi32> to vector<16xi32>
    %gather3A_72 = tpu.dynamic_gather %min3A_66[%gather3A_71] in [0] : vector<16xi32>, vector<16xi32> -> vector<16xi32>
    %min3A_73 = arith.minsi %min3A_66, %gather3A_72 : vector<16xi32>
    %xor3A_74 = arith.constant 8 : i32
    %xor3A_75 = vector.broadcast %xor3A_74 : i32 to vector<16xi32>
    %xor3A_76 = arith.xori %iota3A_52, %xor3A_75 : vector<16xi32>
    %broadcast_in_dim3A_77 = vector.shape_cast %xor3A_76 : vector<16xi32> to vector<16x1xi32>
    %gather3A_78 = vector.shape_cast %broadcast_in_dim3A_77 : vector<16x1xi32> to vector<16xi32>
    %gather3A_79 = tpu.dynamic_gather %min3A_73[%gather3A_78] in [0] : vector<16xi32>, vector<16xi32> -> vector<16xi32>
    %min3A_80 = arith.minsi %min3A_73, %gather3A_79 : vector<16xi32>
    %eq3A_81 = arith.cmpi eq, %scan3A_22#1, %min3A_80 : vector<16xi32>
    %broadcast_in_dim3A_82 = vector.broadcast %squeeze3A : f32 to vector<16xf32>
    %select_n3A_83 = arith.select %eq3A_81, %broadcast_in_dim3A_82, %scan3A_22#0 : vector<16xi1>, vector<16xf32>
    %iota3A_84 = tpu.iota {dimensions = array<i32: 0>} : vector<16xi32>
    %xor3A_85 = arith.constant 1 : i32
    %xor3A_86 = vector.broadcast %xor3A_85 : i32 to vector<16xi32>
    %xor3A_87 = arith.xori %iota3A_84, %xor3A_86 : vector<16xi32>
    %broadcast_in_dim3A_88 = vector.shape_cast %xor3A_87 : vector<16xi32> to vector<16x1xi32>
    %gather3A_89 = vector.shape_cast %broadcast_in_dim3A_88 : vector<16x1xi32> to vector<16xi32>
    %gather3A_90 = tpu.dynamic_gather %select_n3A_83[%gather3A_89] in [0] : vector<16xf32>, vector<16xi32> -> vector<16xf32>
    %min3A_91 = arith.minimumf %select_n3A_83, %gather3A_90 : vector<16xf32>
    %xor3A_92 = arith.constant 2 : i32
    %xor3A_93 = vector.broadcast %xor3A_92 : i32 to vector<16xi32>
    %xor3A_94 = arith.xori %iota3A_84, %xor3A_93 : vector<16xi32>
    %broadcast_in_dim3A_95 = vector.shape_cast %xor3A_94 : vector<16xi32> to vector<16x1xi32>
    %gather3A_96 = vector.shape_cast %broadcast_in_dim3A_95 : vector<16x1xi32> to vector<16xi32>
    %gather3A_97 = tpu.dynamic_gather %min3A_91[%gather3A_96] in [0] : vector<16xf32>, vector<16xi32> -> vector<16xf32>
    %min3A_98 = arith.minimumf %min3A_91, %gather3A_97 : vector<16xf32>
    %xor3A_99 = arith.constant 4 : i32
    %xor3A_100 = vector.broadcast %xor3A_99 : i32 to vector<16xi32>
    %xor3A_101 = arith.xori %iota3A_84, %xor3A_100 : vector<16xi32>
    %broadcast_in_dim3A_102 = vector.shape_cast %xor3A_101 : vector<16xi32> to vector<16x1xi32>
    %gather3A_103 = vector.shape_cast %broadcast_in_dim3A_102 : vector<16x1xi32> to vector<16xi32>
    %gather3A_104 = tpu.dynamic_gather %min3A_98[%gather3A_103] in [0] : vector<16xf32>, vector<16xi32> -> vector<16xf32>
    %min3A_105 = arith.minimumf %min3A_98, %gather3A_104 : vector<16xf32>
    %xor3A_106 = arith.constant 8 : i32
    %xor3A_107 = vector.broadcast %xor3A_106 : i32 to vector<16xi32>
    %xor3A_108 = arith.xori %iota3A_84, %xor3A_107 : vector<16xi32>
    %broadcast_in_dim3A_109 = vector.shape_cast %xor3A_108 : vector<16xi32> to vector<16x1xi32>
    %gather3A_110 = vector.shape_cast %broadcast_in_dim3A_109 : vector<16x1xi32> to vector<16xi32>
    %gather3A_111 = tpu.dynamic_gather %min3A_105[%gather3A_110] in [0] : vector<16xf32>, vector<16xi32> -> vector<16xf32>
    %min3A_112 = arith.minimumf %min3A_105, %gather3A_111 : vector<16xf32>
    %iota3A_113 = tpu.iota {dimensions = array<i32: 0>} : vector<16xi32>
    %xor3A_114 = arith.constant 1 : i32
    %xor3A_115 = vector.broadcast %xor3A_114 : i32 to vector<16xi32>
    %xor3A_116 = arith.xori %iota3A_113, %xor3A_115 : vector<16xi32>
    %broadcast_in_dim3A_117 = vector.shape_cast %xor3A_116 : vector<16xi32> to vector<16x1xi32>
    %gather3A_118 = vector.shape_cast %broadcast_in_dim3A_117 : vector<16x1xi32> to vector<16xi32>
    %gather3A_119 = tpu.dynamic_gather %scan3A_22#2[%gather3A_118] in [0] : vector<16xf32>, vector<16xi32> -> vector<16xf32>
    %min3A_120 = arith.minimumf %scan3A_22#2, %gather3A_119 : vector<16xf32>
    %xor3A_121 = arith.constant 2 : i32
    %xor3A_122 = vector.broadcast %xor3A_121 : i32 to vector<16xi32>
    %xor3A_123 = arith.xori %iota3A_113, %xor3A_122 : vector<16xi32>
    %broadcast_in_dim3A_124 = vector.shape_cast %xor3A_123 : vector<16xi32> to vector<16x1xi32>
    %gather3A_125 = vector.shape_cast %broadcast_in_dim3A_124 : vector<16x1xi32> to vector<16xi32>
    %gather3A_126 = tpu.dynamic_gather %min3A_120[%gather3A_125] in [0] : vector<16xf32>, vector<16xi32> -> vector<16xf32>
    %min3A_127 = arith.minimumf %min3A_120, %gather3A_126 : vector<16xf32>
    %xor3A_128 = arith.constant 4 : i32
    %xor3A_129 = vector.broadcast %xor3A_128 : i32 to vector<16xi32>
    %xor3A_130 = arith.xori %iota3A_113, %xor3A_129 : vector<16xi32>
    %broadcast_in_dim3A_131 = vector.shape_cast %xor3A_130 : vector<16xi32> to vector<16x1xi32>
    %gather3A_132 = vector.shape_cast %broadcast_in_dim3A_131 : vector<16x1xi32> to vector<16xi32>
    %gather3A_133 = tpu.dynamic_gather %min3A_127[%gather3A_132] in [0] : vector<16xf32>, vector<16xi32> -> vector<16xf32>
    %min3A_134 = arith.minimumf %min3A_127, %gather3A_133 : vector<16xf32>
    %xor3A_135 = arith.constant 8 : i32
    %xor3A_136 = vector.broadcast %xor3A_135 : i32 to vector<16xi32>
    %xor3A_137 = arith.xori %iota3A_113, %xor3A_136 : vector<16xi32>
    %broadcast_in_dim3A_138 = vector.shape_cast %xor3A_137 : vector<16xi32> to vector<16x1xi32>
    %gather3A_139 = vector.shape_cast %broadcast_in_dim3A_138 : vector<16x1xi32> to vector<16xi32>
    %gather3A_140 = tpu.dynamic_gather %min3A_134[%gather3A_139] in [0] : vector<16xf32>, vector<16xi32> -> vector<16xf32>
    %min3A_141 = arith.minimumf %min3A_134, %gather3A_140 : vector<16xf32>
    %min3A_142 = arith.minimumf %min3A_112, %min3A_141 : vector<16xf32>
    %eq3A_143 = arith.cmpf oeq, %select_n3A_83, %min3A_142 : vector<16xf32>
    %broadcast_in_dim3A_144 = vector.broadcast %squeeze3A_7 : i32 to vector<16xi32>
    %select_n3A_145 = arith.select %eq3A_143, %scan3A_22#1, %broadcast_in_dim3A_144 : vector<16xi1>, vector<16xi32>
    %iota3A_146 = tpu.iota {dimensions = array<i32: 0>} : vector<16xi32>
    %xor3A_147 = arith.constant 1 : i32
    %xor3A_148 = vector.broadcast %xor3A_147 : i32 to vector<16xi32>
    %xor3A_149 = arith.xori %iota3A_146, %xor3A_148 : vector<16xi32>
    %broadcast_in_dim3A_150 = vector.shape_cast %xor3A_149 : vector<16xi32> to vector<16x1xi32>
    %gather3A_151 = vector.shape_cast %broadcast_in_dim3A_150 : vector<16x1xi32> to vector<16xi32>
    %gather3A_152 = tpu.dynamic_gather %select_n3A_145[%gather3A_151] in [0] : vector<16xi32>, vector<16xi32> -> vector<16xi32>
    %min3A_153 = arith.minsi %select_n3A_145, %gather3A_152 : vector<16xi32>
    %xor3A_154 = arith.constant 2 : i32
    %xor3A_155 = vector.broadcast %xor3A_154 : i32 to vector<16xi32>
    %xor3A_156 = arith.xori %iota3A_146, %xor3A_155 : vector<16xi32>
    %broadcast_in_dim3A_157 = vector.shape_cast %xor3A_156 : vector<16xi32> to vector<16x1xi32>
    %gather3A_158 = vector.shape_cast %broadcast_in_dim3A_157 : vector<16x1xi32> to vector<16xi32>
    %gather3A_159 = tpu.dynamic_gather %min3A_153[%gather3A_158] in [0] : vector<16xi32>, vector<16xi32> -> vector<16xi32>
    %min3A_160 = arith.minsi %min3A_153, %gather3A_159 : vector<16xi32>
    %xor3A_161 = arith.constant 4 : i32
    %xor3A_162 = vector.broadcast %xor3A_161 : i32 to vector<16xi32>
    %xor3A_163 = arith.xori %iota3A_146, %xor3A_162 : vector<16xi32>
    %broadcast_in_dim3A_164 = vector.shape_cast %xor3A_163 : vector<16xi32> to vector<16x1xi32>
    %gather3A_165 = vector.shape_cast %broadcast_in_dim3A_164 : vector<16x1xi32> to vector<16xi32>
    %gather3A_166 = tpu.dynamic_gather %min3A_160[%gather3A_165] in [0] : vector<16xi32>, vector<16xi32> -> vector<16xi32>
    %min3A_167 = arith.minsi %min3A_160, %gather3A_166 : vector<16xi32>
    %xor3A_168 = arith.constant 8 : i32
    %xor3A_169 = vector.broadcast %xor3A_168 : i32 to vector<16xi32>
    %xor3A_170 = arith.xori %iota3A_146, %xor3A_169 : vector<16xi32>
    %broadcast_in_dim3A_171 = vector.shape_cast %xor3A_170 : vector<16xi32> to vector<16x1xi32>
    %gather3A_172 = vector.shape_cast %broadcast_in_dim3A_171 : vector<16x1xi32> to vector<16xi32>
    %gather3A_173 = tpu.dynamic_gather %min3A_167[%gather3A_172] in [0] : vector<16xi32>, vector<16xi32> -> vector<16xi32>
    %min3A_174 = arith.minsi %min3A_167, %gather3A_173 : vector<16xi32>
    %eq3A_175 = arith.cmpf oeq, %scan3A_22#2, %min3A_142 : vector<16xf32>
    %broadcast_in_dim3A_176 = vector.broadcast %squeeze3A_7 : i32 to vector<16xi32>
    %select_n3A_177 = arith.select %eq3A_175, %scan3A_22#3, %broadcast_in_dim3A_176 : vector<16xi1>, vector<16xi32>
    %iota3A_178 = tpu.iota {dimensions = array<i32: 0>} : vector<16xi32>
    %xor3A_179 = arith.constant 1 : i32
    %xor3A_180 = vector.broadcast %xor3A_179 : i32 to vector<16xi32>
    %xor3A_181 = arith.xori %iota3A_178, %xor3A_180 : vector<16xi32>
    %broadcast_in_dim3A_182 = vector.shape_cast %xor3A_181 : vector<16xi32> to vector<16x1xi32>
    %gather3A_183 = vector.shape_cast %broadcast_in_dim3A_182 : vector<16x1xi32> to vector<16xi32>
    %gather3A_184 = tpu.dynamic_gather %select_n3A_177[%gather3A_183] in [0] : vector<16xi32>, vector<16xi32> -> vector<16xi32>
    %min3A_185 = arith.minsi %select_n3A_177, %gather3A_184 : vector<16xi32>
    %xor3A_186 = arith.constant 2 : i32
    %xor3A_187 = vector.broadcast %xor3A_186 : i32 to vector<16xi32>
    %xor3A_188 = arith.xori %iota3A_178, %xor3A_187 : vector<16xi32>
    %broadcast_in_dim3A_189 = vector.shape_cast %xor3A_188 : vector<16xi32> to vector<16x1xi32>
    %gather3A_190 = vector.shape_cast %broadcast_in_dim3A_189 : vector<16x1xi32> to vector<16xi32>
    %gather3A_191 = tpu.dynamic_gather %min3A_185[%gather3A_190] in [0] : vector<16xi32>, vector<16xi32> -> vector<16xi32>
    %min3A_192 = arith.minsi %min3A_185, %gather3A_191 : vector<16xi32>
    %xor3A_193 = arith.constant 4 : i32
    %xor3A_194 = vector.broadcast %xor3A_193 : i32 to vector<16xi32>
    %xor3A_195 = arith.xori %iota3A_178, %xor3A_194 : vector<16xi32>
    %broadcast_in_dim3A_196 = vector.shape_cast %xor3A_195 : vector<16xi32> to vector<16x1xi32>
    %gather3A_197 = vector.shape_cast %broadcast_in_dim3A_196 : vector<16x1xi32> to vector<16xi32>
    %gather3A_198 = tpu.dynamic_gather %min3A_192[%gather3A_197] in [0] : vector<16xi32>, vector<16xi32> -> vector<16xi32>
    %min3A_199 = arith.minsi %min3A_192, %gather3A_198 : vector<16xi32>
    %xor3A_200 = arith.constant 8 : i32
    %xor3A_201 = vector.broadcast %xor3A_200 : i32 to vector<16xi32>
    %xor3A_202 = arith.xori %iota3A_178, %xor3A_201 : vector<16xi32>
    %broadcast_in_dim3A_203 = vector.shape_cast %xor3A_202 : vector<16xi32> to vector<16x1xi32>
    %gather3A_204 = vector.shape_cast %broadcast_in_dim3A_203 : vector<16x1xi32> to vector<16xi32>
    %gather3A_205 = tpu.dynamic_gather %min3A_199[%gather3A_204] in [0] : vector<16xi32>, vector<16xi32> -> vector<16xi32>
    %min3A_206 = arith.minsi %min3A_199, %gather3A_205 : vector<16xi32>
    %min3A_207 = arith.minsi %min3A_174, %min3A_206 : vector<16xi32>
    %eq3A_208 = arith.constant 0 : i32
    %eq3A_209 = vector.broadcast %eq3A_208 : i32 to vector<16xi32>
    %eq3A_210 = arith.cmpi eq, %iota3A, %eq3A_209 : vector<16xi32>
    %eq3A_211 = arith.constant 1 : i32
    %eq3A_212 = vector.broadcast %eq3A_211 : i32 to vector<16xi32>
    %eq3A_213 = arith.cmpi eq, %iota3A, %eq3A_212 : vector<16xi32>
    %broadcast_in_dim3A_214 = vector.broadcast %squeeze3A : f32 to vector<16xf32>
    %select_n3A_215 = arith.select %eq3A_213, %min3A_142, %broadcast_in_dim3A_214 : vector<16xi1>, vector<16xf32>
    %select_n3A_216 = arith.select %eq3A_210, %min3A_50, %select_n3A_215 : vector<16xi1>, vector<16xf32>
    %swap3A = arith.constant 0 : index
    %swap3A_217 = tpu.vector_load %arg8[%swap3A] {strides = array<i32>} : memref<16xf32, #tpu.memory_space<vmem>>, vector<16xf32>,
    %swap3A_218 = vector.shape_cast %swap3A_217 : vector<16xf32> to vector<16xf32>
    %swap3A_219 = vector.shape_cast %select_n3A_216 : vector<16xf32> to vector<16xf32>
    tpu.vector_store %arg8[%swap3A], %swap3A_219 {strides = array<i32>} : memref<16xf32, #tpu.memory_space<vmem>>, vector<16xf32>,
    %eq3A_220 = arith.constant 0 : i32
    %eq3A_221 = vector.broadcast %eq3A_220 : i32 to vector<16xi32>
    %eq3A_222 = arith.cmpi eq, %iota3A, %eq3A_221 : vector<16xi32>
    %eq3A_223 = arith.constant 1 : i32
    %eq3A_224 = vector.broadcast %eq3A_223 : i32 to vector<16xi32>
    %eq3A_225 = arith.cmpi eq, %iota3A, %eq3A_224 : vector<16xi32>
    %broadcast_in_dim3A_226 = arith.constant 0 : i32
    %broadcast_in_dim3A_227 = vector.broadcast %broadcast_in_dim3A_226 : i32 to vector<16xi32>
    %select_n3A_228 = arith.select %eq3A_225, %min3A_207, %broadcast_in_dim3A_227 : vector<16xi1>, vector<16xi32>
    %select_n3A_229 = arith.select %eq3A_222, %min3A_80, %select_n3A_228 : vector<16xi1>, vector<16xi32>
    %swap3A_230 = arith.constant 0 : index
    %swap3A_231 = tpu.vector_load %arg9[%swap3A_230] {strides = array<i32>} : memref<16xi32, #tpu.memory_space<vmem>>, vector<16xi32>,
    %swap3A_232 = vector.shape_cast %swap3A_231 : vector<16xi32> to vector<16xi32>
    %swap3A_233 = vector.shape_cast %select_n3A_229 : vector<16xi32> to vector<16xi32>
    tpu.vector_store %arg9[%swap3A_230], %swap3A_233 {strides = array<i32>} : memref<16xi32, #tpu.memory_space<vmem>>, vector<16xi32>,
    %run_scoped3A = arith.constant 0 : i32
    "tpu.region"() ({
      %run_scoped3A_471 = tpu.sem_alloc : memref<!tpu.dma_semaphore, #tpu.memory_space<semaphore_mem>>
      %dma_start3A = arith.constant 0 : i32
      %dma_start3A_472 = tpu.memref_slice %arg5[%run_scoped3A, %arg0, %arg1, %dma_start3A] : memref<2x2x16x16xf32, #tpu.memory_space<hbm>> -> memref<1x1x1x16xf32, #tpu.memory_space<hbm>>
      %dma_start3A_473 = tpu.memref_squeeze %dma_start3A_472 : memref<1x1x1x16xf32, #tpu.memory_space<hbm>> -> memref<16xf32, #tpu.memory_space<hbm>>
      %dma_start3A_474 = arith.constant 0 : i32
      %dma_start3A_475 = tpu.memref_slice %arg5[%run_scoped3A, %arg0, %arg1, %dma_start3A_474] : memref<2x2x16x16xf32, #tpu.memory_space<hbm>> -> memref<1x1x1x16xf32, #tpu.memory_space<hbm>>
      %dma_start3A_476 = tpu.memref_squeeze %dma_start3A_475 : memref<1x1x1x16xf32, #tpu.memory_space<hbm>> -> memref<16xf32, #tpu.memory_space<hbm>>
      tpu.enqueue_dma source(%arg8 : memref<16xf32, #tpu.memory_space<vmem>>) target(%dma_start3A_476 : memref<16xf32, #tpu.memory_space<hbm>>) target_semaphore(%run_scoped3A_471 : memref<!tpu.dma_semaphore, #tpu.memory_space<semaphore_mem>>)
      %dma_wait3A = arith.constant 0 : i32
      %dma_wait3A_477 = tpu.memref_slice %arg5[%run_scoped3A, %arg0, %arg1, %dma_wait3A] : memref<2x2x16x16xf32, #tpu.memory_space<hbm>> -> memref<1x1x1x16xf32, #tpu.memory_space<hbm>>
      %dma_wait3A_478 = tpu.memref_squeeze %dma_wait3A_477 : memref<1x1x1x16xf32, #tpu.memory_space<hbm>> -> memref<16xf32, #tpu.memory_space<hbm>>
      %dma_wait3A_479 = arith.constant 0 : i32
      %dma_wait3A_480 = tpu.memref_slice %arg5[%run_scoped3A, %arg0, %arg1, %dma_wait3A_479] : memref<2x2x16x16xf32, #tpu.memory_space<hbm>> -> memref<1x1x1x16xf32, #tpu.memory_space<hbm>>
      %dma_wait3A_481 = tpu.memref_squeeze %dma_wait3A_480 : memref<1x1x1x16xf32, #tpu.memory_space<hbm>> -> memref<16xf32, #tpu.memory_space<hbm>>
      tpu.wait_dma2 semaphore(%run_scoped3A_471 : memref<!tpu.dma_semaphore, #tpu.memory_space<semaphore_mem>>) src(%arg8 : memref<16xf32, #tpu.memory_space<vmem>>) dst(%dma_wait3A_481 : memref<16xf32, #tpu.memory_space<hbm>>)
      tpu.yield
    }) : () -> ()
    %run_scoped3A_234 = arith.constant 0 : i32
    "tpu.region"() ({
      %run_scoped3A_471 = tpu.sem_alloc : memref<!tpu.dma_semaphore, #tpu.memory_space<semaphore_mem>>
      %dma_start3A = arith.constant 0 : i32
      %dma_start3A_472 = tpu.memref_slice %arg6[%run_scoped3A_234, %arg0, %arg1, %dma_start3A] : memref<2x2x16x16xi32, #tpu.memory_space<hbm>> -> memref<1x1x1x16xi32, #tpu.memory_space<hbm>>
      %dma_start3A_473 = tpu.memref_squeeze %dma_start3A_472 : memref<1x1x1x16xi32, #tpu.memory_space<hbm>> -> memref<16xi32, #tpu.memory_space<hbm>>
      %dma_start3A_474 = arith.constant 0 : i32
      %dma_start3A_475 = tpu.memref_slice %arg6[%run_scoped3A_234, %arg0, %arg1, %dma_start3A_474] : memref<2x2x16x16xi32, #tpu.memory_space<hbm>> -> memref<1x1x1x16xi32, #tpu.memory_space<hbm>>
      %dma_start3A_476 = tpu.memref_squeeze %dma_start3A_475 : memref<1x1x1x16xi32, #tpu.memory_space<hbm>> -> memref<16xi32, #tpu.memory_space<hbm>>
      tpu.enqueue_dma source(%arg9 : memref<16xi32, #tpu.memory_space<vmem>>) target(%dma_start3A_476 : memref<16xi32, #tpu.memory_space<hbm>>) target_semaphore(%run_scoped3A_471 : memref<!tpu.dma_semaphore, #tpu.memory_space<semaphore_mem>>)
      %dma_wait3A = arith.constant 0 : i32
      %dma_wait3A_477 = tpu.memref_slice %arg6[%run_scoped3A_234, %arg0, %arg1, %dma_wait3A] : memref<2x2x16x16xi32, #tpu.memory_space<hbm>> -> memref<1x1x1x16xi32, #tpu.memory_space<hbm>>
      %dma_wait3A_478 = tpu.memref_squeeze %dma_wait3A_477 : memref<1x1x1x16xi32, #tpu.memory_space<hbm>> -> memref<16xi32, #tpu.memory_space<hbm>>
      %dma_wait3A_479 = arith.constant 0 : i32
      %dma_wait3A_480 = tpu.memref_slice %arg6[%run_scoped3A_234, %arg0, %arg1, %dma_wait3A_479] : memref<2x2x16x16xi32, #tpu.memory_space<hbm>> -> memref<1x1x1x16xi32, #tpu.memory_space<hbm>>
      %dma_wait3A_481 = tpu.memref_squeeze %dma_wait3A_480 : memref<1x1x1x16xi32, #tpu.memory_space<hbm>> -> memref<16xi32, #tpu.memory_space<hbm>>
      tpu.wait_dma2 semaphore(%run_scoped3A_471 : memref<!tpu.dma_semaphore, #tpu.memory_space<semaphore_mem>>) src(%arg9 : memref<16xi32, #tpu.memory_space<vmem>>) dst(%dma_wait3A_481 : memref<16xi32, #tpu.memory_space<hbm>>)
      tpu.yield
    }) : () -> ()
    %add3A_235 = arith.constant 2 : i32
    %add3A_236 = arith.addi %add3A_235, %arg0 : i32
    %min3A_237 = arith.constant 3 : i32
    %min3A_238 = arith.minsi %add3A_236, %min3A_237 : i32
    %mul3A_239 = arith.constant 100352 : i32
    %mul3A_240 = arith.muli %min3A_238, %mul3A_239 : i32
    %add3A_241 = arith.addi %mul3A_240, %mul3A_8 : i32
    "tpu.region"() ({
      %run_scoped3A_471 = tpu.sem_alloc : memref<!tpu.dma_semaphore, #tpu.memory_space<semaphore_mem>>
      %dma_start3A = tpu.memref_slice %arg2[%add3A_241] : memref<401408xf32, #tpu.memory_space<hbm>> -> memref<6272xf32, #tpu.memory_space<hbm>>
      %dma_start3A_472 = tpu.memref_slice %arg2[%add3A_241] : memref<401408xf32, #tpu.memory_space<hbm>> -> memref<6272xf32, #tpu.memory_space<hbm>>
      tpu.enqueue_dma source(%dma_start3A_472 : memref<6272xf32, #tpu.memory_space<hbm>>) target(%arg7 : memref<6272xf32, #tpu.memory_space<vmem>>) target_semaphore(%run_scoped3A_471 : memref<!tpu.dma_semaphore, #tpu.memory_space<semaphore_mem>>)
      %dma_wait3A = tpu.memref_slice %arg2[%add3A_241] : memref<401408xf32, #tpu.memory_space<hbm>> -> memref<6272xf32, #tpu.memory_space<hbm>>
      %dma_wait3A_473 = tpu.memref_slice %arg2[%add3A_241] : memref<401408xf32, #tpu.memory_space<hbm>> -> memref<6272xf32, #tpu.memory_space<hbm>>
      tpu.wait_dma2 semaphore(%run_scoped3A_471 : memref<!tpu.dma_semaphore, #tpu.memory_space<semaphore_mem>>) src(%dma_wait3A_473 : memref<6272xf32, #tpu.memory_space<hbm>>) dst(%arg7 : memref<6272xf32, #tpu.memory_space<vmem>>)
      tpu.yield
    }) : () -> ()
    %broadcast_in_dim3A_242 = vector.broadcast %squeeze3A : f32 to vector<16xf32>
    %broadcast_in_dim3A_243 = arith.constant 0 : i32
    %broadcast_in_dim3A_244 = vector.broadcast %broadcast_in_dim3A_243 : i32 to vector<16xi32>
    %broadcast_in_dim3A_245 = vector.broadcast %squeeze3A : f32 to vector<16xf32>
    %broadcast_in_dim3A_246 = arith.constant 0 : i32
    %broadcast_in_dim3A_247 = vector.broadcast %broadcast_in_dim3A_246 : i32 to vector<16xi32>
    %scan3A_248 = arith.constant 0 : i32
    %scan3A_249 = arith.constant 392 : i32
    %scan3A_250 = arith.addi %scan3A_248, %scan3A_249 : i32
    %scan3A_251 = arith.constant 1 : i32
    %scan3A_252:4 = scf.for %scan3A_471 = %scan3A_248 to %scan3A_250 step %scan3A_251 iter_args(%scan3A_472 = %broadcast_in_dim3A_242, %scan3A_473 = %broadcast_in_dim3A_244, %scan3A_474 = %broadcast_in_dim3A_245, %scan3A_475 = %broadcast_in_dim3A_247) -> (vector<16xf32>, vector<16xi32>, vector<16xf32>, vector<16xi32>)  : i32 {
      %mul3A_476 = arith.constant 16 : i32
      %mul3A_477 = arith.muli %scan3A_471, %mul3A_476 : i32
      %get3A_478 = arith.index_cast %mul3A_477 : i32 to index
      %get3A_479 = tpu.vector_load %arg7[%get3A_478] {strides = array<i32>} : memref<6272xf32, #tpu.memory_space<vmem>>, vector<16xf32>,
      %get3A_480 = vector.shape_cast %get3A_479 : vector<16xf32> to vector<16xf32>
      %mul3A_481 = arith.constant 16 : i32
      %mul3A_482 = arith.muli %scan3A_471, %mul3A_481 : i32
      %add3A_483 = arith.addi %mul3A_482, %mul3A_8 : i32
      %add3A_484 = vector.broadcast %add3A_483 : i32 to vector<16xi32>
      %add3A_485 = arith.addi %iota3A, %add3A_484 : vector<16xi32>
      %lt3A = arith.cmpf olt, %get3A_480, %scan3A_472 : vector<16xf32>
      %lt3A_486 = arith.cmpf olt, %get3A_480, %scan3A_474 : vector<16xf32>
      %select_n3A_487 = arith.select %lt3A_486, %get3A_480, %scan3A_474 : vector<16xi1>, vector<16xf32>
      %select_n3A_488 = arith.select %lt3A, %scan3A_472, %select_n3A_487 : vector<16xi1>, vector<16xf32>
      %select_n3A_489 = arith.select %lt3A_486, %add3A_485, %scan3A_475 : vector<16xi1>, vector<16xi32>
      %select_n3A_490 = arith.select %lt3A, %scan3A_473, %select_n3A_489 : vector<16xi1>, vector<16xi32>
      %select_n3A_491 = arith.select %lt3A, %get3A_480, %scan3A_472 : vector<16xi1>, vector<16xf32>
      %select_n3A_492 = arith.select %lt3A, %add3A_485, %scan3A_473 : vector<16xi1>, vector<16xi32>
      scf.yield %select_n3A_491, %select_n3A_492, %select_n3A_488, %select_n3A_490 : vector<16xf32>, vector<16xi32>, vector<16xf32>, vector<16xi32>
    }
    %scan3A_253 = arith.constant 392 : i32
    %iota3A_254 = tpu.iota {dimensions = array<i32: 0>} : vector<16xi32>
    %xor3A_255 = arith.constant 1 : i32
    %xor3A_256 = vector.broadcast %xor3A_255 : i32 to vector<16xi32>
    %xor3A_257 = arith.xori %iota3A_254, %xor3A_256 : vector<16xi32>
    %broadcast_in_dim3A_258 = vector.shape_cast %xor3A_257 : vector<16xi32> to vector<16x1xi32>
    %gather3A_259 = vector.shape_cast %broadcast_in_dim3A_258 : vector<16x1xi32> to vector<16xi32>
    %gather3A_260 = tpu.dynamic_gather %scan3A_252#0[%gather3A_259] in [0] : vector<16xf32>, vector<16xi32> -> vector<16xf32>
    %min3A_261 = arith.minimumf %scan3A_252#0, %gather3A_260 : vector<16xf32>
    %xor3A_262 = arith.constant 2 : i32
    %xor3A_263 = vector.broadcast %xor3A_262 : i32 to vector<16xi32>
    %xor3A_264 = arith.xori %iota3A_254, %xor3A_263 : vector<16xi32>
    %broadcast_in_dim3A_265 = vector.shape_cast %xor3A_264 : vector<16xi32> to vector<16x1xi32>
    %gather3A_266 = vector.shape_cast %broadcast_in_dim3A_265 : vector<16x1xi32> to vector<16xi32>
    %gather3A_267 = tpu.dynamic_gather %min3A_261[%gather3A_266] in [0] : vector<16xf32>, vector<16xi32> -> vector<16xf32>
    %min3A_268 = arith.minimumf %min3A_261, %gather3A_267 : vector<16xf32>
    %xor3A_269 = arith.constant 4 : i32
    %xor3A_270 = vector.broadcast %xor3A_269 : i32 to vector<16xi32>
    %xor3A_271 = arith.xori %iota3A_254, %xor3A_270 : vector<16xi32>
    %broadcast_in_dim3A_272 = vector.shape_cast %xor3A_271 : vector<16xi32> to vector<16x1xi32>
    %gather3A_273 = vector.shape_cast %broadcast_in_dim3A_272 : vector<16x1xi32> to vector<16xi32>
    %gather3A_274 = tpu.dynamic_gather %min3A_268[%gather3A_273] in [0] : vector<16xf32>, vector<16xi32> -> vector<16xf32>
    %min3A_275 = arith.minimumf %min3A_268, %gather3A_274 : vector<16xf32>
    %xor3A_276 = arith.constant 8 : i32
    %xor3A_277 = vector.broadcast %xor3A_276 : i32 to vector<16xi32>
    %xor3A_278 = arith.xori %iota3A_254, %xor3A_277 : vector<16xi32>
    %broadcast_in_dim3A_279 = vector.shape_cast %xor3A_278 : vector<16xi32> to vector<16x1xi32>
    %gather3A_280 = vector.shape_cast %broadcast_in_dim3A_279 : vector<16x1xi32> to vector<16xi32>
    %gather3A_281 = tpu.dynamic_gather %min3A_275[%gather3A_280] in [0] : vector<16xf32>, vector<16xi32> -> vector<16xf32>
    %min3A_282 = arith.minimumf %min3A_275, %gather3A_281 : vector<16xf32>
    %eq3A_283 = arith.cmpf oeq, %scan3A_252#0, %min3A_282 : vector<16xf32>
    %broadcast_in_dim3A_284 = vector.broadcast %squeeze3A_7 : i32 to vector<16xi32>
    %select_n3A_285 = arith.select %eq3A_283, %scan3A_252#1, %broadcast_in_dim3A_284 : vector<16xi1>, vector<16xi32>
    %iota3A_286 = tpu.iota {dimensions = array<i32: 0>} : vector<16xi32>
    %xor3A_287 = arith.constant 1 : i32
    %xor3A_288 = vector.broadcast %xor3A_287 : i32 to vector<16xi32>
    %xor3A_289 = arith.xori %iota3A_286, %xor3A_288 : vector<16xi32>
    %broadcast_in_dim3A_290 = vector.shape_cast %xor3A_289 : vector<16xi32> to vector<16x1xi32>
    %gather3A_291 = vector.shape_cast %broadcast_in_dim3A_290 : vector<16x1xi32> to vector<16xi32>
    %gather3A_292 = tpu.dynamic_gather %select_n3A_285[%gather3A_291] in [0] : vector<16xi32>, vector<16xi32> -> vector<16xi32>
    %min3A_293 = arith.minsi %select_n3A_285, %gather3A_292 : vector<16xi32>
    %xor3A_294 = arith.constant 2 : i32
    %xor3A_295 = vector.broadcast %xor3A_294 : i32 to vector<16xi32>
    %xor3A_296 = arith.xori %iota3A_286, %xor3A_295 : vector<16xi32>
    %broadcast_in_dim3A_297 = vector.shape_cast %xor3A_296 : vector<16xi32> to vector<16x1xi32>
    %gather3A_298 = vector.shape_cast %broadcast_in_dim3A_297 : vector<16x1xi32> to vector<16xi32>
    %gather3A_299 = tpu.dynamic_gather %min3A_293[%gather3A_298] in [0] : vector<16xi32>, vector<16xi32> -> vector<16xi32>
    %min3A_300 = arith.minsi %min3A_293, %gather3A_299 : vector<16xi32>
    %xor3A_301 = arith.constant 4 : i32
    %xor3A_302 = vector.broadcast %xor3A_301 : i32 to vector<16xi32>
    %xor3A_303 = arith.xori %iota3A_286, %xor3A_302 : vector<16xi32>
    %broadcast_in_dim3A_304 = vector.shape_cast %xor3A_303 : vector<16xi32> to vector<16x1xi32>
    %gather3A_305 = vector.shape_cast %broadcast_in_dim3A_304 : vector<16x1xi32> to vector<16xi32>
    %gather3A_306 = tpu.dynamic_gather %min3A_300[%gather3A_305] in [0] : vector<16xi32>, vector<16xi32> -> vector<16xi32>
    %min3A_307 = arith.minsi %min3A_300, %gather3A_306 : vector<16xi32>
    %xor3A_308 = arith.constant 8 : i32
    %xor3A_309 = vector.broadcast %xor3A_308 : i32 to vector<16xi32>
    %xor3A_310 = arith.xori %iota3A_286, %xor3A_309 : vector<16xi32>
    %broadcast_in_dim3A_311 = vector.shape_cast %xor3A_310 : vector<16xi32> to vector<16x1xi32>
    %gather3A_312 = vector.shape_cast %broadcast_in_dim3A_311 : vector<16x1xi32> to vector<16xi32>
    %gather3A_313 = tpu.dynamic_gather %min3A_307[%gather3A_312] in [0] : vector<16xi32>, vector<16xi32> -> vector<16xi32>
    %min3A_314 = arith.minsi %min3A_307, %gather3A_313 : vector<16xi32>
    %eq3A_315 = arith.cmpi eq, %scan3A_252#1, %min3A_314 : vector<16xi32>
    %broadcast_in_dim3A_316 = vector.broadcast %squeeze3A : f32 to vector<16xf32>
    %select_n3A_317 = arith.select %eq3A_315, %broadcast_in_dim3A_316, %scan3A_252#0 : vector<16xi1>, vector<16xf32>
    %iota3A_318 = tpu.iota {dimensions = array<i32: 0>} : vector<16xi32>
    %xor3A_319 = arith.constant 1 : i32
    %xor3A_320 = vector.broadcast %xor3A_319 : i32 to vector<16xi32>
    %xor3A_321 = arith.xori %iota3A_318, %xor3A_320 : vector<16xi32>
    %broadcast_in_dim3A_322 = vector.shape_cast %xor3A_321 : vector<16xi32> to vector<16x1xi32>
    %gather3A_323 = vector.shape_cast %broadcast_in_dim3A_322 : vector<16x1xi32> to vector<16xi32>
    %gather3A_324 = tpu.dynamic_gather %select_n3A_317[%gather3A_323] in [0] : vector<16xf32>, vector<16xi32> -> vector<16xf32>
    %min3A_325 = arith.minimumf %select_n3A_317, %gather3A_324 : vector<16xf32>
    %xor3A_326 = arith.constant 2 : i32
    %xor3A_327 = vector.broadcast %xor3A_326 : i32 to vector<16xi32>
    %xor3A_328 = arith.xori %iota3A_318, %xor3A_327 : vector<16xi32>
    %broadcast_in_dim3A_329 = vector.shape_cast %xor3A_328 : vector<16xi32> to vector<16x1xi32>
    %gather3A_330 = vector.shape_cast %broadcast_in_dim3A_329 : vector<16x1xi32> to vector<16xi32>
    %gather3A_331 = tpu.dynamic_gather %min3A_325[%gather3A_330] in [0] : vector<16xf32>, vector<16xi32> -> vector<16xf32>
    %min3A_332 = arith.minimumf %min3A_325, %gather3A_331 : vector<16xf32>
    %xor3A_333 = arith.constant 4 : i32
    %xor3A_334 = vector.broadcast %xor3A_333 : i32 to vector<16xi32>
    %xor3A_335 = arith.xori %iota3A_318, %xor3A_334 : vector<16xi32>
    %broadcast_in_dim3A_336 = vector.shape_cast %xor3A_335 : vector<16xi32> to vector<16x1xi32>
    %gather3A_337 = vector.shape_cast %broadcast_in_dim3A_336 : vector<16x1xi32> to vector<16xi32>
    %gather3A_338 = tpu.dynamic_gather %min3A_332[%gather3A_337] in [0] : vector<16xf32>, vector<16xi32> -> vector<16xf32>
    %min3A_339 = arith.minimumf %min3A_332, %gather3A_338 : vector<16xf32>
    %xor3A_340 = arith.constant 8 : i32
    %xor3A_341 = vector.broadcast %xor3A_340 : i32 to vector<16xi32>
    %xor3A_342 = arith.xori %iota3A_318, %xor3A_341 : vector<16xi32>
    %broadcast_in_dim3A_343 = vector.shape_cast %xor3A_342 : vector<16xi32> to vector<16x1xi32>
    %gather3A_344 = vector.shape_cast %broadcast_in_dim3A_343 : vector<16x1xi32> to vector<16xi32>
    %gather3A_345 = tpu.dynamic_gather %min3A_339[%gather3A_344] in [0] : vector<16xf32>, vector<16xi32> -> vector<16xf32>
    %min3A_346 = arith.minimumf %min3A_339, %gather3A_345 : vector<16xf32>
    %iota3A_347 = tpu.iota {dimensions = array<i32: 0>} : vector<16xi32>
    %xor3A_348 = arith.constant 1 : i32
    %xor3A_349 = vector.broadcast %xor3A_348 : i32 to vector<16xi32>
    %xor3A_350 = arith.xori %iota3A_347, %xor3A_349 : vector<16xi32>
    %broadcast_in_dim3A_351 = vector.shape_cast %xor3A_350 : vector<16xi32> to vector<16x1xi32>
    %gather3A_352 = vector.shape_cast %broadcast_in_dim3A_351 : vector<16x1xi32> to vector<16xi32>
    %gather3A_353 = tpu.dynamic_gather %scan3A_252#2[%gather3A_352] in [0] : vector<16xf32>, vector<16xi32> -> vector<16xf32>
    %min3A_354 = arith.minimumf %scan3A_252#2, %gather3A_353 : vector<16xf32>
    %xor3A_355 = arith.constant 2 : i32
    %xor3A_356 = vector.broadcast %xor3A_355 : i32 to vector<16xi32>
    %xor3A_357 = arith.xori %iota3A_347, %xor3A_356 : vector<16xi32>
    %broadcast_in_dim3A_358 = vector.shape_cast %xor3A_357 : vector<16xi32> to vector<16x1xi32>
    %gather3A_359 = vector.shape_cast %broadcast_in_dim3A_358 : vector<16x1xi32> to vector<16xi32>
    %gather3A_360 = tpu.dynamic_gather %min3A_354[%gather3A_359] in [0] : vector<16xf32>, vector<16xi32> -> vector<16xf32>
    %min3A_361 = arith.minimumf %min3A_354, %gather3A_360 : vector<16xf32>
    %xor3A_362 = arith.constant 4 : i32
    %xor3A_363 = vector.broadcast %xor3A_362 : i32 to vector<16xi32>
    %xor3A_364 = arith.xori %iota3A_347, %xor3A_363 : vector<16xi32>
    %broadcast_in_dim3A_365 = vector.shape_cast %xor3A_364 : vector<16xi32> to vector<16x1xi32>
    %gather3A_366 = vector.shape_cast %broadcast_in_dim3A_365 : vector<16x1xi32> to vector<16xi32>
    %gather3A_367 = tpu.dynamic_gather %min3A_361[%gather3A_366] in [0] : vector<16xf32>, vector<16xi32> -> vector<16xf32>
    %min3A_368 = arith.minimumf %min3A_361, %gather3A_367 : vector<16xf32>
    %xor3A_369 = arith.constant 8 : i32
    %xor3A_370 = vector.broadcast %xor3A_369 : i32 to vector<16xi32>
    %xor3A_371 = arith.xori %iota3A_347, %xor3A_370 : vector<16xi32>
    %broadcast_in_dim3A_372 = vector.shape_cast %xor3A_371 : vector<16xi32> to vector<16x1xi32>
    %gather3A_373 = vector.shape_cast %broadcast_in_dim3A_372 : vector<16x1xi32> to vector<16xi32>
    %gather3A_374 = tpu.dynamic_gather %min3A_368[%gather3A_373] in [0] : vector<16xf32>, vector<16xi32> -> vector<16xf32>
    %min3A_375 = arith.minimumf %min3A_368, %gather3A_374 : vector<16xf32>
    %min3A_376 = arith.minimumf %min3A_346, %min3A_375 : vector<16xf32>
    %eq3A_377 = arith.cmpf oeq, %select_n3A_317, %min3A_376 : vector<16xf32>
    %broadcast_in_dim3A_378 = vector.broadcast %squeeze3A_7 : i32 to vector<16xi32>
    %select_n3A_379 = arith.select %eq3A_377, %scan3A_252#1, %broadcast_in_dim3A_378 : vector<16xi1>, vector<16xi32>
    %iota3A_380 = tpu.iota {dimensions = array<i32: 0>} : vector<16xi32>
    %xor3A_381 = arith.constant 1 : i32
    %xor3A_382 = vector.broadcast %xor3A_381 : i32 to vector<16xi32>
    %xor3A_383 = arith.xori %iota3A_380, %xor3A_382 : vector<16xi32>
    %broadcast_in_dim3A_384 = vector.shape_cast %xor3A_383 : vector<16xi32> to vector<16x1xi32>
    %gather3A_385 = vector.shape_cast %broadcast_in_dim3A_384 : vector<16x1xi32> to vector<16xi32>
    %gather3A_386 = tpu.dynamic_gather %select_n3A_379[%gather3A_385] in [0] : vector<16xi32>, vector<16xi32> -> vector<16xi32>
    %min3A_387 = arith.minsi %select_n3A_379, %gather3A_386 : vector<16xi32>
    %xor3A_388 = arith.constant 2 : i32
    %xor3A_389 = vector.broadcast %xor3A_388 : i32 to vector<16xi32>
    %xor3A_390 = arith.xori %iota3A_380, %xor3A_389 : vector<16xi32>
    %broadcast_in_dim3A_391 = vector.shape_cast %xor3A_390 : vector<16xi32> to vector<16x1xi32>
    %gather3A_392 = vector.shape_cast %broadcast_in_dim3A_391 : vector<16x1xi32> to vector<16xi32>
    %gather3A_393 = tpu.dynamic_gather %min3A_387[%gather3A_392] in [0] : vector<16xi32>, vector<16xi32> -> vector<16xi32>
    %min3A_394 = arith.minsi %min3A_387, %gather3A_393 : vector<16xi32>
    %xor3A_395 = arith.constant 4 : i32
    %xor3A_396 = vector.broadcast %xor3A_395 : i32 to vector<16xi32>
    %xor3A_397 = arith.xori %iota3A_380, %xor3A_396 : vector<16xi32>
    %broadcast_in_dim3A_398 = vector.shape_cast %xor3A_397 : vector<16xi32> to vector<16x1xi32>
    %gather3A_399 = vector.shape_cast %broadcast_in_dim3A_398 : vector<16x1xi32> to vector<16xi32>
    %gather3A_400 = tpu.dynamic_gather %min3A_394[%gather3A_399] in [0] : vector<16xi32>, vector<16xi32> -> vector<16xi32>
    %min3A_401 = arith.minsi %min3A_394, %gather3A_400 : vector<16xi32>
    %xor3A_402 = arith.constant 8 : i32
    %xor3A_403 = vector.broadcast %xor3A_402 : i32 to vector<16xi32>
    %xor3A_404 = arith.xori %iota3A_380, %xor3A_403 : vector<16xi32>
    %broadcast_in_dim3A_405 = vector.shape_cast %xor3A_404 : vector<16xi32> to vector<16x1xi32>
    %gather3A_406 = vector.shape_cast %broadcast_in_dim3A_405 : vector<16x1xi32> to vector<16xi32>
    %gather3A_407 = tpu.dynamic_gather %min3A_401[%gather3A_406] in [0] : vector<16xi32>, vector<16xi32> -> vector<16xi32>
    %min3A_408 = arith.minsi %min3A_401, %gather3A_407 : vector<16xi32>
    %eq3A_409 = arith.cmpf oeq, %scan3A_252#2, %min3A_376 : vector<16xf32>
    %broadcast_in_dim3A_410 = vector.broadcast %squeeze3A_7 : i32 to vector<16xi32>
    %select_n3A_411 = arith.select %eq3A_409, %scan3A_252#3, %broadcast_in_dim3A_410 : vector<16xi1>, vector<16xi32>
    %iota3A_412 = tpu.iota {dimensions = array<i32: 0>} : vector<16xi32>
    %xor3A_413 = arith.constant 1 : i32
    %xor3A_414 = vector.broadcast %xor3A_413 : i32 to vector<16xi32>
    %xor3A_415 = arith.xori %iota3A_412, %xor3A_414 : vector<16xi32>
    %broadcast_in_dim3A_416 = vector.shape_cast %xor3A_415 : vector<16xi32> to vector<16x1xi32>
    %gather3A_417 = vector.shape_cast %broadcast_in_dim3A_416 : vector<16x1xi32> to vector<16xi32>
    %gather3A_418 = tpu.dynamic_gather %select_n3A_411[%gather3A_417] in [0] : vector<16xi32>, vector<16xi32> -> vector<16xi32>
    %min3A_419 = arith.minsi %select_n3A_411, %gather3A_418 : vector<16xi32>
    %xor3A_420 = arith.constant 2 : i32
    %xor3A_421 = vector.broadcast %xor3A_420 : i32 to vector<16xi32>
    %xor3A_422 = arith.xori %iota3A_412, %xor3A_421 : vector<16xi32>
    %broadcast_in_dim3A_423 = vector.shape_cast %xor3A_422 : vector<16xi32> to vector<16x1xi32>
    %gather3A_424 = vector.shape_cast %broadcast_in_dim3A_423 : vector<16x1xi32> to vector<16xi32>
    %gather3A_425 = tpu.dynamic_gather %min3A_419[%gather3A_424] in [0] : vector<16xi32>, vector<16xi32> -> vector<16xi32>
    %min3A_426 = arith.minsi %min3A_419, %gather3A_425 : vector<16xi32>
    %xor3A_427 = arith.constant 4 : i32
    %xor3A_428 = vector.broadcast %xor3A_427 : i32 to vector<16xi32>
    %xor3A_429 = arith.xori %iota3A_412, %xor3A_428 : vector<16xi32>
    %broadcast_in_dim3A_430 = vector.shape_cast %xor3A_429 : vector<16xi32> to vector<16x1xi32>
    %gather3A_431 = vector.shape_cast %broadcast_in_dim3A_430 : vector<16x1xi32> to vector<16xi32>
    %gather3A_432 = tpu.dynamic_gather %min3A_426[%gather3A_431] in [0] : vector<16xi32>, vector<16xi32> -> vector<16xi32>
    %min3A_433 = arith.minsi %min3A_426, %gather3A_432 : vector<16xi32>
    %xor3A_434 = arith.constant 8 : i32
    %xor3A_435 = vector.broadcast %xor3A_434 : i32 to vector<16xi32>
    %xor3A_436 = arith.xori %iota3A_412, %xor3A_435 : vector<16xi32>
    %broadcast_in_dim3A_437 = vector.shape_cast %xor3A_436 : vector<16xi32> to vector<16x1xi32>
    %gather3A_438 = vector.shape_cast %broadcast_in_dim3A_437 : vector<16x1xi32> to vector<16xi32>
    %gather3A_439 = tpu.dynamic_gather %min3A_433[%gather3A_438] in [0] : vector<16xi32>, vector<16xi32> -> vector<16xi32>
    %min3A_440 = arith.minsi %min3A_433, %gather3A_439 : vector<16xi32>
    %min3A_441 = arith.minsi %min3A_408, %min3A_440 : vector<16xi32>
    %eq3A_442 = arith.constant 0 : i32
    %eq3A_443 = vector.broadcast %eq3A_442 : i32 to vector<16xi32>
    %eq3A_444 = arith.cmpi eq, %iota3A, %eq3A_443 : vector<16xi32>
    %eq3A_445 = arith.constant 1 : i32
    %eq3A_446 = vector.broadcast %eq3A_445 : i32 to vector<16xi32>
    %eq3A_447 = arith.cmpi eq, %iota3A, %eq3A_446 : vector<16xi32>
    %broadcast_in_dim3A_448 = vector.broadcast %squeeze3A : f32 to vector<16xf32>
    %select_n3A_449 = arith.select %eq3A_447, %min3A_376, %broadcast_in_dim3A_448 : vector<16xi1>, vector<16xf32>
    %select_n3A_450 = arith.select %eq3A_444, %min3A_282, %select_n3A_449 : vector<16xi1>, vector<16xf32>
    %swap3A_451 = arith.constant 0 : index
    %swap3A_452 = tpu.vector_load %arg8[%swap3A_451] {strides = array<i32>} : memref<16xf32, #tpu.memory_space<vmem>>, vector<16xf32>,
    %swap3A_453 = vector.shape_cast %swap3A_452 : vector<16xf32> to vector<16xf32>
    %swap3A_454 = vector.shape_cast %select_n3A_450 : vector<16xf32> to vector<16xf32>
    tpu.vector_store %arg8[%swap3A_451], %swap3A_454 {strides = array<i32>} : memref<16xf32, #tpu.memory_space<vmem>>, vector<16xf32>,
    %eq3A_455 = arith.constant 0 : i32
    %eq3A_456 = vector.broadcast %eq3A_455 : i32 to vector<16xi32>
    %eq3A_457 = arith.cmpi eq, %iota3A, %eq3A_456 : vector<16xi32>
    %eq3A_458 = arith.constant 1 : i32
    %eq3A_459 = vector.broadcast %eq3A_458 : i32 to vector<16xi32>
    %eq3A_460 = arith.cmpi eq, %iota3A, %eq3A_459 : vector<16xi32>
    %broadcast_in_dim3A_461 = arith.constant 0 : i32
    %broadcast_in_dim3A_462 = vector.broadcast %broadcast_in_dim3A_461 : i32 to vector<16xi32>
    %select_n3A_463 = arith.select %eq3A_460, %min3A_441, %broadcast_in_dim3A_462 : vector<16xi1>, vector<16xi32>
    %select_n3A_464 = arith.select %eq3A_457, %min3A_314, %select_n3A_463 : vector<16xi1>, vector<16xi32>
    %swap3A_465 = arith.constant 0 : index
    %swap3A_466 = tpu.vector_load %arg9[%swap3A_465] {strides = array<i32>} : memref<16xi32, #tpu.memory_space<vmem>>, vector<16xi32>,
    %swap3A_467 = vector.shape_cast %swap3A_466 : vector<16xi32> to vector<16xi32>
    %swap3A_468 = vector.shape_cast %select_n3A_464 : vector<16xi32> to vector<16xi32>
    tpu.vector_store %arg9[%swap3A_465], %swap3A_468 {strides = array<i32>} : memref<16xi32, #tpu.memory_space<vmem>>, vector<16xi32>,
    %run_scoped3A_469 = arith.constant 1 : i32
    "tpu.region"() ({
      %run_scoped3A_471 = tpu.sem_alloc : memref<!tpu.dma_semaphore, #tpu.memory_space<semaphore_mem>>
      %dma_start3A = arith.constant 0 : i32
      %dma_start3A_472 = tpu.memref_slice %arg5[%run_scoped3A_469, %arg0, %arg1, %dma_start3A] : memref<2x2x16x16xf32, #tpu.memory_space<hbm>> -> memref<1x1x1x16xf32, #tpu.memory_space<hbm>>
      %dma_start3A_473 = tpu.memref_squeeze %dma_start3A_472 : memref<1x1x1x16xf32, #tpu.memory_space<hbm>> -> memref<16xf32, #tpu.memory_space<hbm>>
      %dma_start3A_474 = arith.constant 0 : i32
      %dma_start3A_475 = tpu.memref_slice %arg5[%run_scoped3A_469, %arg0, %arg1, %dma_start3A_474] : memref<2x2x16x16xf32, #tpu.memory_space<hbm>> -> memref<1x1x1x16xf32, #tpu.memory_space<hbm>>
      %dma_start3A_476 = tpu.memref_squeeze %dma_start3A_475 : memref<1x1x1x16xf32, #tpu.memory_space<hbm>> -> memref<16xf32, #tpu.memory_space<hbm>>
      tpu.enqueue_dma source(%arg8 : memref<16xf32, #tpu.memory_space<vmem>>) target(%dma_start3A_476 : memref<16xf32, #tpu.memory_space<hbm>>) target_semaphore(%run_scoped3A_471 : memref<!tpu.dma_semaphore, #tpu.memory_space<semaphore_mem>>)
      %dma_wait3A = arith.constant 0 : i32
      %dma_wait3A_477 = tpu.memref_slice %arg5[%run_scoped3A_469, %arg0, %arg1, %dma_wait3A] : memref<2x2x16x16xf32, #tpu.memory_space<hbm>> -> memref<1x1x1x16xf32, #tpu.memory_space<hbm>>
      %dma_wait3A_478 = tpu.memref_squeeze %dma_wait3A_477 : memref<1x1x1x16xf32, #tpu.memory_space<hbm>> -> memref<16xf32, #tpu.memory_space<hbm>>
      %dma_wait3A_479 = arith.constant 0 : i32
      %dma_wait3A_480 = tpu.memref_slice %arg5[%run_scoped3A_469, %arg0, %arg1, %dma_wait3A_479] : memref<2x2x16x16xf32, #tpu.memory_space<hbm>> -> memref<1x1x1x16xf32, #tpu.memory_space<hbm>>
      %dma_wait3A_481 = tpu.memref_squeeze %dma_wait3A_480 : memref<1x1x1x16xf32, #tpu.memory_space<hbm>> -> memref<16xf32, #tpu.memory_space<hbm>>
      tpu.wait_dma2 semaphore(%run_scoped3A_471 : memref<!tpu.dma_semaphore, #tpu.memory_space<semaphore_mem>>) src(%arg8 : memref<16xf32, #tpu.memory_space<vmem>>) dst(%dma_wait3A_481 : memref<16xf32, #tpu.memory_space<hbm>>)
      tpu.yield
    }) : () -> ()
    %run_scoped3A_470 = arith.constant 1 : i32
    "tpu.region"() ({
      %run_scoped3A_471 = tpu.sem_alloc : memref<!tpu.dma_semaphore, #tpu.memory_space<semaphore_mem>>
      %dma_start3A = arith.constant 0 : i32
      %dma_start3A_472 = tpu.memref_slice %arg6[%run_scoped3A_470, %arg0, %arg1, %dma_start3A] : memref<2x2x16x16xi32, #tpu.memory_space<hbm>> -> memref<1x1x1x16xi32, #tpu.memory_space<hbm>>
      %dma_start3A_473 = tpu.memref_squeeze %dma_start3A_472 : memref<1x1x1x16xi32, #tpu.memory_space<hbm>> -> memref<16xi32, #tpu.memory_space<hbm>>
      %dma_start3A_474 = arith.constant 0 : i32
      %dma_start3A_475 = tpu.memref_slice %arg6[%run_scoped3A_470, %arg0, %arg1, %dma_start3A_474] : memref<2x2x16x16xi32, #tpu.memory_space<hbm>> -> memref<1x1x1x16xi32, #tpu.memory_space<hbm>>
      %dma_start3A_476 = tpu.memref_squeeze %dma_start3A_475 : memref<1x1x1x16xi32, #tpu.memory_space<hbm>> -> memref<16xi32, #tpu.memory_space<hbm>>
      tpu.enqueue_dma source(%arg9 : memref<16xi32, #tpu.memory_space<vmem>>) target(%dma_start3A_476 : memref<16xi32, #tpu.memory_space<hbm>>) target_semaphore(%run_scoped3A_471 : memref<!tpu.dma_semaphore, #tpu.memory_space<semaphore_mem>>)
      %dma_wait3A = arith.constant 0 : i32
      %dma_wait3A_477 = tpu.memref_slice %arg6[%run_scoped3A_470, %arg0, %arg1, %dma_wait3A] : memref<2x2x16x16xi32, #tpu.memory_space<hbm>> -> memref<1x1x1x16xi32, #tpu.memory_space<hbm>>
      %dma_wait3A_478 = tpu.memref_squeeze %dma_wait3A_477 : memref<1x1x1x16xi32, #tpu.memory_space<hbm>> -> memref<16xi32, #tpu.memory_space<hbm>>
      %dma_wait3A_479 = arith.constant 0 : i32
      %dma_wait3A_480 = tpu.memref_slice %arg6[%run_scoped3A_470, %arg0, %arg1, %dma_wait3A_479] : memref<2x2x16x16xi32, #tpu.memory_space<hbm>> -> memref<1x1x1x16xi32, #tpu.memory_space<hbm>>
      %dma_wait3A_481 = tpu.memref_squeeze %dma_wait3A_480 : memref<1x1x1x16xi32, #tpu.memory_space<hbm>> -> memref<16xi32, #tpu.memory_space<hbm>>
      tpu.wait_dma2 semaphore(%run_scoped3A_471 : memref<!tpu.dma_semaphore, #tpu.memory_space<semaphore_mem>>) src(%arg9 : memref<16xi32, #tpu.memory_space<vmem>>) dst(%dma_wait3A_481 : memref<16xi32, #tpu.memory_space<hbm>>)
      tpu.yield
    }) : () -> ()
    return
  }
}

module attributes {stable_mosaic.version = 14 : i64} {
  func.func @_k1_body(%arg0: i32, %arg1: i32, %arg2: memref<1x6272x32xf32, #tpu.memory_space<vmem>>, %arg3: memref<64x256xf32, #tpu.memory_space<vmem>>, %arg4: memref<1x256xf32, #tpu.memory_space<vmem>>, %arg5: memref<1x256xf32, #tpu.memory_space<vmem>>, %arg6: memref<256x64xf32, #tpu.memory_space<vmem>>, %arg7: memref<32x128xf32, #tpu.memory_space<vmem>>, %arg8: memref<1x128xf32, #tpu.memory_space<vmem>>, %arg9: memref<1x128xf32, #tpu.memory_space<vmem>>, %arg10: memref<64x256xf32, #tpu.memory_space<vmem>>, %arg11: memref<1x256xf32, #tpu.memory_space<vmem>>, %arg12: memref<1x64x256xf32, #tpu.memory_space<vmem>>, %arg13: memref<72x32xf32, #tpu.memory_space<vmem>>, %arg14: memref<64x8xf32, #tpu.memory_space<vmem>>, %arg15: memref<64x1xf32, #tpu.memory_space<vmem>>, %arg16: memref<64x1xf32, #tpu.memory_space<vmem>>, %arg17: memref<64x64xf32, #tpu.memory_space<vmem>>) attributes {dimension_semantics = [#tpu.dimension_semantics<arbitrary>, #tpu.dimension_semantics<arbitrary>], iteration_bounds = array<i64: 4, 8>, scalar_prefetch = 0 : i64, scratch_operands = 5 : i64, tpu.core_type = #tpu.core_type<tc>, window_params = [{transform_indices = @transform_0, window_bounds = array<i64: 1, 6272, 32>}, {pipeline_mode = #tpu.pipeline_mode<synchronous>, transform_indices = @transform_1, window_bounds = array<i64: 64, 256>}, {pipeline_mode = #tpu.pipeline_mode<synchronous>, transform_indices = @transform_2, window_bounds = array<i64: 1, 256>}, {pipeline_mode = #tpu.pipeline_mode<synchronous>, transform_indices = @transform_3, window_bounds = array<i64: 1, 256>}, {pipeline_mode = #tpu.pipeline_mode<synchronous>, transform_indices = @transform_4, window_bounds = array<i64: 256, 64>}, {pipeline_mode = #tpu.pipeline_mode<synchronous>, transform_indices = @transform_5, window_bounds = array<i64: 32, 128>}, {pipeline_mode = #tpu.pipeline_mode<synchronous>, transform_indices = @transform_6, window_bounds = array<i64: 1, 128>}, {pipeline_mode = #tpu.pipeline_mode<synchronous>, transform_indices = @transform_7, window_bounds = array<i64: 1, 128>}, {pipeline_mode = #tpu.pipeline_mode<synchronous>, transform_indices = @transform_8, window_bounds = array<i64: 64, 256>}, {pipeline_mode = #tpu.pipeline_mode<synchronous>, transform_indices = @transform_9, window_bounds = array<i64: 1, 256>}, {transform_indices = @transform_10, window_bounds = array<i64: 1, 64, 256>}]} {
    %eq3A = arith.constant 0 : i32
    %eq3A_0 = arith.cmpi eq, %arg1, %eq3A : i32
    %convert_element_type3A = arith.extui %eq3A_0 : i1 to i32
    %cond3A = arith.constant 0 : i32
    %cond3A_1 = arith.cmpi ne, %convert_element_type3A, %cond3A : i32
    scf.if %cond3A_1 {
      %get3A_95 = arith.constant 0 : index
      %get3A_96 = arith.constant 0 : index
      %get3A_97 = vector.load %arg3[%get3A_95, %get3A_96] : memref<64x256xf32, #tpu.memory_space<vmem>>, vector<64x256xf32>
      %get3A_98 = arith.constant 0 : index
      %get3A_99 = arith.constant 0 : index
      %get3A_100 = vector.load %arg4[%get3A_98, %get3A_99] : memref<1x256xf32, #tpu.memory_space<vmem>>, vector<1x256xf32>
      %get3A_101 = arith.constant 0 : index
      %get3A_102 = arith.constant 0 : index
      %get3A_103 = vector.load %arg5[%get3A_101, %get3A_102] : memref<1x256xf32, #tpu.memory_space<vmem>>, vector<1x256xf32>
      %reduce_sum3A = arith.constant dense<0.000000e+00> : vector<64xf32>
      %reduce_sum3A_104 = vector.multi_reduction <add>, %get3A_97, %reduce_sum3A [1] : vector<64x256xf32> to vector<64xf32>
      %broadcast_in_dim3A_105 = vector.shape_cast %reduce_sum3A_104 : vector<64xf32> to vector<64x1xf32>
      %div3A = arith.constant 2.560000e+02 : f32
      %div3A_106 = vector.broadcast %div3A : f32 to vector<64x1xf32>
      %div3A_107 = arith.divf %broadcast_in_dim3A_105, %div3A_106 : vector<64x1xf32>
      %mul3A_108 = arith.mulf %get3A_97, %get3A_97 : vector<64x256xf32>
      %reduce_sum3A_109 = arith.constant dense<0.000000e+00> : vector<64xf32>
      %reduce_sum3A_110 = vector.multi_reduction <add>, %mul3A_108, %reduce_sum3A_109 [1] : vector<64x256xf32> to vector<64xf32>
      %broadcast_in_dim3A_111 = vector.shape_cast %reduce_sum3A_110 : vector<64xf32> to vector<64x1xf32>
      %div3A_112 = arith.constant 2.560000e+02 : f32
      %div3A_113 = vector.broadcast %div3A_112 : f32 to vector<64x1xf32>
      %div3A_114 = arith.divf %broadcast_in_dim3A_111, %div3A_113 : vector<64x1xf32>
      %mul3A_115 = arith.mulf %div3A_107, %div3A_107 : vector<64x1xf32>
      %sub3A_116 = arith.subf %div3A_114, %mul3A_115 : vector<64x1xf32>
      %sub3A_117 = vector.broadcast %div3A_107 : vector<64x1xf32> to vector<64x256xf32>
      %sub3A_118 = arith.subf %get3A_97, %sub3A_117 : vector<64x256xf32>
      %add3A_119 = arith.constant 9.99999974E-6 : f32
      %add3A_120 = vector.broadcast %add3A_119 : f32 to vector<64x1xf32>
      %add3A_121 = arith.addf %sub3A_116, %add3A_120 : vector<64x1xf32>
      %rsqrt3A_122 = math.rsqrt %add3A_121 : vector<64x1xf32>
      %mul3A_123 = vector.broadcast %rsqrt3A_122 : vector<64x1xf32> to vector<64x256xf32>
      %mul3A_124 = arith.mulf %sub3A_118, %mul3A_123 : vector<64x256xf32>
      %mul3A_125 = vector.broadcast %get3A_100 : vector<1x256xf32> to vector<64x256xf32>
      %mul3A_126 = arith.mulf %mul3A_124, %mul3A_125 : vector<64x256xf32>
      %add3A_127 = vector.broadcast %get3A_103 : vector<1x256xf32> to vector<64x256xf32>
      %add3A_128 = arith.addf %mul3A_126, %add3A_127 : vector<64x256xf32>
      %get3A_129 = arith.constant 0 : index
      %get3A_130 = arith.constant 0 : index
      %get3A_131 = vector.load %arg6[%get3A_129, %get3A_130] : memref<256x64xf32, #tpu.memory_space<vmem>>, vector<256x64xf32>
      %dot_general3A_132 = arith.constant dense<0.000000e+00> : vector<64x64xf32>
      %dot_general3A_133 = tpu.matmul %add3A_128, %get3A_131, %dot_general3A_132 {dimension_numbers = #tpu.dot_dimension_numbers<[1], [0], [0], [1], [0, 0, 1, 1], [], []>, transpose_lhs_hint = false} : vector<64x256xf32>, vector<256x64xf32>, vector<64x64xf32> -> vector<64x64xf32>
      %mul3A_134 = arith.constant 1.250000e-01 : f32
      %mul3A_135 = vector.broadcast %mul3A_134 : f32 to vector<64x64xf32>
      %mul3A_136 = arith.mulf %dot_general3A_133, %mul3A_135 : vector<64x64xf32>
      %get3A_137 = arith.constant 0 : index
      %get3A_138 = arith.constant 0 : index
      %get3A_139 = vector.load %arg7[%get3A_137, %get3A_138] : memref<32x128xf32, #tpu.memory_space<vmem>>, vector<32x64xf32>
      %dot_general3A_140 = arith.constant dense<0.000000e+00> : vector<64x32xf32>
      %dot_general3A_141 = tpu.matmul %mul3A_136, %get3A_139, %dot_general3A_140 {dimension_numbers = #tpu.dot_dimension_numbers<[1], [1], [0], [0], [0, 0, 1, 0], [], []>, transpose_lhs_hint = false} : vector<64x64xf32>, vector<32x64xf32>, vector<64x32xf32> -> vector<64x32xf32>
      %get3A_142 = arith.constant 0 : index
      %get3A_143 = arith.constant 0 : index
      %get3A_144 = vector.load %arg8[%get3A_142, %get3A_143] : memref<1x128xf32, #tpu.memory_space<vmem>>, vector<1x64xf32>
      %dot_general3A_145 = arith.constant dense<0.000000e+00> : vector<64x1xf32>
      %dot_general3A_146 = tpu.matmul %mul3A_136, %get3A_144, %dot_general3A_145 {dimension_numbers = #tpu.dot_dimension_numbers<[1], [1], [0], [0], [0, 0, 1, 0], [], []>, transpose_lhs_hint = false} : vector<64x64xf32>, vector<1x64xf32>, vector<64x1xf32> -> vector<64x1xf32>
      %get3A_147 = arith.constant 0 : index
      %get3A_148 = arith.constant 0 : index
      %get3A_149 = vector.load %arg9[%get3A_147, %get3A_148] : memref<1x128xf32, #tpu.memory_space<vmem>>, vector<1x64xf32>
      %dot_general3A_150 = arith.constant dense<0.000000e+00> : vector<64x1xf32>
      %dot_general3A_151 = tpu.matmul %mul3A_136, %get3A_149, %dot_general3A_150 {dimension_numbers = #tpu.dot_dimension_numbers<[1], [1], [0], [0], [0, 0, 1, 0], [], []>, transpose_lhs_hint = false} : vector<64x64xf32>, vector<1x64xf32>, vector<64x1xf32> -> vector<64x1xf32>
      %mul3A_152 = arith.constant 0.0344827585 : f32
      %mul3A_153 = vector.broadcast %mul3A_152 : f32 to vector<64x1xf32>
      %mul3A_154 = arith.mulf %dot_general3A_146, %mul3A_153 : vector<64x1xf32>
      %sub3A_155 = vector.broadcast %mul3A_154 : vector<64x1xf32> to vector<64x32xf32>
      %sub3A_156 = arith.subf %dot_general3A_141, %sub3A_155 : vector<64x32xf32>
      %swap3A_157 = arith.constant 0 : index
      %swap3A_158 = arith.constant 0 : index
      %swap3A_159 = vector.load %arg13[%swap3A_157, %swap3A_158] : memref<72x32xf32, #tpu.memory_space<vmem>>, vector<64x32xf32>
      tpu.vector_store %arg13[%swap3A_157, %swap3A_158], %sub3A_156 {strides = array<i32>} : memref<72x32xf32, #tpu.memory_space<vmem>>, vector<64x32xf32>,
      %broadcast_in_dim3A_160 = arith.constant 1.000000e+00 : f32
      %broadcast_in_dim3A_161 = vector.broadcast %broadcast_in_dim3A_160 : f32 to vector<1x32xf32>
      %swap3A_162 = arith.constant 64 : index
      %swap3A_163 = arith.constant 0 : index
      %swap3A_164 = vector.load %arg13[%swap3A_162, %swap3A_163] : memref<72x32xf32, #tpu.memory_space<vmem>>, vector<1x32xf32>
      tpu.vector_store %arg13[%swap3A_162, %swap3A_163], %broadcast_in_dim3A_161 {strides = array<i32>} : memref<72x32xf32, #tpu.memory_space<vmem>>, vector<1x32xf32>,
      %broadcast_in_dim3A_165 = arith.constant 0.000000e+00 : f32
      %broadcast_in_dim3A_166 = vector.broadcast %broadcast_in_dim3A_165 : f32 to vector<7x32xf32>
      %swap3A_167 = arith.constant 65 : index
      %swap3A_168 = arith.constant 0 : index
      %swap3A_169 = vector.load %arg13[%swap3A_167, %swap3A_168] : memref<72x32xf32, #tpu.memory_space<vmem>>, vector<7x32xf32>
      tpu.vector_store %arg13[%swap3A_167, %swap3A_168], %broadcast_in_dim3A_166 {strides = array<i32>} : memref<72x32xf32, #tpu.memory_space<vmem>>, vector<7x32xf32>,
      %broadcast_in_dim3A_170 = vector.shape_cast %dot_general3A_151 : vector<64x1xf32> to vector<64x1xf32>
      %broadcast_in_dim3A_171 = vector.broadcast %broadcast_in_dim3A_170 : vector<64x1xf32> to vector<64x8xf32>
      %swap3A_172 = arith.constant 0 : index
      %swap3A_173 = arith.constant 0 : index
      %swap3A_174 = vector.load %arg14[%swap3A_172, %swap3A_173] : memref<64x8xf32, #tpu.memory_space<vmem>>, vector<64x8xf32>
      tpu.vector_store %arg14[%swap3A_172, %swap3A_173], %broadcast_in_dim3A_171 {strides = array<i32>} : memref<64x8xf32, #tpu.memory_space<vmem>>, vector<64x8xf32>,
      %broadcast_in_dim3A_175 = arith.constant 0xFF800000 : f32
      %broadcast_in_dim3A_176 = vector.broadcast %broadcast_in_dim3A_175 : f32 to vector<64x1xf32>
      %swap3A_177 = arith.constant 0 : index
      %swap3A_178 = arith.constant 0 : index
      %swap3A_179 = vector.load %arg15[%swap3A_177, %swap3A_178] : memref<64x1xf32, #tpu.memory_space<vmem>>, vector<64x1xf32>
      tpu.vector_store %arg15[%swap3A_177, %swap3A_178], %broadcast_in_dim3A_176 {strides = array<i32>} : memref<64x1xf32, #tpu.memory_space<vmem>>, vector<64x1xf32>,
      %broadcast_in_dim3A_180 = arith.constant 0.000000e+00 : f32
      %broadcast_in_dim3A_181 = vector.broadcast %broadcast_in_dim3A_180 : f32 to vector<64x1xf32>
      %swap3A_182 = arith.constant 0 : index
      %swap3A_183 = arith.constant 0 : index
      %swap3A_184 = vector.load %arg16[%swap3A_182, %swap3A_183] : memref<64x1xf32, #tpu.memory_space<vmem>>, vector<64x1xf32>
      tpu.vector_store %arg16[%swap3A_182, %swap3A_183], %broadcast_in_dim3A_181 {strides = array<i32>} : memref<64x1xf32, #tpu.memory_space<vmem>>, vector<64x1xf32>,
      %broadcast_in_dim3A_185 = arith.constant 0.000000e+00 : f32
      %broadcast_in_dim3A_186 = vector.broadcast %broadcast_in_dim3A_185 : f32 to vector<64x64xf32>
      %swap3A_187 = arith.constant 0 : index
      %swap3A_188 = arith.constant 0 : index
      %swap3A_189 = vector.load %arg17[%swap3A_187, %swap3A_188] : memref<64x64xf32, #tpu.memory_space<vmem>>, vector<64x64xf32>
      tpu.vector_store %arg17[%swap3A_187, %swap3A_188], %broadcast_in_dim3A_186 {strides = array<i32>} : memref<64x64xf32, #tpu.memory_space<vmem>>, vector<64x64xf32>,
    } else {
    }
    %get3A = arith.constant 0 : index
    %get3A_2 = arith.constant 0 : index
    %get3A_3 = arith.constant 0 : index
    %get3A_4 = vector.load %arg2[%get3A, %get3A_2, %get3A_3] : memref<1x6272x32xf32, #tpu.memory_space<vmem>>, vector<1x6272x32xf32>
    %get3A_5 = vector.shape_cast %get3A_4 : vector<1x6272x32xf32> to vector<6272x32xf32>
    %get3A_6 = arith.constant 0 : index
    %get3A_7 = arith.constant 0 : index
    %get3A_8 = vector.load %arg13[%get3A_6, %get3A_7] : memref<72x32xf32, #tpu.memory_space<vmem>>, vector<72x32xf32>
    %dot_general3A = arith.constant dense<0.000000e+00> : vector<72x6272xf32>
    %dot_general3A_9 = tpu.matmul %get3A_8, %get3A_5, %dot_general3A {dimension_numbers = #tpu.dot_dimension_numbers<[1], [1], [0], [0], [0, 0, 1, 0], [], []>, transpose_lhs_hint = false} : vector<72x32xf32>, vector<6272x32xf32>, vector<72x6272xf32> -> vector<72x6272xf32>
    %slice3A = vector.extract_strided_slice %dot_general3A_9 {offsets = [64, 0], sizes = [1, 6272], strides = [1, 1]} : vector<72x6272xf32> to vector<1x6272xf32>
    %broadcast_in_dim3A = arith.constant 1.000000e+00 : f32
    %broadcast_in_dim3A_10 = vector.broadcast %broadcast_in_dim3A : f32 to vector<1x32xf32>
    %mul3A = arith.mulf %get3A_5, %get3A_5 : vector<6272x32xf32>
    %dot_general3A_11 = arith.constant dense<0.000000e+00> : vector<1x6272xf32>
    %dot_general3A_12 = tpu.matmul %broadcast_in_dim3A_10, %mul3A, %dot_general3A_11 {dimension_numbers = #tpu.dot_dimension_numbers<[1], [1], [0], [0], [0, 0, 1, 0], [], []>, transpose_lhs_hint = false} : vector<1x32xf32>, vector<6272x32xf32>, vector<1x6272xf32> -> vector<1x6272xf32>
    %mul3A_13 = arith.constant 0.0344827585 : f32
    %mul3A_14 = vector.broadcast %mul3A_13 : f32 to vector<1x6272xf32>
    %mul3A_15 = arith.mulf %slice3A, %mul3A_14 : vector<1x6272xf32>
    %mul3A_16 = arith.constant 0.0344827585 : f32
    %mul3A_17 = vector.broadcast %mul3A_16 : f32 to vector<1x6272xf32>
    %mul3A_18 = arith.mulf %dot_general3A_12, %mul3A_17 : vector<1x6272xf32>
    %mul3A_19 = arith.mulf %mul3A_15, %mul3A_15 : vector<1x6272xf32>
    %sub3A = arith.subf %mul3A_18, %mul3A_19 : vector<1x6272xf32>
    %add3A = arith.constant 9.99999974E-6 : f32
    %add3A_20 = vector.broadcast %add3A : f32 to vector<1x6272xf32>
    %add3A_21 = arith.addf %sub3A, %add3A_20 : vector<1x6272xf32>
    %rsqrt3A = math.rsqrt %add3A_21 : vector<1x6272xf32>
    %slice3A_22 = vector.extract_strided_slice %dot_general3A_9 {offsets = [0, 0], sizes = [64, 6272], strides = [1, 1]} : vector<72x6272xf32> to vector<64x6272xf32>
    %mul3A_23 = vector.broadcast %rsqrt3A : vector<1x6272xf32> to vector<64x6272xf32>
    %mul3A_24 = arith.mulf %mul3A_23, %slice3A_22 : vector<64x6272xf32>
    %get3A_25 = arith.constant 0 : index
    %get3A_26 = arith.constant 0 : index
    %get3A_27 = vector.load %arg14[%get3A_25, %get3A_26] : memref<64x8xf32, #tpu.memory_space<vmem>>, vector<64x1xf32>
    %add3A_28 = vector.broadcast %get3A_27 : vector<64x1xf32> to vector<64x6272xf32>
    %add3A_29 = arith.addf %mul3A_24, %add3A_28 : vector<64x6272xf32>
    %get3A_30 = arith.constant 0 : index
    %get3A_31 = arith.constant 0 : index
    %get3A_32 = vector.load %arg15[%get3A_30, %get3A_31] : memref<64x1xf32, #tpu.memory_space<vmem>>, vector<64x1xf32>
    %reduce_max3A = arith.constant dense<0xFF800000> : vector<64xf32>
    %reduce_max3A_33 = vector.multi_reduction <maximumf>, %add3A_29, %reduce_max3A [1] : vector<64x6272xf32> to vector<64xf32>
    %broadcast_in_dim3A_34 = vector.shape_cast %reduce_max3A_33 : vector<64xf32> to vector<64x1xf32>
    %max3A = arith.maximumf %get3A_32, %broadcast_in_dim3A_34 : vector<64x1xf32>
    %sub3A_35 = vector.broadcast %max3A : vector<64x1xf32> to vector<64x6272xf32>
    %sub3A_36 = arith.subf %add3A_29, %sub3A_35 : vector<64x6272xf32>
    %exp3A = math.exp %sub3A_36 : vector<64x6272xf32>
    %get3A_37 = arith.constant 0 : index
    %get3A_38 = arith.constant 0 : index
    %get3A_39 = vector.load %arg15[%get3A_37, %get3A_38] : memref<64x1xf32, #tpu.memory_space<vmem>>, vector<64x1xf32>
    %sub3A_40 = arith.subf %get3A_39, %max3A : vector<64x1xf32>
    %exp3A_41 = math.exp %sub3A_40 : vector<64x1xf32>
    %mul3A_42 = vector.broadcast %rsqrt3A : vector<1x6272xf32> to vector<64x6272xf32>
    %mul3A_43 = arith.mulf %exp3A, %mul3A_42 : vector<64x6272xf32>
    %dot_general3A_44 = arith.constant dense<0.000000e+00> : vector<64x32xf32>
    %dot_general3A_45 = tpu.matmul %mul3A_43, %get3A_5, %dot_general3A_44 {dimension_numbers = #tpu.dot_dimension_numbers<[1], [0], [0], [1], [0, 0, 1, 1], [], []>, transpose_lhs_hint = false} : vector<64x6272xf32>, vector<6272x32xf32>, vector<64x32xf32> -> vector<64x32xf32>
    %broadcast_in_dim3A_46 = arith.constant 1.000000e+00 : f32
    %broadcast_in_dim3A_47 = vector.broadcast %broadcast_in_dim3A_46 : f32 to vector<1x6272xf32>
    %dot_general3A_48 = arith.constant dense<0.000000e+00> : vector<64x1xf32>
    %dot_general3A_49 = tpu.matmul %exp3A, %broadcast_in_dim3A_47, %dot_general3A_48 {dimension_numbers = #tpu.dot_dimension_numbers<[1], [1], [0], [0], [0, 0, 1, 0], [], []>, transpose_lhs_hint = false} : vector<64x6272xf32>, vector<1x6272xf32>, vector<64x1xf32> -> vector<64x1xf32>
    %dot_general3A_50 = arith.constant dense<0.000000e+00> : vector<64x1xf32>
    %dot_general3A_51 = tpu.matmul %mul3A_43, %mul3A_15, %dot_general3A_50 {dimension_numbers = #tpu.dot_dimension_numbers<[1], [1], [0], [0], [0, 0, 1, 0], [], []>, transpose_lhs_hint = false} : vector<64x6272xf32>, vector<1x6272xf32>, vector<64x1xf32> -> vector<64x1xf32>
    %get3A_52 = arith.constant 0 : index
    %get3A_53 = arith.constant 64 : index
    %get3A_54 = vector.load %arg7[%get3A_52, %get3A_53] : memref<32x128xf32, #tpu.memory_space<vmem>>, vector<32x64xf32>
    %dot_general3A_55 = arith.constant dense<0.000000e+00> : vector<64x64xf32>
    %dot_general3A_56 = tpu.matmul %dot_general3A_45, %get3A_54, %dot_general3A_55 {dimension_numbers = #tpu.dot_dimension_numbers<[1], [0], [0], [1], [0, 0, 1, 1], [], []>, transpose_lhs_hint = false} : vector<64x32xf32>, vector<32x64xf32>, vector<64x64xf32> -> vector<64x64xf32>
    %get3A_57 = arith.constant 0 : index
    %get3A_58 = arith.constant 64 : index
    %get3A_59 = vector.load %arg8[%get3A_57, %get3A_58] : memref<1x128xf32, #tpu.memory_space<vmem>>, vector<1x64xf32>
    %mul3A_60 = vector.broadcast %dot_general3A_51 : vector<64x1xf32> to vector<64x64xf32>
    %mul3A_61 = vector.broadcast %get3A_59 : vector<1x64xf32> to vector<64x64xf32>
    %mul3A_62 = arith.mulf %mul3A_60, %mul3A_61 : vector<64x64xf32>
    %sub3A_63 = arith.subf %dot_general3A_56, %mul3A_62 : vector<64x64xf32>
    %get3A_64 = arith.constant 0 : index
    %get3A_65 = arith.constant 64 : index
    %get3A_66 = vector.load %arg9[%get3A_64, %get3A_65] : memref<1x128xf32, #tpu.memory_space<vmem>>, vector<1x64xf32>
    %mul3A_67 = vector.broadcast %dot_general3A_49 : vector<64x1xf32> to vector<64x64xf32>
    %mul3A_68 = vector.broadcast %get3A_66 : vector<1x64xf32> to vector<64x64xf32>
    %mul3A_69 = arith.mulf %mul3A_67, %mul3A_68 : vector<64x64xf32>
    %add3A_70 = arith.addf %sub3A_63, %mul3A_69 : vector<64x64xf32>
    %get3A_71 = arith.constant 0 : index
    %get3A_72 = arith.constant 0 : index
    %get3A_73 = vector.load %arg16[%get3A_71, %get3A_72] : memref<64x1xf32, #tpu.memory_space<vmem>>, vector<64x1xf32>
    %mul3A_74 = arith.mulf %get3A_73, %exp3A_41 : vector<64x1xf32>
    %add3A_75 = arith.addf %mul3A_74, %dot_general3A_49 : vector<64x1xf32>
    %swap3A = arith.constant 0 : index
    %swap3A_76 = arith.constant 0 : index
    %swap3A_77 = vector.load %arg16[%swap3A, %swap3A_76] : memref<64x1xf32, #tpu.memory_space<vmem>>, vector<64x1xf32>
    tpu.vector_store %arg16[%swap3A, %swap3A_76], %add3A_75 {strides = array<i32>} : memref<64x1xf32, #tpu.memory_space<vmem>>, vector<64x1xf32>,
    %get3A_78 = arith.constant 0 : index
    %get3A_79 = arith.constant 0 : index
    %get3A_80 = vector.load %arg17[%get3A_78, %get3A_79] : memref<64x64xf32, #tpu.memory_space<vmem>>, vector<64x64xf32>
    %mul3A_81 = vector.broadcast %exp3A_41 : vector<64x1xf32> to vector<64x64xf32>
    %mul3A_82 = arith.mulf %get3A_80, %mul3A_81 : vector<64x64xf32>
    %add3A_83 = arith.addf %mul3A_82, %add3A_70 : vector<64x64xf32>
    %swap3A_84 = arith.constant 0 : index
    %swap3A_85 = arith.constant 0 : index
    %swap3A_86 = vector.load %arg17[%swap3A_84, %swap3A_85] : memref<64x64xf32, #tpu.memory_space<vmem>>, vector<64x64xf32>
    tpu.vector_store %arg17[%swap3A_84, %swap3A_85], %add3A_83 {strides = array<i32>} : memref<64x64xf32, #tpu.memory_space<vmem>>, vector<64x64xf32>,
    %swap3A_87 = arith.constant 0 : index
    %swap3A_88 = arith.constant 0 : index
    %swap3A_89 = vector.load %arg15[%swap3A_87, %swap3A_88] : memref<64x1xf32, #tpu.memory_space<vmem>>, vector<64x1xf32>
    tpu.vector_store %arg15[%swap3A_87, %swap3A_88], %max3A {strides = array<i32>} : memref<64x1xf32, #tpu.memory_space<vmem>>, vector<64x1xf32>,
    %eq3A_90 = arith.constant 7 : i32
    %eq3A_91 = arith.cmpi eq, %arg1, %eq3A_90 : i32
    %convert_element_type3A_92 = arith.extui %eq3A_91 : i1 to i32
    %cond3A_93 = arith.constant 0 : i32
    %cond3A_94 = arith.cmpi ne, %convert_element_type3A_92, %cond3A_93 : i32
    scf.if %cond3A_94 {
      %get3A_95 = arith.constant 0 : index
      %get3A_96 = arith.constant 0 : index
      %get3A_97 = vector.load %arg17[%get3A_95, %get3A_96] : memref<64x64xf32, #tpu.memory_space<vmem>>, vector<64x64xf32>
      %get3A_98 = arith.constant 0 : index
      %get3A_99 = arith.constant 0 : index
      %get3A_100 = vector.load %arg16[%get3A_98, %get3A_99] : memref<64x1xf32, #tpu.memory_space<vmem>>, vector<64x1xf32>
      %div3A = vector.broadcast %get3A_100 : vector<64x1xf32> to vector<64x64xf32>
      %div3A_101 = arith.divf %get3A_97, %div3A : vector<64x64xf32>
      %get3A_102 = arith.constant 0 : index
      %get3A_103 = arith.constant 0 : index
      %get3A_104 = vector.load %arg10[%get3A_102, %get3A_103] : memref<64x256xf32, #tpu.memory_space<vmem>>, vector<64x256xf32>
      %dot_general3A_105 = arith.constant dense<0.000000e+00> : vector<64x256xf32>
      %dot_general3A_106 = tpu.matmul %div3A_101, %get3A_104, %dot_general3A_105 {dimension_numbers = #tpu.dot_dimension_numbers<[1], [0], [0], [1], [0, 0, 1, 1], [], []>, transpose_lhs_hint = false} : vector<64x64xf32>, vector<64x256xf32>, vector<64x256xf32> -> vector<64x256xf32>
      %get3A_107 = arith.constant 0 : index
      %get3A_108 = arith.constant 0 : index
      %get3A_109 = vector.load %arg11[%get3A_107, %get3A_108] : memref<1x256xf32, #tpu.memory_space<vmem>>, vector<1x256xf32>
      %add3A_110 = vector.broadcast %get3A_109 : vector<1x256xf32> to vector<64x256xf32>
      %add3A_111 = arith.addf %dot_general3A_106, %add3A_110 : vector<64x256xf32>
      %get3A_112 = arith.constant 0 : index
      %get3A_113 = arith.constant 0 : index
      %get3A_114 = vector.load %arg3[%get3A_112, %get3A_113] : memref<64x256xf32, #tpu.memory_space<vmem>>, vector<64x256xf32>
      %add3A_115 = arith.addf %add3A_111, %get3A_114 : vector<64x256xf32>
      %swap3A_116 = arith.constant 0 : index
      %swap3A_117 = arith.constant 0 : index
      %swap3A_118 = arith.constant 0 : index
      %swap3A_119 = vector.load %arg12[%swap3A_116, %swap3A_117, %swap3A_118] : memref<1x64x256xf32, #tpu.memory_space<vmem>>, vector<1x64x256xf32>
      %swap3A_120 = vector.shape_cast %swap3A_119 : vector<1x64x256xf32> to vector<64x256xf32>
      %swap3A_121 = vector.shape_cast %add3A_115 : vector<64x256xf32> to vector<1x64x256xf32>
      tpu.vector_store %arg12[%swap3A_116, %swap3A_117, %swap3A_118], %swap3A_121 {strides = array<i32>} : memref<1x64x256xf32, #tpu.memory_space<vmem>>, vector<1x64x256xf32>,
    } else {
    }
    return
  }
  func.func @transform_0(%arg0: i32, %arg1: i32) -> (i32, i32, i32) {
    %c0_i32 = arith.constant 0 : i32
    %c0_i32_0 = arith.constant 0 : i32
    return %arg0, %arg1, %c0_i32 : i32, i32, i32
  }
  func.func @transform_1(%arg0: i32, %arg1: i32) -> (i32, i32) {
    %c0_i32 = arith.constant 0 : i32
    %c0_i32_0 = arith.constant 0 : i32
    %c0_i32_1 = arith.constant 0 : i32
    return %c0_i32, %c0_i32_0 : i32, i32
  }
  func.func @transform_2(%arg0: i32, %arg1: i32) -> (i32, i32) {
    %c0_i32 = arith.constant 0 : i32
    %c0_i32_0 = arith.constant 0 : i32
    %c0_i32_1 = arith.constant 0 : i32
    return %c0_i32, %c0_i32_0 : i32, i32
  }
  func.func @transform_3(%arg0: i32, %arg1: i32) -> (i32, i32) {
    %c0_i32 = arith.constant 0 : i32
    %c0_i32_0 = arith.constant 0 : i32
    %c0_i32_1 = arith.constant 0 : i32
    return %c0_i32, %c0_i32_0 : i32, i32
  }
  func.func @transform_4(%arg0: i32, %arg1: i32) -> (i32, i32) {
    %c0_i32 = arith.constant 0 : i32
    %c0_i32_0 = arith.constant 0 : i32
    %c0_i32_1 = arith.constant 0 : i32
    return %c0_i32, %c0_i32_0 : i32, i32
  }
  func.func @transform_5(%arg0: i32, %arg1: i32) -> (i32, i32) {
    %c0_i32 = arith.constant 0 : i32
    %c0_i32_0 = arith.constant 0 : i32
    %c0_i32_1 = arith.constant 0 : i32
    return %c0_i32, %c0_i32_0 : i32, i32
  }
  func.func @transform_6(%arg0: i32, %arg1: i32) -> (i32, i32) {
    %c0_i32 = arith.constant 0 : i32
    %c0_i32_0 = arith.constant 0 : i32
    %c0_i32_1 = arith.constant 0 : i32
    return %c0_i32, %c0_i32_0 : i32, i32
  }
  func.func @transform_7(%arg0: i32, %arg1: i32) -> (i32, i32) {
    %c0_i32 = arith.constant 0 : i32
    %c0_i32_0 = arith.constant 0 : i32
    %c0_i32_1 = arith.constant 0 : i32
    return %c0_i32, %c0_i32_0 : i32, i32
  }
  func.func @transform_8(%arg0: i32, %arg1: i32) -> (i32, i32) {
    %c0_i32 = arith.constant 0 : i32
    %c0_i32_0 = arith.constant 0 : i32
    %c0_i32_1 = arith.constant 0 : i32
    return %c0_i32, %c0_i32_0 : i32, i32
  }
  func.func @transform_9(%arg0: i32, %arg1: i32) -> (i32, i32) {
    %c0_i32 = arith.constant 0 : i32
    %c0_i32_0 = arith.constant 0 : i32
    %c0_i32_1 = arith.constant 0 : i32
    return %c0_i32, %c0_i32_0 : i32, i32
  }
  func.func @transform_10(%arg0: i32, %arg1: i32) -> (i32, i32, i32) {
    %c0_i32 = arith.constant 0 : i32
    %c0_i32_0 = arith.constant 0 : i32
    %c0_i32_1 = arith.constant 0 : i32
    return %arg0, %c0_i32, %c0_i32_0 : i32, i32, i32
  }
}

module attributes {stable_mosaic.version = 14 : i64} {
  func.func @_k2_body(%arg0: i32, %arg1: memref<256x256xf32, #tpu.memory_space<vmem>>, %arg2: memref<1x256xf32, #tpu.memory_space<vmem>>, %arg3: memref<1x256xf32, #tpu.memory_space<vmem>>, %arg4: memref<256x2048xf32, #tpu.memory_space<vmem>>, %arg5: memref<1x2048xf32, #tpu.memory_space<vmem>>, %arg6: memref<1024x256xf32, #tpu.memory_space<vmem>>, %arg7: memref<1x256xf32, #tpu.memory_space<vmem>>, %arg8: memref<1x256xf32, #tpu.memory_space<vmem>>, %arg9: memref<1x256xf32, #tpu.memory_space<vmem>>, %arg10: memref<256x64xf32, #tpu.memory_space<vmem>>, %arg11: memref<64x64xf32, #tpu.memory_space<vmem>>, %arg12: memref<256x256xf32, #tpu.memory_space<vmem>>, %arg13: memref<256x64xf32, #tpu.memory_space<vmem>>, %arg14: memref<4x64xf32, #tpu.memory_space<vmem>>) attributes {dimension_semantics = [#tpu.dimension_semantics<arbitrary>], iteration_bounds = array<i64: 1>, scalar_prefetch = 0 : i64, scratch_operands = 0 : i64, tpu.core_type = #tpu.core_type<tc>, window_params = [{pipeline_mode = #tpu.pipeline_mode<synchronous>, transform_indices = @transform_0, window_bounds = array<i64: 256, 256>}, {pipeline_mode = #tpu.pipeline_mode<synchronous>, transform_indices = @transform_1, window_bounds = array<i64: 1, 256>}, {pipeline_mode = #tpu.pipeline_mode<synchronous>, transform_indices = @transform_2, window_bounds = array<i64: 1, 256>}, {pipeline_mode = #tpu.pipeline_mode<synchronous>, transform_indices = @transform_3, window_bounds = array<i64: 256, 2048>}, {pipeline_mode = #tpu.pipeline_mode<synchronous>, transform_indices = @transform_4, window_bounds = array<i64: 1, 2048>}, {pipeline_mode = #tpu.pipeline_mode<synchronous>, transform_indices = @transform_5, window_bounds = array<i64: 1024, 256>}, {pipeline_mode = #tpu.pipeline_mode<synchronous>, transform_indices = @transform_6, window_bounds = array<i64: 1, 256>}, {pipeline_mode = #tpu.pipeline_mode<synchronous>, transform_indices = @transform_7, window_bounds = array<i64: 1, 256>}, {pipeline_mode = #tpu.pipeline_mode<synchronous>, transform_indices = @transform_8, window_bounds = array<i64: 1, 256>}, {pipeline_mode = #tpu.pipeline_mode<synchronous>, transform_indices = @transform_9, window_bounds = array<i64: 256, 64>}, {pipeline_mode = #tpu.pipeline_mode<synchronous>, transform_indices = @transform_10, window_bounds = array<i64: 64, 64>}, {pipeline_mode = #tpu.pipeline_mode<synchronous>, transform_indices = @transform_11, window_bounds = array<i64: 256, 256>}, {pipeline_mode = #tpu.pipeline_mode<synchronous>, transform_indices = @transform_12, window_bounds = array<i64: 256, 64>}, {pipeline_mode = #tpu.pipeline_mode<synchronous>, transform_indices = @transform_13, window_bounds = array<i64: 4, 64>}]} {
    %get3A = arith.constant 0 : index
    %get3A_0 = arith.constant 0 : index
    %get3A_1 = vector.load %arg1[%get3A, %get3A_0] : memref<256x256xf32, #tpu.memory_space<vmem>>, vector<256x256xf32>
    %get3A_2 = arith.constant 0 : index
    %get3A_3 = arith.constant 0 : index
    %get3A_4 = vector.load %arg2[%get3A_2, %get3A_3] : memref<1x256xf32, #tpu.memory_space<vmem>>, vector<1x256xf32>
    %get3A_5 = arith.constant 0 : index
    %get3A_6 = arith.constant 0 : index
    %get3A_7 = vector.load %arg3[%get3A_5, %get3A_6] : memref<1x256xf32, #tpu.memory_space<vmem>>, vector<1x256xf32>
    %reduce_sum3A = arith.constant dense<0.000000e+00> : vector<256xf32>
    %reduce_sum3A_8 = vector.multi_reduction <add>, %get3A_1, %reduce_sum3A [1] : vector<256x256xf32> to vector<256xf32>
    %broadcast_in_dim3A = vector.shape_cast %reduce_sum3A_8 : vector<256xf32> to vector<256x1xf32>
    %div3A = arith.constant 2.560000e+02 : f32
    %div3A_9 = vector.broadcast %div3A : f32 to vector<256x1xf32>
    %div3A_10 = arith.divf %broadcast_in_dim3A, %div3A_9 : vector<256x1xf32>
    %mul3A = arith.mulf %get3A_1, %get3A_1 : vector<256x256xf32>
    %reduce_sum3A_11 = arith.constant dense<0.000000e+00> : vector<256xf32>
    %reduce_sum3A_12 = vector.multi_reduction <add>, %mul3A, %reduce_sum3A_11 [1] : vector<256x256xf32> to vector<256xf32>
    %broadcast_in_dim3A_13 = vector.shape_cast %reduce_sum3A_12 : vector<256xf32> to vector<256x1xf32>
    %div3A_14 = arith.constant 2.560000e+02 : f32
    %div3A_15 = vector.broadcast %div3A_14 : f32 to vector<256x1xf32>
    %div3A_16 = arith.divf %broadcast_in_dim3A_13, %div3A_15 : vector<256x1xf32>
    %mul3A_17 = arith.mulf %div3A_10, %div3A_10 : vector<256x1xf32>
    %sub3A = arith.subf %div3A_16, %mul3A_17 : vector<256x1xf32>
    %sub3A_18 = vector.broadcast %div3A_10 : vector<256x1xf32> to vector<256x256xf32>
    %sub3A_19 = arith.subf %get3A_1, %sub3A_18 : vector<256x256xf32>
    %add3A = arith.constant 9.99999974E-6 : f32
    %add3A_20 = vector.broadcast %add3A : f32 to vector<256x1xf32>
    %add3A_21 = arith.addf %sub3A, %add3A_20 : vector<256x1xf32>
    %rsqrt3A = math.rsqrt %add3A_21 : vector<256x1xf32>
    %mul3A_22 = vector.broadcast %rsqrt3A : vector<256x1xf32> to vector<256x256xf32>
    %mul3A_23 = arith.mulf %sub3A_19, %mul3A_22 : vector<256x256xf32>
    %mul3A_24 = vector.broadcast %get3A_4 : vector<1x256xf32> to vector<256x256xf32>
    %mul3A_25 = arith.mulf %mul3A_23, %mul3A_24 : vector<256x256xf32>
    %add3A_26 = vector.broadcast %get3A_7 : vector<1x256xf32> to vector<256x256xf32>
    %add3A_27 = arith.addf %mul3A_25, %add3A_26 : vector<256x256xf32>
    %get3A_28 = arith.constant 0 : index
    %get3A_29 = arith.constant 0 : index
    %get3A_30 = vector.load %arg4[%get3A_28, %get3A_29] : memref<256x2048xf32, #tpu.memory_space<vmem>>, vector<256x2048xf32>
    %get3A_31 = arith.constant 0 : index
    %get3A_32 = arith.constant 0 : index
    %get3A_33 = vector.load %arg5[%get3A_31, %get3A_32] : memref<1x2048xf32, #tpu.memory_space<vmem>>, vector<1x2048xf32>
    %get3A_34 = arith.constant 0 : index
    %get3A_35 = arith.constant 0 : index
    %get3A_36 = vector.load %arg6[%get3A_34, %get3A_35] : memref<1024x256xf32, #tpu.memory_space<vmem>>, vector<1024x256xf32>
    %get3A_37 = arith.constant 0 : index
    %get3A_38 = arith.constant 0 : index
    %get3A_39 = vector.load %arg7[%get3A_37, %get3A_38] : memref<1x256xf32, #tpu.memory_space<vmem>>, vector<1x256xf32>
    %dot_general3A = arith.constant dense<0.000000e+00> : vector<256x2048xf32>
    %dot_general3A_40 = tpu.matmul %add3A_27, %get3A_30, %dot_general3A {dimension_numbers = #tpu.dot_dimension_numbers<[1], [0], [0], [1], [0, 0, 1, 1], [], []>, transpose_lhs_hint = false} : vector<256x256xf32>, vector<256x2048xf32>, vector<256x2048xf32> -> vector<256x2048xf32>
    %add3A_41 = vector.broadcast %get3A_33 : vector<1x2048xf32> to vector<256x2048xf32>
    %add3A_42 = arith.addf %dot_general3A_40, %add3A_41 : vector<256x2048xf32>
    %slice3A = vector.extract_strided_slice %add3A_42 {offsets = [0, 0], sizes = [256, 1024], strides = [1, 1]} : vector<256x2048xf32> to vector<256x1024xf32>
    %slice3A_43 = vector.extract_strided_slice %add3A_42 {offsets = [0, 1024], sizes = [256, 1024], strides = [1, 1]} : vector<256x2048xf32> to vector<256x1024xf32>
    %mul3A_44 = arith.constant 5.000000e-01 : f32
    %mul3A_45 = vector.broadcast %mul3A_44 : f32 to vector<256x1024xf32>
    %mul3A_46 = arith.mulf %slice3A_43, %mul3A_45 : vector<256x1024xf32>
    %mul3A_47 = arith.constant 0.707106769 : f32
    %mul3A_48 = vector.broadcast %mul3A_47 : f32 to vector<256x1024xf32>
    %mul3A_49 = arith.mulf %slice3A_43, %mul3A_48 : vector<256x1024xf32>
    %erf3A = math.erf %mul3A_49 : vector<256x1024xf32>
    %add3A_50 = arith.constant 1.000000e+00 : f32
    %add3A_51 = vector.broadcast %add3A_50 : f32 to vector<256x1024xf32>
    %add3A_52 = arith.addf %add3A_51, %erf3A : vector<256x1024xf32>
    %mul3A_53 = arith.mulf %mul3A_46, %add3A_52 : vector<256x1024xf32>
    %mul3A_54 = arith.mulf %slice3A, %mul3A_53 : vector<256x1024xf32>
    %dot_general3A_55 = arith.constant dense<0.000000e+00> : vector<256x256xf32>
    %dot_general3A_56 = tpu.matmul %mul3A_54, %get3A_36, %dot_general3A_55 {dimension_numbers = #tpu.dot_dimension_numbers<[1], [0], [0], [1], [0, 0, 1, 1], [], []>, transpose_lhs_hint = false} : vector<256x1024xf32>, vector<1024x256xf32>, vector<256x256xf32> -> vector<256x256xf32>
    %add3A_57 = vector.broadcast %get3A_39 : vector<1x256xf32> to vector<256x256xf32>
    %add3A_58 = arith.addf %dot_general3A_56, %add3A_57 : vector<256x256xf32>
    %add3A_59 = arith.addf %get3A_1, %add3A_58 : vector<256x256xf32>
    %get3A_60 = arith.constant 0 : index
    %get3A_61 = arith.constant 0 : index
    %get3A_62 = vector.load %arg8[%get3A_60, %get3A_61] : memref<1x256xf32, #tpu.memory_space<vmem>>, vector<1x256xf32>
    %get3A_63 = arith.constant 0 : index
    %get3A_64 = arith.constant 0 : index
    %get3A_65 = vector.load %arg9[%get3A_63, %get3A_64] : memref<1x256xf32, #tpu.memory_space<vmem>>, vector<1x256xf32>
    %reduce_sum3A_66 = arith.constant dense<0.000000e+00> : vector<256xf32>
    %reduce_sum3A_67 = vector.multi_reduction <add>, %add3A_59, %reduce_sum3A_66 [1] : vector<256x256xf32> to vector<256xf32>
    %broadcast_in_dim3A_68 = vector.shape_cast %reduce_sum3A_67 : vector<256xf32> to vector<256x1xf32>
    %div3A_69 = arith.constant 2.560000e+02 : f32
    %div3A_70 = vector.broadcast %div3A_69 : f32 to vector<256x1xf32>
    %div3A_71 = arith.divf %broadcast_in_dim3A_68, %div3A_70 : vector<256x1xf32>
    %mul3A_72 = arith.mulf %add3A_59, %add3A_59 : vector<256x256xf32>
    %reduce_sum3A_73 = arith.constant dense<0.000000e+00> : vector<256xf32>
    %reduce_sum3A_74 = vector.multi_reduction <add>, %mul3A_72, %reduce_sum3A_73 [1] : vector<256x256xf32> to vector<256xf32>
    %broadcast_in_dim3A_75 = vector.shape_cast %reduce_sum3A_74 : vector<256xf32> to vector<256x1xf32>
    %div3A_76 = arith.constant 2.560000e+02 : f32
    %div3A_77 = vector.broadcast %div3A_76 : f32 to vector<256x1xf32>
    %div3A_78 = arith.divf %broadcast_in_dim3A_75, %div3A_77 : vector<256x1xf32>
    %mul3A_79 = arith.mulf %div3A_71, %div3A_71 : vector<256x1xf32>
    %sub3A_80 = arith.subf %div3A_78, %mul3A_79 : vector<256x1xf32>
    %sub3A_81 = vector.broadcast %div3A_71 : vector<256x1xf32> to vector<256x256xf32>
    %sub3A_82 = arith.subf %add3A_59, %sub3A_81 : vector<256x256xf32>
    %add3A_83 = arith.constant 9.99999974E-6 : f32
    %add3A_84 = vector.broadcast %add3A_83 : f32 to vector<256x1xf32>
    %add3A_85 = arith.addf %sub3A_80, %add3A_84 : vector<256x1xf32>
    %rsqrt3A_86 = math.rsqrt %add3A_85 : vector<256x1xf32>
    %mul3A_87 = vector.broadcast %rsqrt3A_86 : vector<256x1xf32> to vector<256x256xf32>
    %mul3A_88 = arith.mulf %sub3A_82, %mul3A_87 : vector<256x256xf32>
    %mul3A_89 = vector.broadcast %get3A_62 : vector<1x256xf32> to vector<256x256xf32>
    %mul3A_90 = arith.mulf %mul3A_88, %mul3A_89 : vector<256x256xf32>
    %add3A_91 = vector.broadcast %get3A_65 : vector<1x256xf32> to vector<256x256xf32>
    %add3A_92 = arith.addf %mul3A_90, %add3A_91 : vector<256x256xf32>
    %get3A_93 = arith.constant 0 : index
    %get3A_94 = arith.constant 0 : index
    %get3A_95 = vector.load %arg10[%get3A_93, %get3A_94] : memref<256x64xf32, #tpu.memory_space<vmem>>, vector<256x64xf32>
    %dot_general3A_96 = arith.constant dense<0.000000e+00> : vector<256x64xf32>
    %dot_general3A_97 = tpu.matmul %add3A_92, %get3A_95, %dot_general3A_96 {dimension_numbers = #tpu.dot_dimension_numbers<[1], [0], [0], [1], [0, 0, 1, 1], [], []>, transpose_lhs_hint = false} : vector<256x256xf32>, vector<256x64xf32>, vector<256x64xf32> -> vector<256x64xf32>
    %swap3A = arith.constant 0 : index
    %swap3A_98 = arith.constant 0 : index
    %swap3A_99 = vector.load %arg12[%swap3A, %swap3A_98] : memref<256x256xf32, #tpu.memory_space<vmem>>, vector<256x256xf32>
    tpu.vector_store %arg12[%swap3A, %swap3A_98], %add3A_59 {strides = array<i32>} : memref<256x256xf32, #tpu.memory_space<vmem>>, vector<256x256xf32>,
    %swap3A_100 = arith.constant 0 : index
    %swap3A_101 = arith.constant 0 : index
    %swap3A_102 = vector.load %arg13[%swap3A_100, %swap3A_101] : memref<256x64xf32, #tpu.memory_space<vmem>>, vector<256x64xf32>
    tpu.vector_store %arg13[%swap3A_100, %swap3A_101], %dot_general3A_97 {strides = array<i32>} : memref<256x64xf32, #tpu.memory_space<vmem>>, vector<256x64xf32>,
    %slice3A_103 = vector.extract_strided_slice %dot_general3A_97 {offsets = [0, 0], sizes = [1, 64], strides = [1, 1]} : vector<256x64xf32> to vector<1x64xf32>
    %slice3A_104 = vector.extract_strided_slice %dot_general3A_97 {offsets = [64, 0], sizes = [1, 64], strides = [1, 1]} : vector<256x64xf32> to vector<1x64xf32>
    %slice3A_105 = vector.extract_strided_slice %dot_general3A_97 {offsets = [128, 0], sizes = [1, 64], strides = [1, 1]} : vector<256x64xf32> to vector<1x64xf32>
    %slice3A_106 = vector.extract_strided_slice %dot_general3A_97 {offsets = [192, 0], sizes = [1, 64], strides = [1, 1]} : vector<256x64xf32> to vector<1x64xf32>
    %concatenate3A = tpu.concatenate %slice3A_103, %slice3A_104, %slice3A_105, %slice3A_106 in 0 : vector<1x64xf32>, vector<1x64xf32>, vector<1x64xf32>, vector<1x64xf32> -> vector<4x64xf32>
    %get3A_107 = arith.constant 0 : index
    %get3A_108 = arith.constant 0 : index
    %get3A_109 = vector.load %arg11[%get3A_107, %get3A_108] : memref<64x64xf32, #tpu.memory_space<vmem>>, vector<64x64xf32>
    %dot_general3A_110 = arith.constant dense<0.000000e+00> : vector<4x64xf32>
    %dot_general3A_111 = tpu.matmul %concatenate3A, %get3A_109, %dot_general3A_110 {dimension_numbers = #tpu.dot_dimension_numbers<[1], [0], [0], [1], [0, 0, 1, 1], [], []>, transpose_lhs_hint = false} : vector<4x64xf32>, vector<64x64xf32>, vector<4x64xf32> -> vector<4x64xf32>
    %swap3A_112 = arith.constant 0 : index
    %swap3A_113 = arith.constant 0 : index
    %swap3A_114 = vector.load %arg14[%swap3A_112, %swap3A_113] : memref<4x64xf32, #tpu.memory_space<vmem>>, vector<4x64xf32>
    tpu.vector_store %arg14[%swap3A_112, %swap3A_113], %dot_general3A_111 {strides = array<i32>} : memref<4x64xf32, #tpu.memory_space<vmem>>, vector<4x64xf32>,
    return
  }
  func.func @transform_0(%arg0: i32) -> (i32, i32) {
    %c0_i32 = arith.constant 0 : i32
    %c0_i32_0 = arith.constant 0 : i32
    %c0_i32_1 = arith.constant 0 : i32
    return %c0_i32, %c0_i32_0 : i32, i32
  }
  func.func @transform_1(%arg0: i32) -> (i32, i32) {
    %c0_i32 = arith.constant 0 : i32
    %c0_i32_0 = arith.constant 0 : i32
    %c0_i32_1 = arith.constant 0 : i32
    return %c0_i32, %c0_i32_0 : i32, i32
  }
  func.func @transform_2(%arg0: i32) -> (i32, i32) {
    %c0_i32 = arith.constant 0 : i32
    %c0_i32_0 = arith.constant 0 : i32
    %c0_i32_1 = arith.constant 0 : i32
    return %c0_i32, %c0_i32_0 : i32, i32
  }
  func.func @transform_3(%arg0: i32) -> (i32, i32) {
    %c0_i32 = arith.constant 0 : i32
    %c0_i32_0 = arith.constant 0 : i32
    %c0_i32_1 = arith.constant 0 : i32
    return %c0_i32, %c0_i32_0 : i32, i32
  }
  func.func @transform_4(%arg0: i32) -> (i32, i32) {
    %c0_i32 = arith.constant 0 : i32
    %c0_i32_0 = arith.constant 0 : i32
    %c0_i32_1 = arith.constant 0 : i32
    return %c0_i32, %c0_i32_0 : i32, i32
  }
  func.func @transform_5(%arg0: i32) -> (i32, i32) {
    %c0_i32 = arith.constant 0 : i32
    %c0_i32_0 = arith.constant 0 : i32
    %c0_i32_1 = arith.constant 0 : i32
    return %c0_i32, %c0_i32_0 : i32, i32
  }
  func.func @transform_6(%arg0: i32) -> (i32, i32) {
    %c0_i32 = arith.constant 0 : i32
    %c0_i32_0 = arith.constant 0 : i32
    %c0_i32_1 = arith.constant 0 : i32
    return %c0_i32, %c0_i32_0 : i32, i32
  }
  func.func @transform_7(%arg0: i32) -> (i32, i32) {
    %c0_i32 = arith.constant 0 : i32
    %c0_i32_0 = arith.constant 0 : i32
    %c0_i32_1 = arith.constant 0 : i32
    return %c0_i32, %c0_i32_0 : i32, i32
  }
  func.func @transform_8(%arg0: i32) -> (i32, i32) {
    %c0_i32 = arith.constant 0 : i32
    %c0_i32_0 = arith.constant 0 : i32
    %c0_i32_1 = arith.constant 0 : i32
    return %c0_i32, %c0_i32_0 : i32, i32
  }
  func.func @transform_9(%arg0: i32) -> (i32, i32) {
    %c0_i32 = arith.constant 0 : i32
    %c0_i32_0 = arith.constant 0 : i32
    %c0_i32_1 = arith.constant 0 : i32
    return %c0_i32, %c0_i32_0 : i32, i32
  }
  func.func @transform_10(%arg0: i32) -> (i32, i32) {
    %c0_i32 = arith.constant 0 : i32
    %c0_i32_0 = arith.constant 0 : i32
    %c0_i32_1 = arith.constant 0 : i32
    return %c0_i32, %c0_i32_0 : i32, i32
  }
  func.func @transform_11(%arg0: i32) -> (i32, i32) {
    %c0_i32 = arith.constant 0 : i32
    %c0_i32_0 = arith.constant 0 : i32
    %c0_i32_1 = arith.constant 0 : i32
    return %c0_i32, %c0_i32_0 : i32, i32
  }
  func.func @transform_12(%arg0: i32) -> (i32, i32) {
    %c0_i32 = arith.constant 0 : i32
    %c0_i32_0 = arith.constant 0 : i32
    %c0_i32_1 = arith.constant 0 : i32
    return %c0_i32, %c0_i32_0 : i32, i32
  }
  func.func @transform_13(%arg0: i32) -> (i32, i32) {
    %c0_i32 = arith.constant 0 : i32
    %c0_i32_0 = arith.constant 0 : i32
    %c0_i32_1 = arith.constant 0 : i32
    return %c0_i32, %c0_i32_0 : i32, i32
  }
}

module attributes {stable_mosaic.version = 14 : i64} {
  func.func @_k3_body(%arg0: i32, %arg1: i32, %arg2: memref<1x3584x128xf32, #tpu.memory_space<vmem>>, %arg3: memref<1x1x64xf32, #tpu.memory_space<vmem>>, %arg4: memref<1x128xf32, #tpu.memory_space<vmem>>, %arg5: memref<1x128xf32, #tpu.memory_space<vmem>>, %arg6: memref<1x1x1x3584xf32, #tpu.memory_space<vmem>>, %arg7: memref<3xf32, #tpu.memory_space<smem>>, %arg8: memref<3x128xf32, #tpu.memory_space<vmem>>) attributes {dimension_semantics = [#tpu.dimension_semantics<arbitrary>, #tpu.dimension_semantics<arbitrary>], iteration_bounds = array<i64: 4, 28>, scalar_prefetch = 0 : i64, scratch_operands = 2 : i64, tpu.core_type = #tpu.core_type<tc>, window_params = [{transform_indices = @transform_0, window_bounds = array<i64: 1, 3584, 128>}, {transform_indices = @transform_1, window_bounds = array<i64: 1, 1, 64>}, {pipeline_mode = #tpu.pipeline_mode<synchronous>, transform_indices = @transform_2, window_bounds = array<i64: 1, 128>}, {pipeline_mode = #tpu.pipeline_mode<synchronous>, transform_indices = @transform_3, window_bounds = array<i64: 1, 128>}, {transform_indices = @transform_4, window_bounds = array<i64: 1, 1, 1, 3584>}]} {
    %eq3A = arith.constant 0 : i32
    %eq3A_0 = arith.cmpi eq, %arg1, %eq3A : i32
    %convert_element_type3A = arith.extui %eq3A_0 : i1 to i32
    %cond3A = arith.constant 0 : i32
    %cond3A_1 = arith.cmpi ne, %convert_element_type3A, %cond3A : i32
    scf.if %cond3A_1 {
      %get3A_69 = arith.constant 0 : index
      %get3A_70 = arith.constant 0 : index
      %get3A_71 = arith.constant 0 : index
      %get3A_72 = vector.load %arg3[%get3A_69, %get3A_70, %get3A_71] : memref<1x1x64xf32, #tpu.memory_space<vmem>>, vector<1x1x64xf32>
      %get3A_73 = vector.shape_cast %get3A_72 : vector<1x1x64xf32> to vector<1x64xf32>
      %get3A_74 = arith.constant 0 : index
      %get3A_75 = arith.constant 0 : index
      %get3A_76 = vector.load %arg4[%get3A_74, %get3A_75] : memref<1x128xf32, #tpu.memory_space<vmem>>, vector<1x128xf32>
      %get3A_77 = arith.constant 0 : index
      %get3A_78 = arith.constant 0 : index
      %get3A_79 = vector.load %arg5[%get3A_77, %get3A_78] : memref<1x128xf32, #tpu.memory_space<vmem>>, vector<1x128xf32>
      %iota3A_80 = tpu.iota {dimensions = array<i32: 1>} : vector<1x128xi32>
      %lt3A_81 = arith.constant 64 : i32
      %lt3A_82 = vector.broadcast %lt3A_81 : i32 to vector<1x128xi32>
      %lt3A_83 = arith.cmpi slt, %iota3A_80, %lt3A_82 : vector<1x128xi32>
      %convert_element_type3A_84 = arith.extui %lt3A_83 : vector<1x128xi1> to vector<1x128xi32>
      %convert_element_type3A_85 = arith.sitofp %convert_element_type3A_84 : vector<1x128xi32> to vector<1x128xf32>
      %broadcast_in_dim3A_86 = arith.constant 0.000000e+00 : f32
      %broadcast_in_dim3A_87 = vector.broadcast %broadcast_in_dim3A_86 : f32 to vector<1x64xf32>
      %concatenate3A = tpu.concatenate %get3A_73, %broadcast_in_dim3A_87 in 1 : vector<1x64xf32>, vector<1x64xf32> -> vector<1x128xf32>
      %mul3A_88 = arith.mulf %get3A_76, %get3A_76 : vector<1x128xf32>
      %mul3A_89 = arith.mulf %mul3A_88, %convert_element_type3A_85 : vector<1x128xf32>
      %sub3A_90 = arith.subf %get3A_79, %concatenate3A : vector<1x128xf32>
      %mul3A_91 = arith.mulf %get3A_76, %sub3A_90 : vector<1x128xf32>
      %mul3A_92 = arith.mulf %mul3A_91, %convert_element_type3A_85 : vector<1x128xf32>
      %broadcast_in_dim3A_93 = arith.constant 1.000000e+00 : f32
      %broadcast_in_dim3A_94 = vector.broadcast %broadcast_in_dim3A_93 : f32 to vector<1x128xf32>
      %swap3A_95 = arith.constant 0 : index
      %swap3A_96 = arith.constant 0 : index
      %swap3A_97 = vector.load %arg8[%swap3A_95, %swap3A_96] : memref<3x128xf32, #tpu.memory_space<vmem>>, vector<1x128xf32>
      tpu.vector_store %arg8[%swap3A_95, %swap3A_96], %broadcast_in_dim3A_94 {strides = array<i32>} : memref<3x128xf32, #tpu.memory_space<vmem>>, vector<1x128xf32>,
      %swap3A_98 = arith.constant 1 : index
      %swap3A_99 = arith.constant 0 : index
      %swap3A_100 = vector.load %arg8[%swap3A_98, %swap3A_99] : memref<3x128xf32, #tpu.memory_space<vmem>>, vector<1x128xf32>
      tpu.vector_store %arg8[%swap3A_98, %swap3A_99], %mul3A_89 {strides = array<i32>} : memref<3x128xf32, #tpu.memory_space<vmem>>, vector<1x128xf32>,
      %swap3A_101 = arith.constant 2 : index
      %swap3A_102 = arith.constant 0 : index
      %swap3A_103 = vector.load %arg8[%swap3A_101, %swap3A_102] : memref<3x128xf32, #tpu.memory_space<vmem>>, vector<1x128xf32>
      tpu.vector_store %arg8[%swap3A_101, %swap3A_102], %mul3A_92 {strides = array<i32>} : memref<3x128xf32, #tpu.memory_space<vmem>>, vector<1x128xf32>,
      %reduce_sum3A = vector.shape_cast %mul3A_89 : vector<1x128xf32> to vector<1x1x128xf32>
      %reduce_sum3A_104 = arith.constant dense<0.000000e+00> : vector<1xf32>
      %reduce_sum3A_105 = vector.multi_reduction <add>, %reduce_sum3A, %reduce_sum3A_104 [1, 2] : vector<1x1x128xf32> to vector<1xf32>
      %reduce_sum3A_106 = vector.shape_cast %reduce_sum3A_105 : vector<1xf32> to vector<1x1x1xf32>
      %reduce_sum3A_107 = vector.extract %reduce_sum3A_106[0, 0, 0] : f32 from vector<1x1x1xf32>
      %swap3A_108 = arith.constant 0 : index
      %swap3A_109 = memref.load %arg7[%swap3A_108] : memref<3xf32, #tpu.memory_space<smem>>
      memref.store %reduce_sum3A_107, %arg7[%swap3A_108] : memref<3xf32, #tpu.memory_space<smem>>
      %reduce_sum3A_110 = vector.shape_cast %mul3A_92 : vector<1x128xf32> to vector<1x1x128xf32>
      %reduce_sum3A_111 = arith.constant dense<0.000000e+00> : vector<1xf32>
      %reduce_sum3A_112 = vector.multi_reduction <add>, %reduce_sum3A_110, %reduce_sum3A_111 [1, 2] : vector<1x1x128xf32> to vector<1xf32>
      %reduce_sum3A_113 = vector.shape_cast %reduce_sum3A_112 : vector<1xf32> to vector<1x1x1xf32>
      %reduce_sum3A_114 = vector.extract %reduce_sum3A_113[0, 0, 0] : f32 from vector<1x1x1xf32>
      %swap3A_115 = arith.constant 1 : index
      %swap3A_116 = memref.load %arg7[%swap3A_115] : memref<3xf32, #tpu.memory_space<smem>>
      memref.store %reduce_sum3A_114, %arg7[%swap3A_115] : memref<3xf32, #tpu.memory_space<smem>>
      %sub3A_117 = arith.subf %get3A_79, %concatenate3A : vector<1x128xf32>
      %sub3A_118 = arith.subf %get3A_79, %concatenate3A : vector<1x128xf32>
      %mul3A_119 = arith.mulf %sub3A_117, %sub3A_118 : vector<1x128xf32>
      %mul3A_120 = arith.mulf %mul3A_119, %convert_element_type3A_85 : vector<1x128xf32>
      %reduce_sum3A_121 = vector.shape_cast %mul3A_120 : vector<1x128xf32> to vector<1x1x128xf32>
      %reduce_sum3A_122 = arith.constant dense<0.000000e+00> : vector<1xf32>
      %reduce_sum3A_123 = vector.multi_reduction <add>, %reduce_sum3A_121, %reduce_sum3A_122 [1, 2] : vector<1x1x128xf32> to vector<1xf32>
      %reduce_sum3A_124 = vector.shape_cast %reduce_sum3A_123 : vector<1xf32> to vector<1x1x1xf32>
      %reduce_sum3A_125 = vector.extract %reduce_sum3A_124[0, 0, 0] : f32 from vector<1x1x1xf32>
      %swap3A_126 = arith.constant 2 : index
      %swap3A_127 = memref.load %arg7[%swap3A_126] : memref<3xf32, #tpu.memory_space<smem>>
      memref.store %reduce_sum3A_125, %arg7[%swap3A_126] : memref<3xf32, #tpu.memory_space<smem>>
    } else {
    }
    %get3A = arith.constant 0 : index
    %get3A_2 = arith.constant 0 : index
    %get3A_3 = arith.constant 0 : index
    %get3A_4 = vector.load %arg2[%get3A, %get3A_2, %get3A_3] : memref<1x3584x128xf32, #tpu.memory_space<vmem>>, vector<1x3584x128xf32>
    %get3A_5 = vector.shape_cast %get3A_4 : vector<1x3584x128xf32> to vector<3584x128xf32>
    %mul3A = arith.mulf %get3A_5, %get3A_5 : vector<3584x128xf32>
    %get3A_6 = arith.constant 0 : index
    %get3A_7 = arith.constant 0 : index
    %get3A_8 = vector.load %arg8[%get3A_6, %get3A_7] : memref<3x128xf32, #tpu.memory_space<vmem>>, vector<3x128xf32>
    %dot_general3A = arith.constant dense<0.000000e+00> : vector<3x3584xf32>
    %dot_general3A_9 = tpu.matmul %get3A_8, %get3A_5, %dot_general3A {dimension_numbers = #tpu.dot_dimension_numbers<[1], [1], [0], [0], [0, 0, 1, 0], [], []>, transpose_lhs_hint = false} : vector<3x128xf32>, vector<3584x128xf32>, vector<3x3584xf32> -> vector<3x3584xf32>
    %get3A_10 = arith.constant 0 : index
    %get3A_11 = arith.constant 0 : index
    %get3A_12 = vector.load %arg8[%get3A_10, %get3A_11] : memref<3x128xf32, #tpu.memory_space<vmem>>, vector<2x128xf32>
    %dot_general3A_13 = arith.constant dense<0.000000e+00> : vector<2x3584xf32>
    %dot_general3A_14 = tpu.matmul %get3A_12, %mul3A, %dot_general3A_13 {dimension_numbers = #tpu.dot_dimension_numbers<[1], [1], [0], [0], [0, 0, 1, 0], [], []>, transpose_lhs_hint = false} : vector<2x128xf32>, vector<3584x128xf32>, vector<2x3584xf32> -> vector<2x3584xf32>
    %slice3A = vector.extract_strided_slice %dot_general3A_9 {offsets = [0, 0], sizes = [1, 3584], strides = [1, 1]} : vector<3x3584xf32> to vector<1x3584xf32>
    %mul3A_15 = arith.constant 7.812500e-03 : f32
    %mul3A_16 = vector.broadcast %mul3A_15 : f32 to vector<1x3584xf32>
    %mul3A_17 = arith.mulf %slice3A, %mul3A_16 : vector<1x3584xf32>
    %slice3A_18 = vector.extract_strided_slice %dot_general3A_9 {offsets = [1, 0], sizes = [1, 3584], strides = [1, 1]} : vector<3x3584xf32> to vector<1x3584xf32>
    %slice3A_19 = vector.extract_strided_slice %dot_general3A_9 {offsets = [2, 0], sizes = [1, 3584], strides = [1, 1]} : vector<3x3584xf32> to vector<1x3584xf32>
    %slice3A_20 = vector.extract_strided_slice %dot_general3A_14 {offsets = [0, 0], sizes = [1, 3584], strides = [1, 1]} : vector<2x3584xf32> to vector<1x3584xf32>
    %mul3A_21 = arith.constant 7.812500e-03 : f32
    %mul3A_22 = vector.broadcast %mul3A_21 : f32 to vector<1x3584xf32>
    %mul3A_23 = arith.mulf %slice3A_20, %mul3A_22 : vector<1x3584xf32>
    %mul3A_24 = arith.mulf %mul3A_17, %mul3A_17 : vector<1x3584xf32>
    %sub3A = arith.subf %mul3A_23, %mul3A_24 : vector<1x3584xf32>
    %slice3A_25 = vector.extract_strided_slice %dot_general3A_14 {offsets = [1, 0], sizes = [1, 3584], strides = [1, 1]} : vector<2x3584xf32> to vector<1x3584xf32>
    %add3A = arith.constant 9.99999974E-6 : f32
    %add3A_26 = vector.broadcast %add3A : f32 to vector<1x3584xf32>
    %add3A_27 = arith.addf %sub3A, %add3A_26 : vector<1x3584xf32>
    %div3A = arith.constant 1.000000e+00 : f32
    %div3A_28 = vector.broadcast %div3A : f32 to vector<1x3584xf32>
    %div3A_29 = arith.divf %div3A_28, %add3A_27 : vector<1x3584xf32>
    %add3A_30 = arith.constant 9.99999974E-6 : f32
    %add3A_31 = vector.broadcast %add3A_30 : f32 to vector<1x3584xf32>
    %add3A_32 = arith.addf %sub3A, %add3A_31 : vector<1x3584xf32>
    %rsqrt3A = math.rsqrt %add3A_32 : vector<1x3584xf32>
    %mul3A_33 = arith.constant 2.000000e+00 : f32
    %mul3A_34 = vector.broadcast %mul3A_33 : f32 to vector<1x3584xf32>
    %mul3A_35 = arith.mulf %mul3A_34, %mul3A_17 : vector<1x3584xf32>
    %mul3A_36 = arith.mulf %mul3A_35, %slice3A_18 : vector<1x3584xf32>
    %sub3A_37 = arith.subf %slice3A_25, %mul3A_36 : vector<1x3584xf32>
    %mul3A_38 = arith.mulf %mul3A_17, %mul3A_17 : vector<1x3584xf32>
    %get3A_39 = arith.constant 0 : index
    %get3A_40 = memref.load %arg7[%get3A_39] : memref<3xf32, #tpu.memory_space<smem>>
    %mul3A_41 = vector.broadcast %get3A_40 : f32 to vector<1x3584xf32>
    %mul3A_42 = arith.mulf %mul3A_38, %mul3A_41 : vector<1x3584xf32>
    %add3A_43 = arith.addf %sub3A_37, %mul3A_42 : vector<1x3584xf32>
    %mul3A_44 = arith.mulf %div3A_29, %add3A_43 : vector<1x3584xf32>
    %mul3A_45 = arith.constant 2.000000e+00 : f32
    %mul3A_46 = vector.broadcast %mul3A_45 : f32 to vector<1x3584xf32>
    %mul3A_47 = arith.mulf %mul3A_46, %rsqrt3A : vector<1x3584xf32>
    %get3A_48 = arith.constant 1 : index
    %get3A_49 = memref.load %arg7[%get3A_48] : memref<3xf32, #tpu.memory_space<smem>>
    %mul3A_50 = vector.broadcast %get3A_49 : f32 to vector<1x3584xf32>
    %mul3A_51 = arith.mulf %mul3A_17, %mul3A_50 : vector<1x3584xf32>
    %sub3A_52 = arith.subf %slice3A_19, %mul3A_51 : vector<1x3584xf32>
    %mul3A_53 = arith.mulf %mul3A_47, %sub3A_52 : vector<1x3584xf32>
    %add3A_54 = arith.addf %mul3A_44, %mul3A_53 : vector<1x3584xf32>
    %get3A_55 = arith.constant 2 : index
    %get3A_56 = memref.load %arg7[%get3A_55] : memref<3xf32, #tpu.memory_space<smem>>
    %add3A_57 = vector.broadcast %get3A_56 : f32 to vector<1x3584xf32>
    %add3A_58 = arith.addf %add3A_54, %add3A_57 : vector<1x3584xf32>
    %iota3A = tpu.iota {dimensions = array<i32: 1>} : vector<1x3584xi32>
    %mul3A_59 = arith.constant 3584 : i32
    %mul3A_60 = arith.muli %arg1, %mul3A_59 : i32
    %add3A_61 = vector.broadcast %mul3A_60 : i32 to vector<1x3584xi32>
    %add3A_62 = arith.addi %iota3A, %add3A_61 : vector<1x3584xi32>
    %lt3A = arith.constant 100000 : i32
    %lt3A_63 = vector.broadcast %lt3A : i32 to vector<1x3584xi32>
    %lt3A_64 = arith.cmpi slt, %add3A_62, %lt3A_63 : vector<1x3584xi32>
    %jit3A = arith.constant 0x7F800000 : f32
    %broadcast_in_dim3A = vector.broadcast %jit3A : f32 to vector<1x3584xf32>
    %select_n3A = arith.select %lt3A_64, %add3A_58, %broadcast_in_dim3A : vector<1x3584xi1>, vector<1x3584xf32>
    %reshape3A = vector.shape_cast %select_n3A : vector<1x3584xf32> to vector<1x1x1x3584xf32>
    %swap3A = arith.constant 0 : index
    %swap3A_65 = arith.constant 0 : index
    %swap3A_66 = arith.constant 0 : index
    %swap3A_67 = arith.constant 0 : index
    %swap3A_68 = vector.load %arg6[%swap3A, %swap3A_65, %swap3A_66, %swap3A_67] : memref<1x1x1x3584xf32, #tpu.memory_space<vmem>>, vector<1x1x1x3584xf32>
    tpu.vector_store %arg6[%swap3A, %swap3A_65, %swap3A_66, %swap3A_67], %reshape3A {strides = array<i32>} : memref<1x1x1x3584xf32, #tpu.memory_space<vmem>>, vector<1x1x1x3584xf32>,
    return
  }
  func.func @transform_0(%arg0: i32, %arg1: i32) -> (i32, i32, i32) {
    %c0_i32 = arith.constant 0 : i32
    %c0_i32_0 = arith.constant 0 : i32
    return %arg0, %arg1, %c0_i32 : i32, i32, i32
  }
  func.func @transform_1(%arg0: i32, %arg1: i32) -> (i32, i32, i32) {
    %c0_i32 = arith.constant 0 : i32
    %c0_i32_0 = arith.constant 0 : i32
    %c0_i32_1 = arith.constant 0 : i32
    return %arg0, %c0_i32, %c0_i32_0 : i32, i32, i32
  }
  func.func @transform_2(%arg0: i32, %arg1: i32) -> (i32, i32) {
    %c0_i32 = arith.constant 0 : i32
    %c0_i32_0 = arith.constant 0 : i32
    %c0_i32_1 = arith.constant 0 : i32
    return %c0_i32, %c0_i32_0 : i32, i32
  }
  func.func @transform_3(%arg0: i32, %arg1: i32) -> (i32, i32) {
    %c0_i32 = arith.constant 0 : i32
    %c0_i32_0 = arith.constant 0 : i32
    %c0_i32_1 = arith.constant 0 : i32
    return %c0_i32, %c0_i32_0 : i32, i32
  }
  func.func @transform_4(%arg0: i32, %arg1: i32) -> (i32, i32, i32, i32) {
    %c0_i32 = arith.constant 0 : i32
    %c0_i32_0 = arith.constant 0 : i32
    %c0_i32_1 = arith.constant 0 : i32
    return %arg0, %arg1, %c0_i32, %c0_i32_0 : i32, i32, i32, i32
  }
}

module attributes {stable_mosaic.version = 14 : i64} {
  func.func @_k4_body(%arg0: i32, %arg1: memref<1x64x256xf32, #tpu.memory_space<vmem>>, %arg2: memref<1x64x64xf32, #tpu.memory_space<vmem>>, %arg3: memref<1x2x128xf32, #tpu.memory_space<vmem>>, %arg4: memref<1x128xf32, #tpu.memory_space<vmem>>, %arg5: memref<1x128xf32, #tpu.memory_space<vmem>>, %arg6: memref<64x64xf32, #tpu.memory_space<vmem>>, %arg7: memref<64x64xf32, #tpu.memory_space<vmem>>, %arg8: memref<64x256xf32, #tpu.memory_space<vmem>>, %arg9: memref<1x256xf32, #tpu.memory_space<vmem>>, %arg10: memref<1x256xf32, #tpu.memory_space<vmem>>, %arg11: memref<1x256xf32, #tpu.memory_space<vmem>>, %arg12: memref<256x256xf32, #tpu.memory_space<vmem>>, %arg13: memref<256x512xf32, #tpu.memory_space<vmem>>, %arg14: memref<256x256xf32, #tpu.memory_space<vmem>>, %arg15: memref<1x256xf32, #tpu.memory_space<vmem>>, %arg16: memref<1x256xf32, #tpu.memory_space<vmem>>, %arg17: memref<1x256xf32, #tpu.memory_space<vmem>>, %arg18: memref<256x2048xf32, #tpu.memory_space<vmem>>, %arg19: memref<1x2048xf32, #tpu.memory_space<vmem>>, %arg20: memref<1024x256xf32, #tpu.memory_space<vmem>>, %arg21: memref<1x256xf32, #tpu.memory_space<vmem>>, %arg22: memref<1x256xf32, #tpu.memory_space<vmem>>, %arg23: memref<1x256xf32, #tpu.memory_space<vmem>>, %arg24: memref<256x1000xf32, #tpu.memory_space<vmem>>, %arg25: memref<1x1000xf32, #tpu.memory_space<vmem>>, %arg26: memref<1x1x1000xf32, #tpu.memory_space<vmem>>) attributes {dimension_semantics = [#tpu.dimension_semantics<arbitrary>], iteration_bounds = array<i64: 4>, scalar_prefetch = 0 : i64, scratch_operands = 0 : i64, tpu.core_type = #tpu.core_type<tc>, window_params = [{transform_indices = @transform_0, window_bounds = array<i64: 1, 64, 256>}, {transform_indices = @transform_1, window_bounds = array<i64: 1, 64, 64>}, {transform_indices = @transform_2, window_bounds = array<i64: 1, 2, 128>}, {pipeline_mode = #tpu.pipeline_mode<synchronous>, transform_indices = @transform_3, window_bounds = array<i64: 1, 128>}, {pipeline_mode = #tpu.pipeline_mode<synchronous>, transform_indices = @transform_4, window_bounds = array<i64: 1, 128>}, {pipeline_mode = #tpu.pipeline_mode<synchronous>, transform_indices = @transform_5, window_bounds = array<i64: 64, 64>}, {pipeline_mode = #tpu.pipeline_mode<synchronous>, transform_indices = @transform_6, window_bounds = array<i64: 64, 64>}, {pipeline_mode = #tpu.pipeline_mode<synchronous>, transform_indices = @transform_7, window_bounds = array<i64: 64, 256>}, {pipeline_mode = #tpu.pipeline_mode<synchronous>, transform_indices = @transform_8, window_bounds = array<i64: 1, 256>}, {pipeline_mode = #tpu.pipeline_mode<synchronous>, transform_indices = @transform_9, window_bounds = array<i64: 1, 256>}, {pipeline_mode = #tpu.pipeline_mode<synchronous>, transform_indices = @transform_10, window_bounds = array<i64: 1, 256>}, {pipeline_mode = #tpu.pipeline_mode<synchronous>, transform_indices = @transform_11, window_bounds = array<i64: 256, 256>}, {pipeline_mode = #tpu.pipeline_mode<synchronous>, transform_indices = @transform_12, window_bounds = array<i64: 256, 512>}, {pipeline_mode = #tpu.pipeline_mode<synchronous>, transform_indices = @transform_13, window_bounds = array<i64: 256, 256>}, {pipeline_mode = #tpu.pipeline_mode<synchronous>, transform_indices = @transform_14, window_bounds = array<i64: 1, 256>}, {pipeline_mode = #tpu.pipeline_mode<synchronous>, transform_indices = @transform_15, window_bounds = array<i64: 1, 256>}, {pipeline_mode = #tpu.pipeline_mode<synchronous>, transform_indices = @transform_16, window_bounds = array<i64: 1, 256>}, {pipeline_mode = #tpu.pipeline_mode<synchronous>, transform_indices = @transform_17, window_bounds = array<i64: 256, 2048>}, {pipeline_mode = #tpu.pipeline_mode<synchronous>, transform_indices = @transform_18, window_bounds = array<i64: 1, 2048>}, {pipeline_mode = #tpu.pipeline_mode<synchronous>, transform_indices = @transform_19, window_bounds = array<i64: 1024, 256>}, {pipeline_mode = #tpu.pipeline_mode<synchronous>, transform_indices = @transform_20, window_bounds = array<i64: 1, 256>}, {pipeline_mode = #tpu.pipeline_mode<synchronous>, transform_indices = @transform_21, window_bounds = array<i64: 1, 256>}, {pipeline_mode = #tpu.pipeline_mode<synchronous>, transform_indices = @transform_22, window_bounds = array<i64: 1, 256>}, {pipeline_mode = #tpu.pipeline_mode<synchronous>, transform_indices = @transform_23, window_bounds = array<i64: 256, 1000>}, {pipeline_mode = #tpu.pipeline_mode<synchronous>, transform_indices = @transform_24, window_bounds = array<i64: 1, 1000>}, {transform_indices = @transform_25, window_bounds = array<i64: 1, 1, 1000>}]} {
    %get3A = arith.constant 0 : index
    %get3A_0 = arith.constant 0 : index
    %get3A_1 = arith.constant 0 : index
    %get3A_2 = vector.load %arg3[%get3A, %get3A_0, %get3A_1] : memref<1x2x128xf32, #tpu.memory_space<vmem>>, vector<1x2x128xf32>
    %get3A_3 = vector.shape_cast %get3A_2 : vector<1x2x128xf32> to vector<2x128xf32>
    %get3A_4 = arith.constant 0 : index
    %get3A_5 = arith.constant 0 : index
    %get3A_6 = vector.load %arg4[%get3A_4, %get3A_5] : memref<1x128xf32, #tpu.memory_space<vmem>>, vector<1x128xf32>
    %get3A_7 = arith.constant 0 : index
    %get3A_8 = arith.constant 0 : index
    %get3A_9 = vector.load %arg5[%get3A_7, %get3A_8] : memref<1x128xf32, #tpu.memory_space<vmem>>, vector<1x128xf32>
    %reduce_sum3A = arith.constant dense<0.000000e+00> : vector<2xf32>
    %reduce_sum3A_10 = vector.multi_reduction <add>, %get3A_3, %reduce_sum3A [1] : vector<2x128xf32> to vector<2xf32>
    %broadcast_in_dim3A = vector.shape_cast %reduce_sum3A_10 : vector<2xf32> to vector<2x1xf32>
    %div3A = arith.constant 1.280000e+02 : f32
    %div3A_11 = vector.broadcast %div3A : f32 to vector<2x1xf32>
    %div3A_12 = arith.divf %broadcast_in_dim3A, %div3A_11 : vector<2x1xf32>
    %mul3A = arith.mulf %get3A_3, %get3A_3 : vector<2x128xf32>
    %reduce_sum3A_13 = arith.constant dense<0.000000e+00> : vector<2xf32>
    %reduce_sum3A_14 = vector.multi_reduction <add>, %mul3A, %reduce_sum3A_13 [1] : vector<2x128xf32> to vector<2xf32>
    %broadcast_in_dim3A_15 = vector.shape_cast %reduce_sum3A_14 : vector<2xf32> to vector<2x1xf32>
    %div3A_16 = arith.constant 1.280000e+02 : f32
    %div3A_17 = vector.broadcast %div3A_16 : f32 to vector<2x1xf32>
    %div3A_18 = arith.divf %broadcast_in_dim3A_15, %div3A_17 : vector<2x1xf32>
    %mul3A_19 = arith.mulf %div3A_12, %div3A_12 : vector<2x1xf32>
    %sub3A = arith.subf %div3A_18, %mul3A_19 : vector<2x1xf32>
    %sub3A_20 = vector.broadcast %div3A_12 : vector<2x1xf32> to vector<2x128xf32>
    %sub3A_21 = arith.subf %get3A_3, %sub3A_20 : vector<2x128xf32>
    %add3A = arith.constant 9.99999974E-6 : f32
    %add3A_22 = vector.broadcast %add3A : f32 to vector<2x1xf32>
    %add3A_23 = arith.addf %sub3A, %add3A_22 : vector<2x1xf32>
    %rsqrt3A = math.rsqrt %add3A_23 : vector<2x1xf32>
    %mul3A_24 = vector.broadcast %rsqrt3A : vector<2x1xf32> to vector<2x128xf32>
    %mul3A_25 = arith.mulf %sub3A_21, %mul3A_24 : vector<2x128xf32>
    %mul3A_26 = vector.broadcast %get3A_6 : vector<1x128xf32> to vector<2x128xf32>
    %mul3A_27 = arith.mulf %mul3A_25, %mul3A_26 : vector<2x128xf32>
    %add3A_28 = vector.broadcast %get3A_9 : vector<1x128xf32> to vector<2x128xf32>
    %add3A_29 = arith.addf %mul3A_27, %add3A_28 : vector<2x128xf32>
    %slice3A = vector.extract_strided_slice %add3A_29 {offsets = [0, 0], sizes = [2, 64], strides = [1, 1]} : vector<2x128xf32> to vector<2x64xf32>
    %slice3A_30 = vector.extract_strided_slice %add3A_29 {offsets = [0, 64], sizes = [2, 64], strides = [1, 1]} : vector<2x128xf32> to vector<2x64xf32>
    %get3A_31 = arith.constant 0 : index
    %get3A_32 = arith.constant 0 : index
    %get3A_33 = vector.load %arg6[%get3A_31, %get3A_32] : memref<64x64xf32, #tpu.memory_space<vmem>>, vector<64x64xf32>
    %dot_general3A = arith.constant dense<0.000000e+00> : vector<2x64xf32>
    %dot_general3A_34 = tpu.matmul %slice3A_30, %get3A_33, %dot_general3A {dimension_numbers = #tpu.dot_dimension_numbers<[1], [0], [0], [1], [0, 0, 1, 1], [], []>, transpose_lhs_hint = false} : vector<2x64xf32>, vector<64x64xf32>, vector<2x64xf32> -> vector<2x64xf32>
    %get3A_35 = arith.constant 0 : index
    %get3A_36 = arith.constant 0 : index
    %get3A_37 = vector.load %arg7[%get3A_35, %get3A_36] : memref<64x64xf32, #tpu.memory_space<vmem>>, vector<64x64xf32>
    %dot_general3A_38 = arith.constant dense<0.000000e+00> : vector<2x64xf32>
    %dot_general3A_39 = tpu.matmul %slice3A, %get3A_37, %dot_general3A_38 {dimension_numbers = #tpu.dot_dimension_numbers<[1], [0], [0], [1], [0, 0, 1, 1], [], []>, transpose_lhs_hint = false} : vector<2x64xf32>, vector<64x64xf32>, vector<2x64xf32> -> vector<2x64xf32>
    %get3A_40 = arith.constant 0 : index
    %get3A_41 = arith.constant 0 : index
    %get3A_42 = arith.constant 0 : index
    %get3A_43 = vector.load %arg2[%get3A_40, %get3A_41, %get3A_42] : memref<1x64x64xf32, #tpu.memory_space<vmem>>, vector<1x64x64xf32>
    %get3A_44 = vector.shape_cast %get3A_43 : vector<1x64x64xf32> to vector<64x64xf32>
    %dot_general3A_45 = arith.constant dense<0.000000e+00> : vector<64x2xf32>
    %dot_general3A_46 = tpu.matmul %get3A_44, %dot_general3A_34, %dot_general3A_45 {dimension_numbers = #tpu.dot_dimension_numbers<[1], [1], [0], [0], [0, 0, 1, 0], [], []>, transpose_lhs_hint = false} : vector<64x64xf32>, vector<2x64xf32>, vector<64x2xf32> -> vector<64x2xf32>
    %mul3A_47 = arith.constant 1.250000e-01 : f32
    %mul3A_48 = vector.broadcast %mul3A_47 : f32 to vector<64x2xf32>
    %mul3A_49 = arith.mulf %dot_general3A_46, %mul3A_48 : vector<64x2xf32>
    %reduce_max3A = arith.constant dense<0xFF800000> : vector<64xf32>
    %reduce_max3A_50 = vector.multi_reduction <maximumf>, %mul3A_49, %reduce_max3A [1] : vector<64x2xf32> to vector<64xf32>
    %broadcast_in_dim3A_51 = vector.shape_cast %reduce_max3A_50 : vector<64xf32> to vector<64x1xf32>
    %sub3A_52 = vector.broadcast %broadcast_in_dim3A_51 : vector<64x1xf32> to vector<64x2xf32>
    %sub3A_53 = arith.subf %mul3A_49, %sub3A_52 : vector<64x2xf32>
    %exp3A = math.exp %sub3A_53 : vector<64x2xf32>
    %reduce_sum3A_54 = arith.constant dense<0.000000e+00> : vector<64xf32>
    %reduce_sum3A_55 = vector.multi_reduction <add>, %exp3A, %reduce_sum3A_54 [1] : vector<64x2xf32> to vector<64xf32>
    %broadcast_in_dim3A_56 = vector.shape_cast %reduce_sum3A_55 : vector<64xf32> to vector<64x1xf32>
    %div3A_57 = vector.broadcast %broadcast_in_dim3A_56 : vector<64x1xf32> to vector<64x2xf32>
    %div3A_58 = arith.divf %exp3A, %div3A_57 : vector<64x2xf32>
    %dot_general3A_59 = arith.constant dense<0.000000e+00> : vector<64x64xf32>
    %dot_general3A_60 = tpu.matmul %div3A_58, %dot_general3A_39, %dot_general3A_59 {dimension_numbers = #tpu.dot_dimension_numbers<[1], [0], [0], [1], [0, 0, 1, 1], [], []>, transpose_lhs_hint = false} : vector<64x2xf32>, vector<2x64xf32>, vector<64x64xf32> -> vector<64x64xf32>
    %get3A_61 = arith.constant 0 : index
    %get3A_62 = arith.constant 0 : index
    %get3A_63 = vector.load %arg8[%get3A_61, %get3A_62] : memref<64x256xf32, #tpu.memory_space<vmem>>, vector<64x256xf32>
    %dot_general3A_64 = arith.constant dense<0.000000e+00> : vector<64x256xf32>
    %dot_general3A_65 = tpu.matmul %dot_general3A_60, %get3A_63, %dot_general3A_64 {dimension_numbers = #tpu.dot_dimension_numbers<[1], [0], [0], [1], [0, 0, 1, 1], [], []>, transpose_lhs_hint = false} : vector<64x64xf32>, vector<64x256xf32>, vector<64x256xf32> -> vector<64x256xf32>
    %get3A_66 = arith.constant 0 : index
    %get3A_67 = arith.constant 0 : index
    %get3A_68 = vector.load %arg9[%get3A_66, %get3A_67] : memref<1x256xf32, #tpu.memory_space<vmem>>, vector<1x256xf32>
    %add3A_69 = vector.broadcast %get3A_68 : vector<1x256xf32> to vector<64x256xf32>
    %add3A_70 = arith.addf %dot_general3A_65, %add3A_69 : vector<64x256xf32>
    %get3A_71 = arith.constant 0 : index
    %get3A_72 = arith.constant 0 : index
    %get3A_73 = arith.constant 0 : index
    %get3A_74 = vector.load %arg1[%get3A_71, %get3A_72, %get3A_73] : memref<1x64x256xf32, #tpu.memory_space<vmem>>, vector<1x64x256xf32>
    %get3A_75 = vector.shape_cast %get3A_74 : vector<1x64x256xf32> to vector<64x256xf32>
    %add3A_76 = arith.addf %add3A_70, %get3A_75 : vector<64x256xf32>
    %get3A_77 = arith.constant 0 : index
    %get3A_78 = arith.constant 0 : index
    %get3A_79 = vector.load %arg10[%get3A_77, %get3A_78] : memref<1x256xf32, #tpu.memory_space<vmem>>, vector<1x256xf32>
    %get3A_80 = arith.constant 0 : index
    %get3A_81 = arith.constant 0 : index
    %get3A_82 = vector.load %arg11[%get3A_80, %get3A_81] : memref<1x256xf32, #tpu.memory_space<vmem>>, vector<1x256xf32>
    %reduce_sum3A_83 = arith.constant dense<0.000000e+00> : vector<64xf32>
    %reduce_sum3A_84 = vector.multi_reduction <add>, %add3A_76, %reduce_sum3A_83 [1] : vector<64x256xf32> to vector<64xf32>
    %broadcast_in_dim3A_85 = vector.shape_cast %reduce_sum3A_84 : vector<64xf32> to vector<64x1xf32>
    %div3A_86 = arith.constant 2.560000e+02 : f32
    %div3A_87 = vector.broadcast %div3A_86 : f32 to vector<64x1xf32>
    %div3A_88 = arith.divf %broadcast_in_dim3A_85, %div3A_87 : vector<64x1xf32>
    %mul3A_89 = arith.mulf %add3A_76, %add3A_76 : vector<64x256xf32>
    %reduce_sum3A_90 = arith.constant dense<0.000000e+00> : vector<64xf32>
    %reduce_sum3A_91 = vector.multi_reduction <add>, %mul3A_89, %reduce_sum3A_90 [1] : vector<64x256xf32> to vector<64xf32>
    %broadcast_in_dim3A_92 = vector.shape_cast %reduce_sum3A_91 : vector<64xf32> to vector<64x1xf32>
    %div3A_93 = arith.constant 2.560000e+02 : f32
    %div3A_94 = vector.broadcast %div3A_93 : f32 to vector<64x1xf32>
    %div3A_95 = arith.divf %broadcast_in_dim3A_92, %div3A_94 : vector<64x1xf32>
    %mul3A_96 = arith.mulf %div3A_88, %div3A_88 : vector<64x1xf32>
    %sub3A_97 = arith.subf %div3A_95, %mul3A_96 : vector<64x1xf32>
    %sub3A_98 = vector.broadcast %div3A_88 : vector<64x1xf32> to vector<64x256xf32>
    %sub3A_99 = arith.subf %add3A_76, %sub3A_98 : vector<64x256xf32>
    %add3A_100 = arith.constant 9.99999974E-6 : f32
    %add3A_101 = vector.broadcast %add3A_100 : f32 to vector<64x1xf32>
    %add3A_102 = arith.addf %sub3A_97, %add3A_101 : vector<64x1xf32>
    %rsqrt3A_103 = math.rsqrt %add3A_102 : vector<64x1xf32>
    %mul3A_104 = vector.broadcast %rsqrt3A_103 : vector<64x1xf32> to vector<64x256xf32>
    %mul3A_105 = arith.mulf %sub3A_99, %mul3A_104 : vector<64x256xf32>
    %mul3A_106 = vector.broadcast %get3A_79 : vector<1x256xf32> to vector<64x256xf32>
    %mul3A_107 = arith.mulf %mul3A_105, %mul3A_106 : vector<64x256xf32>
    %add3A_108 = vector.broadcast %get3A_82 : vector<1x256xf32> to vector<64x256xf32>
    %add3A_109 = arith.addf %mul3A_107, %add3A_108 : vector<64x256xf32>
    %get3A_110 = arith.constant 0 : index
    %get3A_111 = arith.constant 0 : index
    %get3A_112 = vector.load %arg12[%get3A_110, %get3A_111] : memref<256x256xf32, #tpu.memory_space<vmem>>, vector<256x256xf32>
    %dot_general3A_113 = arith.constant dense<0.000000e+00> : vector<64x256xf32>
    %dot_general3A_114 = tpu.matmul %add3A_109, %get3A_112, %dot_general3A_113 {dimension_numbers = #tpu.dot_dimension_numbers<[1], [0], [0], [1], [0, 0, 1, 1], [], []>, transpose_lhs_hint = false} : vector<64x256xf32>, vector<256x256xf32>, vector<64x256xf32> -> vector<64x256xf32>
    %get3A_115 = arith.constant 0 : index
    %get3A_116 = arith.constant 0 : index
    %get3A_117 = vector.load %arg13[%get3A_115, %get3A_116] : memref<256x512xf32, #tpu.memory_space<vmem>>, vector<256x512xf32>
    %dot_general3A_118 = arith.constant dense<0.000000e+00> : vector<64x512xf32>
    %dot_general3A_119 = tpu.matmul %add3A_109, %get3A_117, %dot_general3A_118 {dimension_numbers = #tpu.dot_dimension_numbers<[1], [0], [0], [1], [0, 0, 1, 1], [], []>, transpose_lhs_hint = false} : vector<64x256xf32>, vector<256x512xf32>, vector<64x512xf32> -> vector<64x512xf32>
    %slice3A_120 = vector.extract_strided_slice %dot_general3A_119 {offsets = [0, 0], sizes = [64, 256], strides = [1, 1]} : vector<64x512xf32> to vector<64x256xf32>
    %slice3A_121 = vector.extract_strided_slice %dot_general3A_119 {offsets = [0, 256], sizes = [64, 256], strides = [1, 1]} : vector<64x512xf32> to vector<64x256xf32>
    %slice3A_122 = vector.extract_strided_slice %dot_general3A_114 {offsets = [0, 0], sizes = [64, 32], strides = [1, 1]} : vector<64x256xf32> to vector<64x32xf32>
    %slice3A_123 = vector.extract_strided_slice %slice3A_120 {offsets = [0, 0], sizes = [64, 32], strides = [1, 1]} : vector<64x256xf32> to vector<64x32xf32>
    %dot_general3A_124 = arith.constant dense<0.000000e+00> : vector<64x64xf32>
    %dot_general3A_125 = tpu.matmul %slice3A_122, %slice3A_123, %dot_general3A_124 {dimension_numbers = #tpu.dot_dimension_numbers<[1], [1], [0], [0], [0, 0, 1, 0], [], []>, transpose_lhs_hint = false} : vector<64x32xf32>, vector<64x32xf32>, vector<64x64xf32> -> vector<64x64xf32>
    %mul3A_126 = arith.constant 0.176776692 : f32
    %mul3A_127 = vector.broadcast %mul3A_126 : f32 to vector<64x64xf32>
    %mul3A_128 = arith.mulf %dot_general3A_125, %mul3A_127 : vector<64x64xf32>
    %reduce_max3A_129 = arith.constant dense<0xFF800000> : vector<64xf32>
    %reduce_max3A_130 = vector.multi_reduction <maximumf>, %mul3A_128, %reduce_max3A_129 [1] : vector<64x64xf32> to vector<64xf32>
    %broadcast_in_dim3A_131 = vector.shape_cast %reduce_max3A_130 : vector<64xf32> to vector<64x1xf32>
    %sub3A_132 = vector.broadcast %broadcast_in_dim3A_131 : vector<64x1xf32> to vector<64x64xf32>
    %sub3A_133 = arith.subf %mul3A_128, %sub3A_132 : vector<64x64xf32>
    %exp3A_134 = math.exp %sub3A_133 : vector<64x64xf32>
    %reduce_sum3A_135 = arith.constant dense<0.000000e+00> : vector<64xf32>
    %reduce_sum3A_136 = vector.multi_reduction <add>, %exp3A_134, %reduce_sum3A_135 [1] : vector<64x64xf32> to vector<64xf32>
    %broadcast_in_dim3A_137 = vector.shape_cast %reduce_sum3A_136 : vector<64xf32> to vector<64x1xf32>
    %div3A_138 = vector.broadcast %broadcast_in_dim3A_137 : vector<64x1xf32> to vector<64x64xf32>
    %div3A_139 = arith.divf %exp3A_134, %div3A_138 : vector<64x64xf32>
    %slice3A_140 = vector.extract_strided_slice %slice3A_121 {offsets = [0, 0], sizes = [64, 32], strides = [1, 1]} : vector<64x256xf32> to vector<64x32xf32>
    %dot_general3A_141 = arith.constant dense<0.000000e+00> : vector<64x32xf32>
    %dot_general3A_142 = tpu.matmul %div3A_139, %slice3A_140, %dot_general3A_141 {dimension_numbers = #tpu.dot_dimension_numbers<[1], [0], [0], [1], [0, 0, 1, 1], [], []>, transpose_lhs_hint = false} : vector<64x64xf32>, vector<64x32xf32>, vector<64x32xf32> -> vector<64x32xf32>
    %slice3A_143 = vector.extract_strided_slice %dot_general3A_114 {offsets = [0, 32], sizes = [64, 32], strides = [1, 1]} : vector<64x256xf32> to vector<64x32xf32>
    %slice3A_144 = vector.extract_strided_slice %slice3A_120 {offsets = [0, 32], sizes = [64, 32], strides = [1, 1]} : vector<64x256xf32> to vector<64x32xf32>
    %dot_general3A_145 = arith.constant dense<0.000000e+00> : vector<64x64xf32>
    %dot_general3A_146 = tpu.matmul %slice3A_143, %slice3A_144, %dot_general3A_145 {dimension_numbers = #tpu.dot_dimension_numbers<[1], [1], [0], [0], [0, 0, 1, 0], [], []>, transpose_lhs_hint = false} : vector<64x32xf32>, vector<64x32xf32>, vector<64x64xf32> -> vector<64x64xf32>
    %mul3A_147 = arith.constant 0.176776692 : f32
    %mul3A_148 = vector.broadcast %mul3A_147 : f32 to vector<64x64xf32>
    %mul3A_149 = arith.mulf %dot_general3A_146, %mul3A_148 : vector<64x64xf32>
    %reduce_max3A_150 = arith.constant dense<0xFF800000> : vector<64xf32>
    %reduce_max3A_151 = vector.multi_reduction <maximumf>, %mul3A_149, %reduce_max3A_150 [1] : vector<64x64xf32> to vector<64xf32>
    %broadcast_in_dim3A_152 = vector.shape_cast %reduce_max3A_151 : vector<64xf32> to vector<64x1xf32>
    %sub3A_153 = vector.broadcast %broadcast_in_dim3A_152 : vector<64x1xf32> to vector<64x64xf32>
    %sub3A_154 = arith.subf %mul3A_149, %sub3A_153 : vector<64x64xf32>
    %exp3A_155 = math.exp %sub3A_154 : vector<64x64xf32>
    %reduce_sum3A_156 = arith.constant dense<0.000000e+00> : vector<64xf32>
    %reduce_sum3A_157 = vector.multi_reduction <add>, %exp3A_155, %reduce_sum3A_156 [1] : vector<64x64xf32> to vector<64xf32>
    %broadcast_in_dim3A_158 = vector.shape_cast %reduce_sum3A_157 : vector<64xf32> to vector<64x1xf32>
    %div3A_159 = vector.broadcast %broadcast_in_dim3A_158 : vector<64x1xf32> to vector<64x64xf32>
    %div3A_160 = arith.divf %exp3A_155, %div3A_159 : vector<64x64xf32>
    %slice3A_161 = vector.extract_strided_slice %slice3A_121 {offsets = [0, 32], sizes = [64, 32], strides = [1, 1]} : vector<64x256xf32> to vector<64x32xf32>
    %dot_general3A_162 = arith.constant dense<0.000000e+00> : vector<64x32xf32>
    %dot_general3A_163 = tpu.matmul %div3A_160, %slice3A_161, %dot_general3A_162 {dimension_numbers = #tpu.dot_dimension_numbers<[1], [0], [0], [1], [0, 0, 1, 1], [], []>, transpose_lhs_hint = false} : vector<64x64xf32>, vector<64x32xf32>, vector<64x32xf32> -> vector<64x32xf32>
    %slice3A_164 = vector.extract_strided_slice %dot_general3A_114 {offsets = [0, 64], sizes = [64, 32], strides = [1, 1]} : vector<64x256xf32> to vector<64x32xf32>
    %slice3A_165 = vector.extract_strided_slice %slice3A_120 {offsets = [0, 64], sizes = [64, 32], strides = [1, 1]} : vector<64x256xf32> to vector<64x32xf32>
    %dot_general3A_166 = arith.constant dense<0.000000e+00> : vector<64x64xf32>
    %dot_general3A_167 = tpu.matmul %slice3A_164, %slice3A_165, %dot_general3A_166 {dimension_numbers = #tpu.dot_dimension_numbers<[1], [1], [0], [0], [0, 0, 1, 0], [], []>, transpose_lhs_hint = false} : vector<64x32xf32>, vector<64x32xf32>, vector<64x64xf32> -> vector<64x64xf32>
    %mul3A_168 = arith.constant 0.176776692 : f32
    %mul3A_169 = vector.broadcast %mul3A_168 : f32 to vector<64x64xf32>
    %mul3A_170 = arith.mulf %dot_general3A_167, %mul3A_169 : vector<64x64xf32>
    %reduce_max3A_171 = arith.constant dense<0xFF800000> : vector<64xf32>
    %reduce_max3A_172 = vector.multi_reduction <maximumf>, %mul3A_170, %reduce_max3A_171 [1] : vector<64x64xf32> to vector<64xf32>
    %broadcast_in_dim3A_173 = vector.shape_cast %reduce_max3A_172 : vector<64xf32> to vector<64x1xf32>
    %sub3A_174 = vector.broadcast %broadcast_in_dim3A_173 : vector<64x1xf32> to vector<64x64xf32>
    %sub3A_175 = arith.subf %mul3A_170, %sub3A_174 : vector<64x64xf32>
    %exp3A_176 = math.exp %sub3A_175 : vector<64x64xf32>
    %reduce_sum3A_177 = arith.constant dense<0.000000e+00> : vector<64xf32>
    %reduce_sum3A_178 = vector.multi_reduction <add>, %exp3A_176, %reduce_sum3A_177 [1] : vector<64x64xf32> to vector<64xf32>
    %broadcast_in_dim3A_179 = vector.shape_cast %reduce_sum3A_178 : vector<64xf32> to vector<64x1xf32>
    %div3A_180 = vector.broadcast %broadcast_in_dim3A_179 : vector<64x1xf32> to vector<64x64xf32>
    %div3A_181 = arith.divf %exp3A_176, %div3A_180 : vector<64x64xf32>
    %slice3A_182 = vector.extract_strided_slice %slice3A_121 {offsets = [0, 64], sizes = [64, 32], strides = [1, 1]} : vector<64x256xf32> to vector<64x32xf32>
    %dot_general3A_183 = arith.constant dense<0.000000e+00> : vector<64x32xf32>
    %dot_general3A_184 = tpu.matmul %div3A_181, %slice3A_182, %dot_general3A_183 {dimension_numbers = #tpu.dot_dimension_numbers<[1], [0], [0], [1], [0, 0, 1, 1], [], []>, transpose_lhs_hint = false} : vector<64x64xf32>, vector<64x32xf32>, vector<64x32xf32> -> vector<64x32xf32>
    %slice3A_185 = vector.extract_strided_slice %dot_general3A_114 {offsets = [0, 96], sizes = [64, 32], strides = [1, 1]} : vector<64x256xf32> to vector<64x32xf32>
    %slice3A_186 = vector.extract_strided_slice %slice3A_120 {offsets = [0, 96], sizes = [64, 32], strides = [1, 1]} : vector<64x256xf32> to vector<64x32xf32>
    %dot_general3A_187 = arith.constant dense<0.000000e+00> : vector<64x64xf32>
    %dot_general3A_188 = tpu.matmul %slice3A_185, %slice3A_186, %dot_general3A_187 {dimension_numbers = #tpu.dot_dimension_numbers<[1], [1], [0], [0], [0, 0, 1, 0], [], []>, transpose_lhs_hint = false} : vector<64x32xf32>, vector<64x32xf32>, vector<64x64xf32> -> vector<64x64xf32>
    %mul3A_189 = arith.constant 0.176776692 : f32
    %mul3A_190 = vector.broadcast %mul3A_189 : f32 to vector<64x64xf32>
    %mul3A_191 = arith.mulf %dot_general3A_188, %mul3A_190 : vector<64x64xf32>
    %reduce_max3A_192 = arith.constant dense<0xFF800000> : vector<64xf32>
    %reduce_max3A_193 = vector.multi_reduction <maximumf>, %mul3A_191, %reduce_max3A_192 [1] : vector<64x64xf32> to vector<64xf32>
    %broadcast_in_dim3A_194 = vector.shape_cast %reduce_max3A_193 : vector<64xf32> to vector<64x1xf32>
    %sub3A_195 = vector.broadcast %broadcast_in_dim3A_194 : vector<64x1xf32> to vector<64x64xf32>
    %sub3A_196 = arith.subf %mul3A_191, %sub3A_195 : vector<64x64xf32>
    %exp3A_197 = math.exp %sub3A_196 : vector<64x64xf32>
    %reduce_sum3A_198 = arith.constant dense<0.000000e+00> : vector<64xf32>
    %reduce_sum3A_199 = vector.multi_reduction <add>, %exp3A_197, %reduce_sum3A_198 [1] : vector<64x64xf32> to vector<64xf32>
    %broadcast_in_dim3A_200 = vector.shape_cast %reduce_sum3A_199 : vector<64xf32> to vector<64x1xf32>
    %div3A_201 = vector.broadcast %broadcast_in_dim3A_200 : vector<64x1xf32> to vector<64x64xf32>
    %div3A_202 = arith.divf %exp3A_197, %div3A_201 : vector<64x64xf32>
    %slice3A_203 = vector.extract_strided_slice %slice3A_121 {offsets = [0, 96], sizes = [64, 32], strides = [1, 1]} : vector<64x256xf32> to vector<64x32xf32>
    %dot_general3A_204 = arith.constant dense<0.000000e+00> : vector<64x32xf32>
    %dot_general3A_205 = tpu.matmul %div3A_202, %slice3A_203, %dot_general3A_204 {dimension_numbers = #tpu.dot_dimension_numbers<[1], [0], [0], [1], [0, 0, 1, 1], [], []>, transpose_lhs_hint = false} : vector<64x64xf32>, vector<64x32xf32>, vector<64x32xf32> -> vector<64x32xf32>
    %slice3A_206 = vector.extract_strided_slice %dot_general3A_114 {offsets = [0, 128], sizes = [64, 32], strides = [1, 1]} : vector<64x256xf32> to vector<64x32xf32>
    %slice3A_207 = vector.extract_strided_slice %slice3A_120 {offsets = [0, 128], sizes = [64, 32], strides = [1, 1]} : vector<64x256xf32> to vector<64x32xf32>
    %dot_general3A_208 = arith.constant dense<0.000000e+00> : vector<64x64xf32>
    %dot_general3A_209 = tpu.matmul %slice3A_206, %slice3A_207, %dot_general3A_208 {dimension_numbers = #tpu.dot_dimension_numbers<[1], [1], [0], [0], [0, 0, 1, 0], [], []>, transpose_lhs_hint = false} : vector<64x32xf32>, vector<64x32xf32>, vector<64x64xf32> -> vector<64x64xf32>
    %mul3A_210 = arith.constant 0.176776692 : f32
    %mul3A_211 = vector.broadcast %mul3A_210 : f32 to vector<64x64xf32>
    %mul3A_212 = arith.mulf %dot_general3A_209, %mul3A_211 : vector<64x64xf32>
    %reduce_max3A_213 = arith.constant dense<0xFF800000> : vector<64xf32>
    %reduce_max3A_214 = vector.multi_reduction <maximumf>, %mul3A_212, %reduce_max3A_213 [1] : vector<64x64xf32> to vector<64xf32>
    %broadcast_in_dim3A_215 = vector.shape_cast %reduce_max3A_214 : vector<64xf32> to vector<64x1xf32>
    %sub3A_216 = vector.broadcast %broadcast_in_dim3A_215 : vector<64x1xf32> to vector<64x64xf32>
    %sub3A_217 = arith.subf %mul3A_212, %sub3A_216 : vector<64x64xf32>
    %exp3A_218 = math.exp %sub3A_217 : vector<64x64xf32>
    %reduce_sum3A_219 = arith.constant dense<0.000000e+00> : vector<64xf32>
    %reduce_sum3A_220 = vector.multi_reduction <add>, %exp3A_218, %reduce_sum3A_219 [1] : vector<64x64xf32> to vector<64xf32>
    %broadcast_in_dim3A_221 = vector.shape_cast %reduce_sum3A_220 : vector<64xf32> to vector<64x1xf32>
    %div3A_222 = vector.broadcast %broadcast_in_dim3A_221 : vector<64x1xf32> to vector<64x64xf32>
    %div3A_223 = arith.divf %exp3A_218, %div3A_222 : vector<64x64xf32>
    %slice3A_224 = vector.extract_strided_slice %slice3A_121 {offsets = [0, 128], sizes = [64, 32], strides = [1, 1]} : vector<64x256xf32> to vector<64x32xf32>
    %dot_general3A_225 = arith.constant dense<0.000000e+00> : vector<64x32xf32>
    %dot_general3A_226 = tpu.matmul %div3A_223, %slice3A_224, %dot_general3A_225 {dimension_numbers = #tpu.dot_dimension_numbers<[1], [0], [0], [1], [0, 0, 1, 1], [], []>, transpose_lhs_hint = false} : vector<64x64xf32>, vector<64x32xf32>, vector<64x32xf32> -> vector<64x32xf32>
    %slice3A_227 = vector.extract_strided_slice %dot_general3A_114 {offsets = [0, 160], sizes = [64, 32], strides = [1, 1]} : vector<64x256xf32> to vector<64x32xf32>
    %slice3A_228 = vector.extract_strided_slice %slice3A_120 {offsets = [0, 160], sizes = [64, 32], strides = [1, 1]} : vector<64x256xf32> to vector<64x32xf32>
    %dot_general3A_229 = arith.constant dense<0.000000e+00> : vector<64x64xf32>
    %dot_general3A_230 = tpu.matmul %slice3A_227, %slice3A_228, %dot_general3A_229 {dimension_numbers = #tpu.dot_dimension_numbers<[1], [1], [0], [0], [0, 0, 1, 0], [], []>, transpose_lhs_hint = false} : vector<64x32xf32>, vector<64x32xf32>, vector<64x64xf32> -> vector<64x64xf32>
    %mul3A_231 = arith.constant 0.176776692 : f32
    %mul3A_232 = vector.broadcast %mul3A_231 : f32 to vector<64x64xf32>
    %mul3A_233 = arith.mulf %dot_general3A_230, %mul3A_232 : vector<64x64xf32>
    %reduce_max3A_234 = arith.constant dense<0xFF800000> : vector<64xf32>
    %reduce_max3A_235 = vector.multi_reduction <maximumf>, %mul3A_233, %reduce_max3A_234 [1] : vector<64x64xf32> to vector<64xf32>
    %broadcast_in_dim3A_236 = vector.shape_cast %reduce_max3A_235 : vector<64xf32> to vector<64x1xf32>
    %sub3A_237 = vector.broadcast %broadcast_in_dim3A_236 : vector<64x1xf32> to vector<64x64xf32>
    %sub3A_238 = arith.subf %mul3A_233, %sub3A_237 : vector<64x64xf32>
    %exp3A_239 = math.exp %sub3A_238 : vector<64x64xf32>
    %reduce_sum3A_240 = arith.constant dense<0.000000e+00> : vector<64xf32>
    %reduce_sum3A_241 = vector.multi_reduction <add>, %exp3A_239, %reduce_sum3A_240 [1] : vector<64x64xf32> to vector<64xf32>
    %broadcast_in_dim3A_242 = vector.shape_cast %reduce_sum3A_241 : vector<64xf32> to vector<64x1xf32>
    %div3A_243 = vector.broadcast %broadcast_in_dim3A_242 : vector<64x1xf32> to vector<64x64xf32>
    %div3A_244 = arith.divf %exp3A_239, %div3A_243 : vector<64x64xf32>
    %slice3A_245 = vector.extract_strided_slice %slice3A_121 {offsets = [0, 160], sizes = [64, 32], strides = [1, 1]} : vector<64x256xf32> to vector<64x32xf32>
    %dot_general3A_246 = arith.constant dense<0.000000e+00> : vector<64x32xf32>
    %dot_general3A_247 = tpu.matmul %div3A_244, %slice3A_245, %dot_general3A_246 {dimension_numbers = #tpu.dot_dimension_numbers<[1], [0], [0], [1], [0, 0, 1, 1], [], []>, transpose_lhs_hint = false} : vector<64x64xf32>, vector<64x32xf32>, vector<64x32xf32> -> vector<64x32xf32>
    %slice3A_248 = vector.extract_strided_slice %dot_general3A_114 {offsets = [0, 192], sizes = [64, 32], strides = [1, 1]} : vector<64x256xf32> to vector<64x32xf32>
    %slice3A_249 = vector.extract_strided_slice %slice3A_120 {offsets = [0, 192], sizes = [64, 32], strides = [1, 1]} : vector<64x256xf32> to vector<64x32xf32>
    %dot_general3A_250 = arith.constant dense<0.000000e+00> : vector<64x64xf32>
    %dot_general3A_251 = tpu.matmul %slice3A_248, %slice3A_249, %dot_general3A_250 {dimension_numbers = #tpu.dot_dimension_numbers<[1], [1], [0], [0], [0, 0, 1, 0], [], []>, transpose_lhs_hint = false} : vector<64x32xf32>, vector<64x32xf32>, vector<64x64xf32> -> vector<64x64xf32>
    %mul3A_252 = arith.constant 0.176776692 : f32
    %mul3A_253 = vector.broadcast %mul3A_252 : f32 to vector<64x64xf32>
    %mul3A_254 = arith.mulf %dot_general3A_251, %mul3A_253 : vector<64x64xf32>
    %reduce_max3A_255 = arith.constant dense<0xFF800000> : vector<64xf32>
    %reduce_max3A_256 = vector.multi_reduction <maximumf>, %mul3A_254, %reduce_max3A_255 [1] : vector<64x64xf32> to vector<64xf32>
    %broadcast_in_dim3A_257 = vector.shape_cast %reduce_max3A_256 : vector<64xf32> to vector<64x1xf32>
    %sub3A_258 = vector.broadcast %broadcast_in_dim3A_257 : vector<64x1xf32> to vector<64x64xf32>
    %sub3A_259 = arith.subf %mul3A_254, %sub3A_258 : vector<64x64xf32>
    %exp3A_260 = math.exp %sub3A_259 : vector<64x64xf32>
    %reduce_sum3A_261 = arith.constant dense<0.000000e+00> : vector<64xf32>
    %reduce_sum3A_262 = vector.multi_reduction <add>, %exp3A_260, %reduce_sum3A_261 [1] : vector<64x64xf32> to vector<64xf32>
    %broadcast_in_dim3A_263 = vector.shape_cast %reduce_sum3A_262 : vector<64xf32> to vector<64x1xf32>
    %div3A_264 = vector.broadcast %broadcast_in_dim3A_263 : vector<64x1xf32> to vector<64x64xf32>
    %div3A_265 = arith.divf %exp3A_260, %div3A_264 : vector<64x64xf32>
    %slice3A_266 = vector.extract_strided_slice %slice3A_121 {offsets = [0, 192], sizes = [64, 32], strides = [1, 1]} : vector<64x256xf32> to vector<64x32xf32>
    %dot_general3A_267 = arith.constant dense<0.000000e+00> : vector<64x32xf32>
    %dot_general3A_268 = tpu.matmul %div3A_265, %slice3A_266, %dot_general3A_267 {dimension_numbers = #tpu.dot_dimension_numbers<[1], [0], [0], [1], [0, 0, 1, 1], [], []>, transpose_lhs_hint = false} : vector<64x64xf32>, vector<64x32xf32>, vector<64x32xf32> -> vector<64x32xf32>
    %slice3A_269 = vector.extract_strided_slice %dot_general3A_114 {offsets = [0, 224], sizes = [64, 32], strides = [1, 1]} : vector<64x256xf32> to vector<64x32xf32>
    %slice3A_270 = vector.extract_strided_slice %slice3A_120 {offsets = [0, 224], sizes = [64, 32], strides = [1, 1]} : vector<64x256xf32> to vector<64x32xf32>
    %dot_general3A_271 = arith.constant dense<0.000000e+00> : vector<64x64xf32>
    %dot_general3A_272 = tpu.matmul %slice3A_269, %slice3A_270, %dot_general3A_271 {dimension_numbers = #tpu.dot_dimension_numbers<[1], [1], [0], [0], [0, 0, 1, 0], [], []>, transpose_lhs_hint = false} : vector<64x32xf32>, vector<64x32xf32>, vector<64x64xf32> -> vector<64x64xf32>
    %mul3A_273 = arith.constant 0.176776692 : f32
    %mul3A_274 = vector.broadcast %mul3A_273 : f32 to vector<64x64xf32>
    %mul3A_275 = arith.mulf %dot_general3A_272, %mul3A_274 : vector<64x64xf32>
    %reduce_max3A_276 = arith.constant dense<0xFF800000> : vector<64xf32>
    %reduce_max3A_277 = vector.multi_reduction <maximumf>, %mul3A_275, %reduce_max3A_276 [1] : vector<64x64xf32> to vector<64xf32>
    %broadcast_in_dim3A_278 = vector.shape_cast %reduce_max3A_277 : vector<64xf32> to vector<64x1xf32>
    %sub3A_279 = vector.broadcast %broadcast_in_dim3A_278 : vector<64x1xf32> to vector<64x64xf32>
    %sub3A_280 = arith.subf %mul3A_275, %sub3A_279 : vector<64x64xf32>
    %exp3A_281 = math.exp %sub3A_280 : vector<64x64xf32>
    %reduce_sum3A_282 = arith.constant dense<0.000000e+00> : vector<64xf32>
    %reduce_sum3A_283 = vector.multi_reduction <add>, %exp3A_281, %reduce_sum3A_282 [1] : vector<64x64xf32> to vector<64xf32>
    %broadcast_in_dim3A_284 = vector.shape_cast %reduce_sum3A_283 : vector<64xf32> to vector<64x1xf32>
    %div3A_285 = vector.broadcast %broadcast_in_dim3A_284 : vector<64x1xf32> to vector<64x64xf32>
    %div3A_286 = arith.divf %exp3A_281, %div3A_285 : vector<64x64xf32>
    %slice3A_287 = vector.extract_strided_slice %slice3A_121 {offsets = [0, 224], sizes = [64, 32], strides = [1, 1]} : vector<64x256xf32> to vector<64x32xf32>
    %dot_general3A_288 = arith.constant dense<0.000000e+00> : vector<64x32xf32>
    %dot_general3A_289 = tpu.matmul %div3A_286, %slice3A_287, %dot_general3A_288 {dimension_numbers = #tpu.dot_dimension_numbers<[1], [0], [0], [1], [0, 0, 1, 1], [], []>, transpose_lhs_hint = false} : vector<64x64xf32>, vector<64x32xf32>, vector<64x32xf32> -> vector<64x32xf32>
    %concatenate3A = tpu.concatenate %dot_general3A_142, %dot_general3A_163, %dot_general3A_184, %dot_general3A_205, %dot_general3A_226, %dot_general3A_247, %dot_general3A_268, %dot_general3A_289 in 1 : vector<64x32xf32>, vector<64x32xf32>, vector<64x32xf32>, vector<64x32xf32>, vector<64x32xf32>, vector<64x32xf32>, vector<64x32xf32>, vector<64x32xf32> -> vector<64x256xf32>
    %get3A_290 = arith.constant 0 : index
    %get3A_291 = arith.constant 0 : index
    %get3A_292 = vector.load %arg14[%get3A_290, %get3A_291] : memref<256x256xf32, #tpu.memory_space<vmem>>, vector<256x256xf32>
    %dot_general3A_293 = arith.constant dense<0.000000e+00> : vector<64x256xf32>
    %dot_general3A_294 = tpu.matmul %concatenate3A, %get3A_292, %dot_general3A_293 {dimension_numbers = #tpu.dot_dimension_numbers<[1], [0], [0], [1], [0, 0, 1, 1], [], []>, transpose_lhs_hint = false} : vector<64x256xf32>, vector<256x256xf32>, vector<64x256xf32> -> vector<64x256xf32>
    %get3A_295 = arith.constant 0 : index
    %get3A_296 = arith.constant 0 : index
    %get3A_297 = vector.load %arg15[%get3A_295, %get3A_296] : memref<1x256xf32, #tpu.memory_space<vmem>>, vector<1x256xf32>
    %add3A_298 = vector.broadcast %get3A_297 : vector<1x256xf32> to vector<64x256xf32>
    %add3A_299 = arith.addf %dot_general3A_294, %add3A_298 : vector<64x256xf32>
    %add3A_300 = arith.addf %add3A_299, %add3A_76 : vector<64x256xf32>
    %get3A_301 = arith.constant 0 : index
    %get3A_302 = arith.constant 0 : index
    %get3A_303 = vector.load %arg16[%get3A_301, %get3A_302] : memref<1x256xf32, #tpu.memory_space<vmem>>, vector<1x256xf32>
    %get3A_304 = arith.constant 0 : index
    %get3A_305 = arith.constant 0 : index
    %get3A_306 = vector.load %arg17[%get3A_304, %get3A_305] : memref<1x256xf32, #tpu.memory_space<vmem>>, vector<1x256xf32>
    %reduce_sum3A_307 = arith.constant dense<0.000000e+00> : vector<64xf32>
    %reduce_sum3A_308 = vector.multi_reduction <add>, %add3A_300, %reduce_sum3A_307 [1] : vector<64x256xf32> to vector<64xf32>
    %broadcast_in_dim3A_309 = vector.shape_cast %reduce_sum3A_308 : vector<64xf32> to vector<64x1xf32>
    %div3A_310 = arith.constant 2.560000e+02 : f32
    %div3A_311 = vector.broadcast %div3A_310 : f32 to vector<64x1xf32>
    %div3A_312 = arith.divf %broadcast_in_dim3A_309, %div3A_311 : vector<64x1xf32>
    %mul3A_313 = arith.mulf %add3A_300, %add3A_300 : vector<64x256xf32>
    %reduce_sum3A_314 = arith.constant dense<0.000000e+00> : vector<64xf32>
    %reduce_sum3A_315 = vector.multi_reduction <add>, %mul3A_313, %reduce_sum3A_314 [1] : vector<64x256xf32> to vector<64xf32>
    %broadcast_in_dim3A_316 = vector.shape_cast %reduce_sum3A_315 : vector<64xf32> to vector<64x1xf32>
    %div3A_317 = arith.constant 2.560000e+02 : f32
    %div3A_318 = vector.broadcast %div3A_317 : f32 to vector<64x1xf32>
    %div3A_319 = arith.divf %broadcast_in_dim3A_316, %div3A_318 : vector<64x1xf32>
    %mul3A_320 = arith.mulf %div3A_312, %div3A_312 : vector<64x1xf32>
    %sub3A_321 = arith.subf %div3A_319, %mul3A_320 : vector<64x1xf32>
    %sub3A_322 = vector.broadcast %div3A_312 : vector<64x1xf32> to vector<64x256xf32>
    %sub3A_323 = arith.subf %add3A_300, %sub3A_322 : vector<64x256xf32>
    %add3A_324 = arith.constant 9.99999974E-6 : f32
    %add3A_325 = vector.broadcast %add3A_324 : f32 to vector<64x1xf32>
    %add3A_326 = arith.addf %sub3A_321, %add3A_325 : vector<64x1xf32>
    %rsqrt3A_327 = math.rsqrt %add3A_326 : vector<64x1xf32>
    %mul3A_328 = vector.broadcast %rsqrt3A_327 : vector<64x1xf32> to vector<64x256xf32>
    %mul3A_329 = arith.mulf %sub3A_323, %mul3A_328 : vector<64x256xf32>
    %mul3A_330 = vector.broadcast %get3A_303 : vector<1x256xf32> to vector<64x256xf32>
    %mul3A_331 = arith.mulf %mul3A_329, %mul3A_330 : vector<64x256xf32>
    %add3A_332 = vector.broadcast %get3A_306 : vector<1x256xf32> to vector<64x256xf32>
    %add3A_333 = arith.addf %mul3A_331, %add3A_332 : vector<64x256xf32>
    %get3A_334 = arith.constant 0 : index
    %get3A_335 = arith.constant 0 : index
    %get3A_336 = vector.load %arg18[%get3A_334, %get3A_335] : memref<256x2048xf32, #tpu.memory_space<vmem>>, vector<256x2048xf32>
    %get3A_337 = arith.constant 0 : index
    %get3A_338 = arith.constant 0 : index
    %get3A_339 = vector.load %arg19[%get3A_337, %get3A_338] : memref<1x2048xf32, #tpu.memory_space<vmem>>, vector<1x2048xf32>
    %get3A_340 = arith.constant 0 : index
    %get3A_341 = arith.constant 0 : index
    %get3A_342 = vector.load %arg20[%get3A_340, %get3A_341] : memref<1024x256xf32, #tpu.memory_space<vmem>>, vector<1024x256xf32>
    %get3A_343 = arith.constant 0 : index
    %get3A_344 = arith.constant 0 : index
    %get3A_345 = vector.load %arg21[%get3A_343, %get3A_344] : memref<1x256xf32, #tpu.memory_space<vmem>>, vector<1x256xf32>
    %dot_general3A_346 = arith.constant dense<0.000000e+00> : vector<64x2048xf32>
    %dot_general3A_347 = tpu.matmul %add3A_333, %get3A_336, %dot_general3A_346 {dimension_numbers = #tpu.dot_dimension_numbers<[1], [0], [0], [1], [0, 0, 1, 1], [], []>, transpose_lhs_hint = false} : vector<64x256xf32>, vector<256x2048xf32>, vector<64x2048xf32> -> vector<64x2048xf32>
    %add3A_348 = vector.broadcast %get3A_339 : vector<1x2048xf32> to vector<64x2048xf32>
    %add3A_349 = arith.addf %dot_general3A_347, %add3A_348 : vector<64x2048xf32>
    %slice3A_350 = vector.extract_strided_slice %add3A_349 {offsets = [0, 0], sizes = [64, 1024], strides = [1, 1]} : vector<64x2048xf32> to vector<64x1024xf32>
    %slice3A_351 = vector.extract_strided_slice %add3A_349 {offsets = [0, 1024], sizes = [64, 1024], strides = [1, 1]} : vector<64x2048xf32> to vector<64x1024xf32>
    %mul3A_352 = arith.constant 5.000000e-01 : f32
    %mul3A_353 = vector.broadcast %mul3A_352 : f32 to vector<64x1024xf32>
    %mul3A_354 = arith.mulf %slice3A_351, %mul3A_353 : vector<64x1024xf32>
    %mul3A_355 = arith.constant 0.707106769 : f32
    %mul3A_356 = vector.broadcast %mul3A_355 : f32 to vector<64x1024xf32>
    %mul3A_357 = arith.mulf %slice3A_351, %mul3A_356 : vector<64x1024xf32>
    %erf3A = math.erf %mul3A_357 : vector<64x1024xf32>
    %add3A_358 = arith.constant 1.000000e+00 : f32
    %add3A_359 = vector.broadcast %add3A_358 : f32 to vector<64x1024xf32>
    %add3A_360 = arith.addf %add3A_359, %erf3A : vector<64x1024xf32>
    %mul3A_361 = arith.mulf %mul3A_354, %add3A_360 : vector<64x1024xf32>
    %mul3A_362 = arith.mulf %slice3A_350, %mul3A_361 : vector<64x1024xf32>
    %dot_general3A_363 = arith.constant dense<0.000000e+00> : vector<64x256xf32>
    %dot_general3A_364 = tpu.matmul %mul3A_362, %get3A_342, %dot_general3A_363 {dimension_numbers = #tpu.dot_dimension_numbers<[1], [0], [0], [1], [0, 0, 1, 1], [], []>, transpose_lhs_hint = false} : vector<64x1024xf32>, vector<1024x256xf32>, vector<64x256xf32> -> vector<64x256xf32>
    %add3A_365 = vector.broadcast %get3A_345 : vector<1x256xf32> to vector<64x256xf32>
    %add3A_366 = arith.addf %dot_general3A_364, %add3A_365 : vector<64x256xf32>
    %add3A_367 = arith.addf %add3A_300, %add3A_366 : vector<64x256xf32>
    %reduce_sum3A_368 = arith.constant dense<0.000000e+00> : vector<256xf32>
    %reduce_sum3A_369 = vector.multi_reduction <add>, %add3A_367, %reduce_sum3A_368 [0] : vector<64x256xf32> to vector<256xf32>
    %broadcast_in_dim3A_370 = vector.shape_cast %reduce_sum3A_369 : vector<256xf32> to vector<1x256xf32>
    %div3A_371 = arith.constant 6.400000e+01 : f32
    %div3A_372 = vector.broadcast %div3A_371 : f32 to vector<1x256xf32>
    %div3A_373 = arith.divf %broadcast_in_dim3A_370, %div3A_372 : vector<1x256xf32>
    %get3A_374 = arith.constant 0 : index
    %get3A_375 = arith.constant 0 : index
    %get3A_376 = vector.load %arg22[%get3A_374, %get3A_375] : memref<1x256xf32, #tpu.memory_space<vmem>>, vector<1x256xf32>
    %get3A_377 = arith.constant 0 : index
    %get3A_378 = arith.constant 0 : index
    %get3A_379 = vector.load %arg23[%get3A_377, %get3A_378] : memref<1x256xf32, #tpu.memory_space<vmem>>, vector<1x256xf32>
    %reduce_sum3A_380 = arith.constant dense<0.000000e+00> : vector<1xf32>
    %reduce_sum3A_381 = vector.multi_reduction <add>, %div3A_373, %reduce_sum3A_380 [1] : vector<1x256xf32> to vector<1xf32>
    %broadcast_in_dim3A_382 = vector.shape_cast %reduce_sum3A_381 : vector<1xf32> to vector<1x1xf32>
    %div3A_383 = arith.constant 2.560000e+02 : f32
    %div3A_384 = vector.broadcast %div3A_383 : f32 to vector<1x1xf32>
    %div3A_385 = arith.divf %broadcast_in_dim3A_382, %div3A_384 : vector<1x1xf32>
    %mul3A_386 = arith.mulf %div3A_373, %div3A_373 : vector<1x256xf32>
    %reduce_sum3A_387 = arith.constant dense<0.000000e+00> : vector<1xf32>
    %reduce_sum3A_388 = vector.multi_reduction <add>, %mul3A_386, %reduce_sum3A_387 [1] : vector<1x256xf32> to vector<1xf32>
    %broadcast_in_dim3A_389 = vector.shape_cast %reduce_sum3A_388 : vector<1xf32> to vector<1x1xf32>
    %div3A_390 = arith.constant 2.560000e+02 : f32
    %div3A_391 = vector.broadcast %div3A_390 : f32 to vector<1x1xf32>
    %div3A_392 = arith.divf %broadcast_in_dim3A_389, %div3A_391 : vector<1x1xf32>
    %mul3A_393 = arith.mulf %div3A_385, %div3A_385 : vector<1x1xf32>
    %sub3A_394 = arith.subf %div3A_392, %mul3A_393 : vector<1x1xf32>
    %sub3A_395 = vector.broadcast %div3A_385 : vector<1x1xf32> to vector<1x256xf32>
    %sub3A_396 = arith.subf %div3A_373, %sub3A_395 : vector<1x256xf32>
    %add3A_397 = arith.constant 9.99999974E-6 : f32
    %add3A_398 = vector.broadcast %add3A_397 : f32 to vector<1x1xf32>
    %add3A_399 = arith.addf %sub3A_394, %add3A_398 : vector<1x1xf32>
    %rsqrt3A_400 = math.rsqrt %add3A_399 : vector<1x1xf32>
    %mul3A_401 = vector.broadcast %rsqrt3A_400 : vector<1x1xf32> to vector<1x256xf32>
    %mul3A_402 = arith.mulf %sub3A_396, %mul3A_401 : vector<1x256xf32>
    %mul3A_403 = arith.mulf %mul3A_402, %get3A_376 : vector<1x256xf32>
    %add3A_404 = arith.addf %mul3A_403, %get3A_379 : vector<1x256xf32>
    %get3A_405 = arith.constant 0 : index
    %get3A_406 = arith.constant 0 : index
    %get3A_407 = vector.load %arg24[%get3A_405, %get3A_406] : memref<256x1000xf32, #tpu.memory_space<vmem>>, vector<256x1000xf32>
    %dot_general3A_408 = arith.constant dense<0.000000e+00> : vector<1x1000xf32>
    %dot_general3A_409 = tpu.matmul %add3A_404, %get3A_407, %dot_general3A_408 {dimension_numbers = #tpu.dot_dimension_numbers<[1], [0], [0], [1], [0, 0, 1, 1], [], []>, transpose_lhs_hint = false} : vector<1x256xf32>, vector<256x1000xf32>, vector<1x1000xf32> -> vector<1x1000xf32>
    %get3A_410 = arith.constant 0 : index
    %get3A_411 = arith.constant 0 : index
    %get3A_412 = vector.load %arg25[%get3A_410, %get3A_411] : memref<1x1000xf32, #tpu.memory_space<vmem>>, vector<1x1000xf32>
    %add3A_413 = arith.addf %dot_general3A_409, %get3A_412 : vector<1x1000xf32>
    %swap3A = arith.constant 0 : index
    %swap3A_414 = arith.constant 0 : index
    %swap3A_415 = arith.constant 0 : index
    %swap3A_416 = vector.load %arg26[%swap3A, %swap3A_414, %swap3A_415] : memref<1x1x1000xf32, #tpu.memory_space<vmem>>, vector<1x1x1000xf32>
    %swap3A_417 = vector.shape_cast %swap3A_416 : vector<1x1x1000xf32> to vector<1x1000xf32>
    %swap3A_418 = vector.shape_cast %add3A_413 : vector<1x1000xf32> to vector<1x1x1000xf32>
    tpu.vector_store %arg26[%swap3A, %swap3A_414, %swap3A_415], %swap3A_418 {strides = array<i32>} : memref<1x1x1000xf32, #tpu.memory_space<vmem>>, vector<1x1x1000xf32>,
    return
  }
  func.func @transform_0(%arg0: i32) -> (i32, i32, i32) {
    %c0_i32 = arith.constant 0 : i32
    %c0_i32_0 = arith.constant 0 : i32
    %c0_i32_1 = arith.constant 0 : i32
    return %arg0, %c0_i32, %c0_i32_0 : i32, i32, i32
  }
  func.func @transform_1(%arg0: i32) -> (i32, i32, i32) {
    %c0_i32 = arith.constant 0 : i32
    %c0_i32_0 = arith.constant 0 : i32
    %c0_i32_1 = arith.constant 0 : i32
    return %arg0, %c0_i32, %c0_i32_0 : i32, i32, i32
  }
  func.func @transform_2(%arg0: i32) -> (i32, i32, i32) {
    %c0_i32 = arith.constant 0 : i32
    %c0_i32_0 = arith.constant 0 : i32
    %c0_i32_1 = arith.constant 0 : i32
    return %arg0, %c0_i32, %c0_i32_0 : i32, i32, i32
  }
  func.func @transform_3(%arg0: i32) -> (i32, i32) {
    %c0_i32 = arith.constant 0 : i32
    %c0_i32_0 = arith.constant 0 : i32
    %c0_i32_1 = arith.constant 0 : i32
    return %c0_i32, %c0_i32_0 : i32, i32
  }
  func.func @transform_4(%arg0: i32) -> (i32, i32) {
    %c0_i32 = arith.constant 0 : i32
    %c0_i32_0 = arith.constant 0 : i32
    %c0_i32_1 = arith.constant 0 : i32
    return %c0_i32, %c0_i32_0 : i32, i32
  }
  func.func @transform_5(%arg0: i32) -> (i32, i32) {
    %c0_i32 = arith.constant 0 : i32
    %c0_i32_0 = arith.constant 0 : i32
    %c0_i32_1 = arith.constant 0 : i32
    return %c0_i32, %c0_i32_0 : i32, i32
  }
  func.func @transform_6(%arg0: i32) -> (i32, i32) {
    %c0_i32 = arith.constant 0 : i32
    %c0_i32_0 = arith.constant 0 : i32
    %c0_i32_1 = arith.constant 0 : i32
    return %c0_i32, %c0_i32_0 : i32, i32
  }
  func.func @transform_7(%arg0: i32) -> (i32, i32) {
    %c0_i32 = arith.constant 0 : i32
    %c0_i32_0 = arith.constant 0 : i32
    %c0_i32_1 = arith.constant 0 : i32
    return %c0_i32, %c0_i32_0 : i32, i32
  }
  func.func @transform_8(%arg0: i32) -> (i32, i32) {
    %c0_i32 = arith.constant 0 : i32
    %c0_i32_0 = arith.constant 0 : i32
    %c0_i32_1 = arith.constant 0 : i32
    return %c0_i32, %c0_i32_0 : i32, i32
  }
  func.func @transform_9(%arg0: i32) -> (i32, i32) {
    %c0_i32 = arith.constant 0 : i32
    %c0_i32_0 = arith.constant 0 : i32
    %c0_i32_1 = arith.constant 0 : i32
    return %c0_i32, %c0_i32_0 : i32, i32
  }
  func.func @transform_10(%arg0: i32) -> (i32, i32) {
    %c0_i32 = arith.constant 0 : i32
    %c0_i32_0 = arith.constant 0 : i32
    %c0_i32_1 = arith.constant 0 : i32
    return %c0_i32, %c0_i32_0 : i32, i32
  }
  func.func @transform_11(%arg0: i32) -> (i32, i32) {
    %c0_i32 = arith.constant 0 : i32
    %c0_i32_0 = arith.constant 0 : i32
    %c0_i32_1 = arith.constant 0 : i32
    return %c0_i32, %c0_i32_0 : i32, i32
  }
  func.func @transform_12(%arg0: i32) -> (i32, i32) {
    %c0_i32 = arith.constant 0 : i32
    %c0_i32_0 = arith.constant 0 : i32
    %c0_i32_1 = arith.constant 0 : i32
    return %c0_i32, %c0_i32_0 : i32, i32
  }
  func.func @transform_13(%arg0: i32) -> (i32, i32) {
    %c0_i32 = arith.constant 0 : i32
    %c0_i32_0 = arith.constant 0 : i32
    %c0_i32_1 = arith.constant 0 : i32
    return %c0_i32, %c0_i32_0 : i32, i32
  }
  func.func @transform_14(%arg0: i32) -> (i32, i32) {
    %c0_i32 = arith.constant 0 : i32
    %c0_i32_0 = arith.constant 0 : i32
    %c0_i32_1 = arith.constant 0 : i32
    return %c0_i32, %c0_i32_0 : i32, i32
  }
  func.func @transform_15(%arg0: i32) -> (i32, i32) {
    %c0_i32 = arith.constant 0 : i32
    %c0_i32_0 = arith.constant 0 : i32
    %c0_i32_1 = arith.constant 0 : i32
    return %c0_i32, %c0_i32_0 : i32, i32
  }
  func.func @transform_16(%arg0: i32) -> (i32, i32) {
    %c0_i32 = arith.constant 0 : i32
    %c0_i32_0 = arith.constant 0 : i32
    %c0_i32_1 = arith.constant 0 : i32
    return %c0_i32, %c0_i32_0 : i32, i32
  }
  func.func @transform_17(%arg0: i32) -> (i32, i32) {
    %c0_i32 = arith.constant 0 : i32
    %c0_i32_0 = arith.constant 0 : i32
    %c0_i32_1 = arith.constant 0 : i32
    return %c0_i32, %c0_i32_0 : i32, i32
  }
  func.func @transform_18(%arg0: i32) -> (i32, i32) {
    %c0_i32 = arith.constant 0 : i32
    %c0_i32_0 = arith.constant 0 : i32
    %c0_i32_1 = arith.constant 0 : i32
    return %c0_i32, %c0_i32_0 : i32, i32
  }
  func.func @transform_19(%arg0: i32) -> (i32, i32) {
    %c0_i32 = arith.constant 0 : i32
    %c0_i32_0 = arith.constant 0 : i32
    %c0_i32_1 = arith.constant 0 : i32
    return %c0_i32, %c0_i32_0 : i32, i32
  }
  func.func @transform_20(%arg0: i32) -> (i32, i32) {
    %c0_i32 = arith.constant 0 : i32
    %c0_i32_0 = arith.constant 0 : i32
    %c0_i32_1 = arith.constant 0 : i32
    return %c0_i32, %c0_i32_0 : i32, i32
  }
  func.func @transform_21(%arg0: i32) -> (i32, i32) {
    %c0_i32 = arith.constant 0 : i32
    %c0_i32_0 = arith.constant 0 : i32
    %c0_i32_1 = arith.constant 0 : i32
    return %c0_i32, %c0_i32_0 : i32, i32
  }
  func.func @transform_22(%arg0: i32) -> (i32, i32) {
    %c0_i32 = arith.constant 0 : i32
    %c0_i32_0 = arith.constant 0 : i32
    %c0_i32_1 = arith.constant 0 : i32
    return %c0_i32, %c0_i32_0 : i32, i32
  }
  func.func @transform_23(%arg0: i32) -> (i32, i32) {
    %c0_i32 = arith.constant 0 : i32
    %c0_i32_0 = arith.constant 0 : i32
    %c0_i32_1 = arith.constant 0 : i32
    return %c0_i32, %c0_i32_0 : i32, i32
  }
  func.func @transform_24(%arg0: i32) -> (i32, i32) {
    %c0_i32 = arith.constant 0 : i32
    %c0_i32_0 = arith.constant 0 : i32
    %c0_i32_1 = arith.constant 0 : i32
    return %c0_i32, %c0_i32_0 : i32, i32
  }
  func.func @transform_25(%arg0: i32) -> (i32, i32, i32) {
    %c0_i32 = arith.constant 0 : i32
    %c0_i32_0 = arith.constant 0 : i32
    %c0_i32_1 = arith.constant 0 : i32
    return %arg0, %c0_i32, %c0_i32_0 : i32, i32, i32
  }
}

</mosaic_0001>

<sc_bundles>
// kernel: kernel.11.cloned.1.call-start
scs
__scs_entry_jumppad:
0x0: {  	(pc) =	sbr.rel $0x88, $3  }
0x1: {  	(tag) =	ssettag $0x0;
	lr =	simm.s32 $0x1  }
0x2: {  	[smem:$0x3F76] =	sst lr;
	_ =	strace $0xD0000000  }
0x3: {  	_ = 	snop  }
0x4: {  	_ = 	snop  }
0x5: {  	_ = 	snop  }
0x6: {  	_ = 	snop  }
0x7: {  	_ = 	snop  }
__scs_overlays_trampoline_lowered:
0x8: {  	[smem:$0x3F85] =	sst s0  }
0x9: {  	[smem:$0x3F86] =	sst s1  }
0xa: {  	[smem:$0x3F87] =	sst s2  }
0xb: {  	[smem:$0x3F88] =	sst s3  }
0xc: {  	[smem:$0x3F89] =	sst s4  }
0xd: {  	[smem:$0x3F8A] =	sst s5  }
0xe: {  	[smem:$0x3F8B] =	sst s6  }
0xf: {  	[smem:$0x3F8C] =	sst s7  }
0x10: {  	[smem:$0x3F8D] =	sst s8  }
0x11: {  	[smem:$0x3F8E] =	sst s9;
	s0 =	simm.s32 @!p0 $0x0  }
0x12: {  	s1 =	sld [smem:$0x3F74];
	s0 =	simm.s32 @p0 $0x1  }
0x13: {  	[smem:$0x3F8F] =	sst s0;
	s0 =	simm.s32 @!p1 $0x0  }
0x14: {  	s2 =	sld [smem:$0x3F73];
	s0 =	simm.s32 @p1 $0x1  }
0x15: {  	[smem:$0x3F90] =	sst s0;
	s0 =	simm.s32 @!p2 $0x0  }
0x16: {  	s3 =	sld [smem:$0x3FDB];
	s0 =	simm.s32 @p2 $0x1  }
0x17: {  	s4 =	simm.s32 $0x1BF5;
	[smem:$0x3F92] =	sst s0  }
0x18: {  	s0 =	sld [smem:$0x3F75];
	_ =	swait.ge [sflag:s4], $0x0  }
0x19: {  	s7 =	sld [smem:$0x3F76]  }
0x1a: {  	s8 =	sadd.s32 $0xFFFFE003, lr  }
0x1b: {  	s9 =	sadd.s32 $0xFFFFFEF7, lr;
	s5 =	simm.s32 $0xFFFFFFFF;
	p2 =	slt.u32 s8, $0xFFFFF086  }
0x1c: {  	p1 =	slt.u32 s9, $0xF7A;
	s5 =	simm.s32 @!p2 $0x0  }
0x1d: {  	s5 =	simm.s32 @p1 $0x1;
	p0 =	seq.s32 s7, s2  }
0x1e: {  	s7 =	smul.u32 @!p0 $0xF7A, s2;
	p2 =	seq.s32 @!p0 s5, $0x0  }
0x1f: {  	s9 =	smul.u32 $0xF7A, s1;
	s8 =	simm.s32 @!p0 $0x1BF5;
	p2 =	por !p2, p0  }
0x20: {  	[sflag:s8] =	ssyncset.s32 @!p0 $0xFFFFF086;
	s6 =	sadd.s32 @!p0 s3, s7;
	s7 =	simm.s32 @!p0 $0x108  }
0x21: {  	s3 =	sadd.s32 s3, s9;
	s6 =	sadd.s32 @!p0 $0x88, s6;
	s7 =	simm.s32 @p2 $0x1082  }
0x22: {  	[simem:s7], [sflag:s8] =	dma.local @!p0 [hbm:s6], $0xF7A  }
0x23: {  	s9 =	sor.u32 $0xD0000000, s2;
	s6 =	simm.s32 $0x108;
	_ =	swait.ge @!p0 [sflag:s8], $0x0  }
0x24: {  	s3 =	sadd.s32 $0x88, s3;
	s6 =	simm.s32 @!p1 $0x1082;
	[sflag:s4] =	ssyncset.s32 $0xFFFFF086  }
0x25: {  	[simem:s6], [sflag:s4] =	dma.local [hbm:s3], $0xF7A  }
0x26: {  	[smem:$0x3F76] =	sst s1;
	(tag) =	ssettag s2;
	_ =	strace s9  }
0x27: {  	s1 =	sld [smem:$0x3F86]  }
0x28: {  	s2 =	sld [smem:$0x3F87]  }
0x29: {  	s4 =	sld [smem:$0x3F89]  }
0x2a: {  	p0 =	seq.s32 s5, $0x0;
	s5 =	sld [smem:$0x3F8A]  }
0x2b: {  	s6 =	sld [smem:$0x3F8B]  }
0x2c: {  	s7 =	sld [smem:$0x3F8C]  }
0x2d: {  	s3 =	simm.s32 $0x108;
	s8 =	sld [smem:$0x3F8D]  }
0x2e: {  	s3 =	simm.s32 @!p0 $0x1082;
	s9 =	sld [smem:$0x3F8E]  }
0x2f: {  	lr =	sadd.s32 s0, s3;
	s0 =	sld [smem:$0x3F85]  }
0x30: {  	s3 =	sld [smem:$0x3F88]  }
0x31: {  	[smem:$0x3F91] =	sst s10  }
0x32: {  	s10 =	sld [smem:$0x3F8F];
	_ =	sdelay $0x3  }
0x33: {  	p0 =	seq.s32 s10, $0x1;
	s10 =	sld [smem:$0x3F91];
	_ =	sdelay $0x3  }
0x34: {  	[smem:$0x3F91] =	sst s10  }
0x35: {  	s10 =	sld [smem:$0x3F90];
	_ =	sdelay $0x3  }
0x36: {  	p1 =	seq.s32 s10, $0x1;
	s10 =	sld [smem:$0x3F91];
	_ =	sdelay $0x3  }
0x37: {  	[smem:$0x3F91] =	sst s10  }
0x38: {  	s10 =	sld [smem:$0x3F92]  }
0x39: {  	_ = 	snop;
	(pc) =	sbr.ind lr, $3  }
0x3a: {  	_ = 	snop  }
0x3b: {  	_ = 	snop  }
0x3c: {  	p2 =	seq.s32 s10, $0x1;
	s10 =	sld [smem:$0x3F91]  }
0x3d: {  	_ =	shalt  }
0x3e: {  	_ =	shalt  }
0x3f: {  	_ =	shalt  }
0x40: {  	_ =	shalt  }
0x41: {  	_ =	shalt  }
0x42: {  	_ =	shalt  }
0x43: {  	_ =	shalt  }
0x44: {  	_ =	shalt  }
0x45: {  	_ =	shalt  }
0x46: {  	_ =	shalt  }
0x47: {  	_ =	shalt  }
0x48: {  	_ =	shalt  }
0x49: {  	_ =	shalt  }
0x4a: {  	_ =	shalt  }
0x4b: {  	_ =	shalt  }
0x4c: {  	_ =	shalt  }
0x4d: {  	_ =	shalt  }
0x4e: {  	_ =	shalt  }
0x4f: {  	_ =	shalt  }
0x50: {  	_ =	shalt  }
0x51: {  	_ =	shalt  }
0x52: {  	_ =	shalt  }
0x53: {  	_ =	shalt  }
0x54: {  	_ =	shalt  }
0x55: {  	_ =	shalt  }
0x56: {  	_ =	shalt  }
0x57: {  	_ =	shalt  }
0x58: {  	_ =	shalt  }
0x59: {  	_ =	shalt  }
0x5a: {  	_ =	shalt  }
0x5b: {  	_ =	shalt  }
0x5c: {  	_ =	shalt  }
0x5d: {  	_ =	shalt  }
0x5e: {  	_ =	shalt  }
0x5f: {  	_ =	shalt  }
0x60: {  	_ =	shalt  }
0x61: {  	_ =	shalt  }
0x62: {  	_ =	shalt  }
0x63: {  	_ =	shalt  }
0x64: {  	_ =	shalt  }
0x65: {  	_ =	shalt  }
0x66: {  	_ =	shalt  }
0x67: {  	_ =	shalt  }
0x68: {  	_ =	shalt  }
0x69: {  	_ =	shalt  }
0x6a: {  	_ =	shalt  }
0x6b: {  	_ =	shalt  }
0x6c: {  	_ =	shalt  }
0x6d: {  	_ =	shalt  }
0x6e: {  	_ =	shalt  }
0x6f: {  	_ =	shalt  }
0x70: {  	_ =	shalt  }
0x71: {  	_ =	shalt  }
0x72: {  	_ =	shalt  }
0x73: {  	_ =	shalt  }
0x74: {  	_ =	shalt  }
0x75: {  	_ =	shalt  }
0x76: {  	_ =	shalt  }
0x77: {  	_ =	shalt  }
0x78: {  	_ =	shalt  }
0x79: {  	_ =	shalt  }
0x7a: {  	_ =	shalt  }
0x7b: {  	_ =	shalt  }
0x7c: {  	_ =	shalt  }
0x7d: {  	_ =	shalt  }
0x7e: {  	_ =	shalt  }
0x7f: {  	_ =	shalt  }
0x80: {  	_ =	shalt  }
0x81: {  	_ =	shalt  }
0x82: {  	_ =	shalt  }
0x83: {  	_ =	shalt  }
0x84: {  	_ =	shalt  }
0x85: {  	_ =	shalt  }
0x86: {  	_ =	shalt  }
0x87: {  	_ =	shalt  }
.Lfunc_end0:
.L_simem_size_0:
called_computation.1_lowered:
.L_overlay_start_0:
0x88: {  	s2 =	sld [smem:$0x3FD9]  }
0x89: {  	s3 =	sld [smem:$0x3FFE];
	_ =	sdelay $0x1  }
0x8a: {  	s1 =	srdreg.scid  }
0x8b: {  	s0 =	sand.u32 $0x1, s1  }
0x8c: {  	s17 =	sshll.u32 s0, $0xA;
	s2 =	sadd.s32 s3, s2  }
0x8d: {  	s2 =	sadd.s32 s2, s17  }
0x8e: {  	[smem:$0x3F9D] =	sst s2  }
0x8f: {  	_ = 	snop  }
0x90: {  	s2 =	sld [smem:$0x3FC8];
	(tm) =	ssettm $0x1  }
0x91: {  	s18 =	sld [smem:$0x3FFB];
	_ =	sdelay $0x3  }
0x92: {  	_ =	strace s18  }
0x93: {  	s3 =	sld [smem:$0x3FFC];
	_ =	sdelay $0x3  }
0x94: {  	_ =	strace s3  }
0x95: {  	s3 =	sld [smem:$0x3FFD];
	_ =	sdelay $0x3  }
0x96: {  	_ =	strace s3  }
0x97: {  	_ =	strace $0x8FFFFFFF  }
0x98: {  	s19 =	sld [smem:$0x3FDB];
	_ =	sdelay $0x1  }
0x99: {  	s4 =	simm.s32 $_scs_section_size  }
0x9a: {  	s5 =	simm.s32 $_size__tile_overlayer_lowered;
	s6 =	simm.s32 $_tile_overlayer_lowered  }
0x9b: {  	s22 =	simm.s32 $0x1BFF;
	s21 =	sshll.u32 s6, $0x1;
	s3 =	sadd.s32 s4, s19  }
0x9c: {  	s7 =	simm.s32 $0x0;
	s20 =	sshll.u32 s5, $0x1;
	s5 =	sadd.s32 s21, s3  }
0x9d: {  	[timem:s7], [sflag:s22] =	dma.local [hbm:s5], s20  }
0x9e: {  	_ =	swait.ge [sflag:s22], s20  }
0x9f: {  	s4 =	ssub.s32 $0x0, s20;
	[sflag:s22] =	ssyncset.done $0x0  }
0xa0: {  	[sflag:s22] =	ssyncadd.s32 s4;
	_ =	sdelay $0x1  }
0xa1: {  	s23 =	simm.s32 $0x1B8B  }
0xa2: {  	_ =	swait.ge [sflag:s23], $0x1  }
0xa3: {  	[sflag:s23] =	ssyncset.done $0x0  }
0xa4: {  	s25 =	simm.s32 $0x1B8E;
	s24 =	sld [smem:$0x3FFE];
	[sflag:s23] =	ssyncadd.s32 $0xFFFFFFFF  }
0xa5: {  	s26 =	simm.s32 $execute0_lowered;
	[smem:$0x3FD2] =	sst s25  }
0xa6: {  	s5 =	sshll.u32 s26, $0x1;
	_ =	strace $0x80000049;
	[dreg:$0x1] =	wrdreg $0xFFFFFFFF  }
0xa7: {  	s28 =	simm.s32 $_size_execute0_lowered;
	s3 =	sadd.s32 s3, s5;
	[dreg:$0x0] =	wrdreg $0x0  }
0xa8: {  	s5 =	sshll.u32 s28, $0x1;
	[dreg:$0x2] =	wrdreg s3  }
0xa9: {  	[dreg:$0x3] =	wrdreg s5  }
0xaa: {  	[dreg:$0x4] =	wrdreg $0xC0  }
0xab: {  	_ =	task [dreg:s7], $0x5FFFF  }
0xac: {  	[dreg:$0x1] =	wrdreg $0xFFFFFFFF  }
0xad: {  	[dreg:$0x0] =	wrdreg $0x60  }
0xae: {  	[dreg:$0x2] =	wrdreg s24  }
0xaf: {  	[dreg:$0x3] =	wrdreg s2  }
0xb0: {  	[dreg:$0x4] =	wrdreg $0x9  }
0xb1: {  	_ =	task.clear_ibuf [dreg:s7], $0x5FFFF;
	_ =	strace $0x90000049  }
0xb2: {  	s29 =	simm.s32 $0x9;
	_ =	strace $0x8000004B  }
0xb3: {  	_ =	swait.ge [sflag:s29], $0x1  }
0xb4: {  	[sflag:s29] =	ssyncadd.s32 $0xFFFFFFFF  }
0xb5: {  	_ =	strace $0x9000004B  }
0xb6: {  	_ =	sfence  }
0xb7: {  	s30 =	sld [smem:$0x0];
	_ =	sdelay $0x2  }
0xb8: {  	s31 =	sshll.u32 s1, $0xD;
	s1 =	sshrl.u32 s1, $0x2  }
0xb9: {  	s3 =	sand.u32 $0x4000, s31;
	s1 =	sadd.s32 s1, s30  }
0xba: {  	s0 =	sor.u32 s3, s0;
	s1 =	sshll.u32 s1, $0x11  }
0xbb: {  	s0 =	sor.u32 s1, s0  }
0xbc: {  	s0 =	sadd.s32 $0x8F2B, s0  }
0xbd: {  	[sflag:s0] =	ssyncadd.remote.s32 $0x1  }
0xbe: {  	_ =	sfence.sel $0xFFFF  }
0xbf: {  	[dreg:$0x0] =	wrdreg $0xFFFFFFFF;
	(pc) =	sbr.abs _section_cstart, $3  }
0xc0: {  	[dreg:$0x1] =	wrdreg $0xFFFFFFFF  }
0xc1: {  	_ =	task.clear_ibuf [dreg:s7], $0x2FFFF;
	_ =	strace $0x9FFFFFFF  }
0xc2: {  	(tm) =	ssettm $0x7FFFFFFF  }
0xc3: {  	_ =	shalt  }
tec
execute0_lowered:
.L_overlay_start_1:
0x0: {  	(tag) =	ssettag $0x1  }
0x1: {  	s12 =	rddreg [dreg:$0x0]  }
0x2: {  	s1 =	rddreg [dreg:$0x1]  }
0x3: {  	s0 =	rddreg [dreg:$0x2];
	s2 =	simm.s32 $0x0  }
0x4: {  	[smem:$0x7FF] =	sst s2  }
0x5: {  	s5 =	simm.s32 $0x1880;
	s3 =	sadd.s32 $0x16C00, s12;
	_ =	strace $0x8000004A  }
0x6: {  	[tilespmem:s5], [sflag:$0x2] =	stream.linear.gather [hbm4b:s3+s2], $0x1, $0x38;
	[tilespmem:$0x1980] =	vst v63  }
0x7: {  	s7 =	simm.s32 $0x1900;
	s8 =	simm.s32 $0x2;
	s6 =	sadd.s32 $0x16A00, s12  }
0x8: {  	[tilespmem:s7], [sflag:$0x2] =	stream.linear.gather [hbm4b:s6+s2], $0x1, $0x38;
	[tilespmem:$0x1980] =	vst v63  }
0x9: {  	s9 =	srdreg.scid;
	_ =	swait.ge [sflag:s8], $0x1  }
0xa: {  	s4 =	stileid.u32;
	s13 =	sand.u32 $0x1, s9;
	[sflag:s8] =	ssyncset.done $0x0  }
0xb: {  	p0 =	seq.s32 s4, $0x0;
	s9 =	simm.s32 $0x0;
	[sflag:s8] =	ssyncadd.s32 $0xFFFFFFFF  }
0xc: {  	s9 =	simm.s32 @!p0 $0x200;
	s10 =	sshll.u32 s13, $0x8;
	_ =	swait.ge [sflag:s8], $0x1  }
0xd: {  	s9 =	sor.u32 s10, s9;
	[sflag:s8] =	ssyncset.done $0x0  }
0xe: {  	s10 =	sadd.s32 s9, s12;
	[sflag:s8] =	ssyncadd.s32 $0xFFFFFFFF  }
0xf: {  	s9 =	sadd.s32 $0x16E00, s10;
	v5 =	vld.msk [tilespmem:$0x1880 ss:$0x0], $0xffff  }
0x10: {  	v4 =	vld.msk [tilespmem:$0x1900 ss:$0x0], $0xffff;
	[tilespmem:s2], [sflag:$0x2] =	stream.linear.gather [hbm4b:s9+s2], $0x800, $0x38  }
0x11: {  	_ =	swait.ge [sflag:s8], $0x800  }
0x12: {  	[sflag:s8] =	ssyncset.done $0x0  }
0x13: {  	s11 =	simm.s32 $0x800;
	s10 =	sadd.s32 $0x17200, s10;
	[sflag:s8] =	ssyncadd.s32 $0xFFFFF800  }
0x14: {  	[tilespmem:s11], [sflag:$0x2] =	stream.linear.gather [hbm4b:s10+s2], $0x800, $0x38;
	[tilespmem:$0x1980] =	vst v63  }
0x15: {  	_ =	swait.ge [sflag:s8], $0x800  }
0x16: {  	[sflag:s8] =	ssyncset.done $0x0  }
0x17: {  	[sflag:s8] =	ssyncadd.s32 $0xFFFFF800  }
0x18: {  	v0 =	vld [tilespmem:$0x0];
	_ =	sdelay $0x1  }
0x19: {  	v11 =	vimm.s32 $0x67452301;
	v1 =	vld [tilespmem:$0x80]  }
0x1a: {  	v17 =	vimm.s32 $0xDCFE98BA;
	v20 =	vimm.s32 $0x54761032;
	v21 =	vimm.s32 $0x0  }
0x1b: {  	v62 =	vimm.s32 $0xBA98FEDC;
	v24 =	vimm.s32 $0x32107654;
	v27 =	vimm.s32 $0x0;
	v3 =	vld [tilespmem:$0x100]  }
0x1c: {  	v53 =	vimm.s32 $0x76543210;
	v54 =	vimm.s32 $0x0;
	vm0 =	vlt.f32 v0, v5  }
0x1d: {  	v34 =	vimm.s32 $0x0;
	v55 =	vimm.s32 $0xFEDCBA98;
	v6 =	vld [tilespmem:$0x180];
	v2 =	vsel vm0, v0, v5  }
0x1e: {  	v36 =	vimm.s32 $0x0;
	v38 =	vimm.s32 $0x0;
	vm8 =	vlt.f32 v1, v2  }
0x1f: {  	v43 =	vimm.s32 $0x0;
	v57 =	vimm.s32 $0x0;
	v8 =	vld [tilespmem:$0x200];
	v7 =	vsel vm8, v1, v2  }
0x20: {  	v17 =	vunpack.c.l.s4.s8 v17;
	v20 =	vunpack.c.l.s4.s8 v20;
	v10 =	vld [tilespmem:$0x280];
	vm15 =	vlt.f32 v3, v7  }
0x21: {  	v11 =	vunpack.c.l.s4.s8 v11;
	v24 =	vunpack.c.l.s4.s8 v24;
	v13 =	vld [tilespmem:$0x300];
	v9 =	vsel vm15, v3, v7  }
0x22: {  	v17 =	vunpack.c.0.s8.s32 v17;
	v20 =	vunpack.c.0.s8.s32 v20;
	v51 =	vld [tilespmem:$0x800];
	vm5 =	vlt.f32 v6, v9  }
0x23: {  	v49 =	vimm.s32 $0x0;
	v11 =	vunpack.c.0.s8.s32 v11;
	v31 =	vld [tilespmem:$0x880];
	v12 =	vsel vm5, v6, v9  }
0x24: {  	v24 =	vunpack.c.0.s8.s32 v24;
	v17 =	vcombine.low v20, v17;
	vm4 =	vlt.f32 v8, v12  }
0x25: {  	v15 =	vld [tilespmem:$0x380];
	vm6 =	vlt.f32 v1, v5;
	v0 =	vimm.s32 $0xEFCDAB89;
	v14 =	vsel vm4, v8, v12  }
0x26: {  	v27 =	vsel vm6, $0xFFFFFFFF, v27;
	v0 =	vunpack.c.l.s4.s8 v0;
	vm2 =	vlt.f32 v10, v14  }
0x27: {  	v16 =	vld [tilespmem:$0x400];
	v20 =	vnsel vm0, $0x0, v51;
	v1 =	vsel vm6, v1, v5;
	v61 =	vsel vm2, v10, v14  }
0x28: {  	v37 =	vsel vm8, v31, v20;
	v0 =	vunpack.c.0.s8.s32 v0;
	vm3 =	vlt.f32 v13, v61  }
0x29: {  	v19 =	vld [tilespmem:$0x480];
	v52 =	vsel vm8, v2, v1;
	v1 =	vand.u32 $0xF, v17;
	v18 =	vsel vm3, v13, v61  }
0x2a: {  	v2 =	vimm.s32 $0x0;
	vm13 =	vlt.f32 v3, v52;
	vm1 =	vlt.f32 v15, v18  }
0x2b: {  	v23 =	vld [tilespmem:$0x500];
	v0 =	vcombine.low v11, v0;
	v2 =	vsel vm13, $0xFFFFFFFF, v2;
	v22 =	vsel vm1, v15, v18  }
0x2c: {  	v3 =	vsel vm13, v3, v52;
	v21 =	vsel vm1, $0xFFFFFFFF, v21;
	vm1 =	vlt.f32 v16, v22  }
0x2d: {  	v26 =	vld [tilespmem:$0x580];
	v3 =	vsel vm15, v7, v3;
	[tilespmem:$0x1FFD0] =	vst v21;
	v21 =	vunpack.c.l.s4.s8 v62;
	v25 =	vsel vm1, v16, v22  }
0x2e: {  	v7 =	vunpack.c.l.s4.s8 v53;
	v34 =	vsel vm5, $0xFFFFFFFF, v34;
	vm7 =	vlt.f32 v19, v25  }
0x2f: {  	v28 =	vld [tilespmem:$0x600];
	v0 =	vand.u32 $0xF, v0;
	v21 =	vunpack.c.0.s8.s32 v21;
	v63 =	vsel vm7, v19, v25  }
0x30: {  	v33 =	vld [tilespmem:$0x900];
	vm14 =	vlt.f32 v6, v3;
	[tilespmem:$0x1FF80] =	vst v34;
	v34 =	vunpack.c.l.s4.s8 v55;
	vm9 =	vlt.f32 v23, v63  }
0x31: {  	v30 =	vld [tilespmem:$0x680];
	v3 =	vsel vm14, v6, v3;
	v21 =	vcombine.low v24, v21;
	v29 =	vsel vm9, v23, v63  }
0x32: {  	v32 =	vld [tilespmem:$0x780];
	v6 =	vunpack.c.0.s8.s32 v7;
	v38 =	vsel vm4, $0xFFFFFFFF, v38;
	vm10 =	vlt.f32 v26, v29  }
0x33: {  	[tilespmem:$0x1FF60] =	vst v2;
	v3 =	vsel vm5, v9, v3;
	v2 =	vand.u32 $0xF, v21;
	v21 =	vld [tilespmem:$0x700];
	v17 =	vsel vm10, v26, v29  }
0x34: {  	v7 =	vld [tilespmem:$0x980];
	[tilespmem:$0x1FFA0] =	vst v38;
	vm6 =	vlt.f32 v8, v3;
	v24 =	vsel vm14, $0xFFFFFFFF, v54;
	vm11 =	vlt.f32 v28, v17  }
0x35: {  	v35 =	vld [tilespmem:$0xA00];
	v38 =	vsel vm15, v33, v37;
	v3 =	vsel vm6, v8, v3;
	[tilespmem:$0x1FF70] =	vst v24;
	v24 =	vsel vm11, v28, v17  }
0x36: {  	v34 =	vunpack.c.0.s8.s32 v34;
	v8 =	vld [tilespmem:$0xA80];
	v3 =	vsel vm4, v12, v3;
	vm12 =	vlt.f32 v30, v24  }
0x37: {  	v36 =	vsel vm6, $0xFFFFFFFF, v36;
	vm6 =	vlt.f32 v10, v3;
	v9 =	vsel vm12, v30, v24  }
0x38: {  	v43 =	vsel vm2, $0xFFFFFFFF, v43;
	v12 =	vld [tilespmem:$0xB00];
	v3 =	vsel vm6, v10, v3;
	vm13 =	vlt.f32 v21, v9  }
0x39: {  	[tilespmem:$0x1FF90] =	vst v36;
	v10 =	vsel vm5, v7, v38;
	v3 =	vsel vm2, v14, v3;
	v36 =	vsel vm13, v21, v9  }
0x3a: {  	v56 =	vsel vm4, v35, v10;
	vm5 =	vlt.f32 v13, v3;
	v58 =	vld [tilespmem:$0x1FFD0];
	vm14 =	vlt.f32 v32, v36  }
0x3b: {  	v39 =	vld [tilespmem:$0xB80];
	v44 =	vsel vm2, v8, v56;
	v3 =	vsel vm5, v13, v3;
	v40 =	vsel vm14, v32, v36  }
0x3c: {  	v41 =	vld [tilespmem:$0xC00];
	[tilespmem:$0x1FFB0] =	vst v43;
	v13 =	vsel vm3, $0xFFFFFFFF, v57;
	v3 =	vsel vm3, v61, v3;
	v42 =	vperm.xlane v40, v0  }
0x3d: {  	v43 =	vld [tilespmem:$0xC80];
	v34 =	vand.u32 $0xF, v34;
	[tilespmem:$0x1FFC0] =	vst v13;
	v13 =	vsel vm3, v12, v44;
	vm4 =	vlt.f32 v15, v3  }
0x3e: {  	v45 =	vld [tilespmem:$0xD00];
	v15 =	vsel vm4, v15, v3;
	v3 =	vimm.s32 $0x0;
	v42 =	vmin.f32 v40, v42  }
0x3f: {  	v46 =	vld [tilespmem:$0xD80];
	vm0 =	vnez.u8 v58;
	v3 =	vsel vm7, $0xFFFFFFFF, v3;
	v47 =	vperm.xlane v42, v1  }
0x40: {  	v48 =	vld [tilespmem:$0xE00];
	v49 =	vsel vm1, $0xFFFFFFFF, v49;
	v11 =	vsel vm0, v39, v13;
	[tilespmem:$0x1FFF0] =	vst v3;
	v3 =	vcombine.low v34, v6  }
0x41: {  	v50 =	vld [tilespmem:$0xE80];
	[tilespmem:$0x1FFE0] =	vst v49;
	v6 =	vsel vm0, v18, v15;
	v49 =	vsel vm1, v41, v11;
	v42 =	vmin.f32 v42, v47  }
0x42: {  	v51 =	vld [tilespmem:$0xF00];
	vm3 =	vlt.f32 v16, v6;
	v47 =	vsel vm7, v43, v49;
	v52 =	vperm.xlane v42, v2  }
0x43: {  	[tilespmem:$0x1FF50] =	vst v27;
	v18 =	vld [tilespmem:$0xF80];
	v6 =	vsel vm3, v16, v6;
	v15 =	vsel vm9, v45, v47  }
0x44: {  	v60 =	vld [tilespmem:$0x1FF50];
	v6 =	vsel vm1, v22, v6;
	v34 =	vsel vm10, v46, v15;
	v42 =	vmin.f32 v42, v52  }
0x45: {  	vm2 =	vlt.f32 v19, v6;
	v16 =	vsel vm11, v48, v34;
	v52 =	vperm.xlane v42, v3  }
0x46: {  	v6 =	vsel vm2, v19, v6;
	v22 =	vsel vm12, v50, v16  }
0x47: {  	v6 =	vsel vm7, v25, v6;
	v42 =	vmin.f32 v42, v52;
	v52 =	vsel vm13, v51, v22  }
0x48: {  	v62 =	vld [tilespmem:$0x1FF60];
	vm1 =	vlt.f32 v23, v6;
	v19 =	vsel vm14, v18, v52;
	vm0 =	veq.f32 v40, v42  }
0x49: {  	v6 =	vsel vm1, v23, v6;
	vm7 =	vnez.u8 v60;
	v42 =	vsel vm0, v19, v4  }
0x4a: {  	v6 =	vsel vm9, v63, v6;
	v23 =	vnsel vm7, $0x0, v31;
	v59 =	vperm.xlane v42, v0  }
0x4b: {  	v20 =	vsel vm8, v20, v23;
	vm8 =	vlt.f32 v26, v6  }
0x4c: {  	v6 =	vsel vm8, v26, v6;
	vm7 =	vlt.s32 v42, v59  }
0x4d: {  	v6 =	vsel vm10, v29, v6;
	v29 =	vld [tilespmem:$0x1FF70];
	v61 =	vsel vm7, v42, v59;
	vm7 =	vnez.u8 v62  }
0x4e: {  	v31 =	vld [tilespmem:$0x1FF80];
	v20 =	vsel vm7, v33, v20  }
0x4f: {  	v20 =	vsel vm15, v37, v20;
	v37 =	vld [tilespmem:$0x1FF90]  }
0x50: {  	v42 =	vld [tilespmem:$0x1FFA0];
	_ =	sdelay $0x1  }
0x51: {  	v53 =	vld [tilespmem:$0x1FFB0];
	vm15 =	vnez.u8 v29  }
0x52: {  	vm7 =	vnez.u8 v31;
	v7 =	vsel vm15, v7, v20  }
0x53: {  	v63 =	vperm.xlane v61, v1;
	v7 =	vsel vm7, v38, v7;
	vm7 =	vnez.u8 v37  }
0x54: {  	v7 =	vsel vm7, v35, v7;
	vm7 =	vnez.u8 v42  }
0x55: {  	vm15 =	vlt.f32 v28, v6;
	vm0 =	vlt.s32 v61, v63;
	v7 =	vsel vm7, v10, v7  }
0x56: {  	v33 =	vsel vm0, v61, v63;
	v61 =	vld [tilespmem:$0x1FFF0];
	vm7 =	vnez.u8 v53;
	v7 =	vsel vm6, v8, v7  }
0x57: {  	v6 =	vsel vm15, v28, v6;
	v7 =	vsel vm7, v56, v7;
	v56 =	vld [tilespmem:$0x1FFC0]  }
0x58: {  	v6 =	vsel vm11, v17, v6;
	v38 =	vperm.xlane v33, v2  }
0x59: {  	v57 =	vld [tilespmem:$0x1FFD0];
	vm0 =	vlt.f32 v30, v6  }
0x5a: {  	v6 =	vsel vm0, v30, v6;
	vm6 =	vlt.s32 v33, v38  }
0x5b: {  	v58 =	vld [tilespmem:$0x1FFE0];
	v6 =	vsel vm12, v24, v6;
	v54 =	vsel vm6, v33, v38  }
0x5c: {  	vm7 =	vnez.u8 v61;
	v7 =	vsel vm5, v12, v7;
	vm6 =	vnez.u8 v56  }
0x5d: {  	v55 =	vperm.xlane v54, v3;
	vm5 =	vlt.f32 v21, v6;
	v7 =	vsel vm6, v44, v7  }
0x5e: {  	v6 =	vsel vm5, v21, v6;
	vm6 =	vnez.u8 v57;
	v7 =	vsel vm4, v39, v7  }
0x5f: {  	v6 =	vsel vm13, v9, v6;
	vm4 =	vlt.s32 v54, v55;
	v7 =	vsel vm6, v13, v7  }
0x60: {  	v8 =	vsel vm4, v54, v55;
	vm4 =	vlt.f32 v32, v6;
	vm6 =	vnez.u8 v58  }
0x61: {  	v7 =	vsel vm3, v41, v7;
	v6 =	vsel vm4, v32, v6;
	vm3 =	veq.s32 v19, v8  }
0x62: {  	v7 =	vsel vm6, v11, v7;
	v5 =	vsel vm3, v5, v40;
	v6 =	vsel vm14, v36, v6  }
0x63: {  	v7 =	vsel vm2, v43, v7;
	v59 =	vperm.xlane v6, v0;
	v60 =	vperm.xlane v5, v0  }
0x64: {  	v7 =	vsel vm7, v49, v7  }
0x65: {  	v7 =	vsel vm1, v45, v7;
	v9 =	vmin.f32 v6, v59;
	v10 =	vmin.f32 v5, v60  }
0x66: {  	v7 =	vsel vm9, v47, v7;
	v62 =	vperm.xlane v9, v1;
	v63 =	vperm.xlane v10, v1  }
0x67: {  	v7 =	vsel vm8, v46, v7  }
0x68: {  	v7 =	vsel vm10, v15, v7;
	v9 =	vmin.f32 v9, v62;
	v10 =	vmin.f32 v10, v63  }
0x69: {  	v7 =	vsel vm15, v48, v7;
	v11 =	vperm.xlane v9, v2;
	v12 =	vperm.xlane v10, v2  }
0x6a: {  	v7 =	vsel vm11, v34, v7  }
0x6b: {  	v7 =	vsel vm0, v50, v7;
	v9 =	vmin.f32 v9, v11;
	v10 =	vmin.f32 v10, v12  }
0x6c: {  	v7 =	vsel vm12, v16, v7;
	v11 =	vperm.xlane v9, v3;
	v12 =	vperm.xlane v10, v3  }
0x6d: {  	v7 =	vsel vm5, v51, v7  }
0x6e: {  	v7 =	vsel vm13, v22, v7;
	v9 =	vmin.f32 v9, v11;
	v10 =	vmin.f32 v10, v12  }
0x6f: {  	v7 =	vsel vm4, v18, v7;
	v9 =	vmin.f32 v10, v9  }
0x70: {  	v7 =	vsel vm14, v52, v7;
	vm12 =	veq.f32 v5, v9;
	vm13 =	veq.f32 v6, v9  }
0x71: {  	v5 =	vsel vm12, v19, v4;
	v4 =	vsel vm13, v7, v4  }
0x72: {  	v6 =	vperm.xlane v5, v0;
	v7 =	vperm.xlane v4, v0;
	_ =	sdelay $0x1  }
0x73: {  	vm0 =	vlt.s32 v5, v6;
	vm1 =	vlt.s32 v4, v7  }
0x74: {  	v5 =	vsel vm0, v5, v6;
	v4 =	vsel vm1, v4, v7  }
0x75: {  	v6 =	vperm.xlane v5, v1;
	v7 =	vperm.xlane v4, v1;
	_ =	sdelay $0x1  }
0x76: {  	vm0 =	vlt.s32 v5, v6;
	vm1 =	vlt.s32 v4, v7  }
0x77: {  	v5 =	vsel vm0, v5, v6;
	v4 =	vsel vm1, v4, v7  }
0x78: {  	v6 =	vperm.xlane v5, v2;
	v7 =	vperm.xlane v4, v2;
	_ =	sdelay $0x1  }
0x79: {  	vm0 =	vlt.s32 v5, v6;
	vm1 =	vlt.s32 v4, v7  }
0x7a: {  	v5 =	vsel vm0, v5, v6;
	v4 =	vsel vm1, v4, v7  }
0x7b: {  	v6 =	vperm.xlane v5, v3;
	v7 =	vperm.xlane v4, v3;
	_ =	sdelay $0x1  }
0x7c: {  	vm0 =	vlt.s32 v5, v6;
	vm1 =	vlt.s32 v4, v7  }
0x7d: {  	v5 =	vsel vm0, v5, v6;
	v4 =	vsel vm1, v4, v7  }
0x7e: {  	s14 =	sshll.u32 s4, $0x1;
	vm0 =	vlt.s32 v5, v4  }
0x7f: {  	s14 =	sor.u32 s13, s14;
	vm14 =	vcmask $0x308;
	v4 =	vsel vm0, v5, v4  }
0x80: {  	s13 =	ssub.s32 $0x2, s13;
	s14 =	smin.u32 s14, $0x3;
	v4 =	vsel vm14, v8, v4  }
0x81: {  	s16 =	sshrl.u32 s13, $0x1;
	s15 =	smul.u32 $0x186A0, s14;
	vm15 =	vgt.s32 v4, $0x0  }
0x82: {  	s14 =	sshll.u32 s14, $0x8;
	s18 =	ssub.s32 s13, s16;
	v5 =	vnsel vm15, $0x0, v4  }
0x83: {  	s17 =	sadd.s32 s14, s12;
	s31 =	smax.u32 s18, $0x1;
	v4 =	vmov s15;
	v5 =	vmin.u32 v5, $0x1869F  }
0x84: {  	s13 =	simm.s32 $0x1000;
	s16 =	sadd.s32 $0xA400, s17;
	s17 =	sadd.s32 $0xFFFFFFFF, s31;
	v5 =	vadd.s32 v4, v5  }
0x85: {  	s12 =	simm.s32 $0x10;
	s14 =	simm.s32 $0x1080;
	p1 =	sne.s32 s17, $0x0;
	[tilespmem:$0x1000] =	vst v5  }
0x86: {  	[tilespmem:s14], [sflag:$0x1] =	stream.indirect.gather [hbm4b:s1+s12], $0x80, s13, s12, $0xb8;
	[tilespmem:$0x1980] =	vst v63  }
.Ltmp0:
0x87: {  	s15 =	simm.s32 $0x1;
	(pc) =	sbr.rel @!p1 .LBB2_2-.Ltmp0, $4  }
0x88: {  	p0 =	sgt.u32 s4, $0x1;
	_ =	swait.ge [sflag:s15], $0x800  }
0x89: {  	s19 =	simm.s32 @!p0 $0x0;
	[sflag:s15] =	ssyncset.done $0x0  }
0x8a: {  	s20 =	simm.s32 @!p0 $0x1080;
	s18 =	simm.s32 @!p0 $0x2;
	[sflag:s15] =	ssyncadd.s32 $0xFFFFF800  }
0x8b: {  	[hbm4b:s16+s19] =	stream.linear.scatter @!p0 [tilespmem:s20], [sflag:$0x2], $0x800, $0x38;
	[tilespmem:$0x1980] =	vst v63  }
.LBB2_1:
0x8c: {  	_ =	swait.ge @!p0 [sflag:s18], $0x800  }
0x8d: {  	[sflag:s18] =	ssyncset.done @!p0 $0x0  }
0x8e: {  	[sflag:s18] =	ssyncadd.s32 @!p0 $0xFFFFF800  }
0x8f: {  	[tilespmem:s5], [sflag:$0x2] =	stream.linear.gather [hbm4b:s3+s2], $0x1, $0x38;
	[tilespmem:$0x1980] =	vst v63  }
0x90: {  	_ = 	snop  }
0x91: {  	[tilespmem:s7], [sflag:$0x2] =	stream.linear.gather [hbm4b:s6+s2], $0x1, $0x38;
	[tilespmem:$0x1980] =	vst v63  }
0x92: {  	_ =	swait.ge [sflag:s8], $0x1  }
0x93: {  	[sflag:s8] =	ssyncset.done $0x0  }
0x94: {  	[sflag:s8] =	ssyncadd.s32 $0xFFFFFFFF  }
0x95: {  	_ =	swait.ge [sflag:s8], $0x1  }
0x96: {  	[sflag:s8] =	ssyncset.done $0x0  }
0x97: {  	[sflag:s8] =	ssyncadd.s32 $0xFFFFFFFF  }
0x98: {  	v6 =	vld.msk [tilespmem:$0x1880 ss:$0x0], $0xffff  }
0x99: {  	v5 =	vld.msk [tilespmem:$0x1900 ss:$0x0], $0xffff;
	[tilespmem:s2], [sflag:$0x2] =	stream.linear.gather [hbm4b:s9+s2], $0x800, $0x38  }
0x9a: {  	_ =	swait.ge [sflag:s8], $0x800  }
0x9b: {  	[sflag:s8] =	ssyncset.done $0x0  }
0x9c: {  	[sflag:s8] =	ssyncadd.s32 $0xFFFFF800  }
0x9d: {  	[tilespmem:s11], [sflag:$0x2] =	stream.linear.gather [hbm4b:s10+s2], $0x800, $0x38;
	[tilespmem:$0x1980] =	vst v63  }
0x9e: {  	_ =	swait.ge [sflag:s8], $0x800  }
0x9f: {  	[sflag:s8] =	ssyncset.done $0x0  }
0xa0: {  	[sflag:s8] =	ssyncadd.s32 $0xFFFFF800  }
0xa1: {  	v7 =	vld [tilespmem:$0x0];
	_ =	sdelay $0x1  }
0xa2: {  	v9 =	vld [tilespmem:$0x80]  }
0xa3: {  	v8 =	vld [tilespmem:$0x800]  }
0xa4: {  	v11 =	vld [tilespmem:$0x100]  }
0xa5: {  	v10 =	vld [tilespmem:$0x880];
	vm0 =	vlt.f32 v7, v6  }
0xa6: {  	v13 =	vld [tilespmem:$0x180];
	v7 =	vsel vm0, v7, v6  }
0xa7: {  	v12 =	vld [tilespmem:$0x900];
	vm1 =	vlt.f32 v9, v6;
	vm8 =	vlt.f32 v9, v7  }
0xa8: {  	v16 =	vld [tilespmem:$0x200];
	v14 =	vsel vm1, v9, v6;
	v9 =	vsel vm8, v9, v7  }
0xa9: {  	v42 =	vld [tilespmem:$0x980];
	v8 =	vnsel vm0, $0x0, v8;
	v7 =	vsel vm8, v7, v14;
	vm9 =	vlt.f32 v11, v9  }
0xaa: {  	v17 =	vld [tilespmem:$0x280];
	v15 =	vsel vm8, v10, v8;
	vm10 =	vlt.f32 v11, v7;
	v43 =	vsel vm9, v11, v9  }
0xab: {  	v10 =	vnsel vm1, $0x0, v10;
	v7 =	vsel vm10, v11, v7;
	vm14 =	vlt.f32 v13, v43  }
0xac: {  	v18 =	vld [tilespmem:$0x300];
	v8 =	vsel vm8, v8, v10;
	v7 =	vsel vm9, v9, v7;
	v46 =	vsel vm14, v13, v43  }
0xad: {  	v8 =	vsel vm10, v12, v8;
	vm11 =	vlt.f32 v13, v7;
	vm15 =	vlt.f32 v16, v46  }
0xae: {  	v48 =	vld [tilespmem:$0x380];
	v8 =	vsel vm9, v15, v8;
	v7 =	vsel vm11, v13, v7;
	v47 =	vsel vm15, v16, v46  }
0xaf: {  	v8 =	vsel vm11, v42, v8;
	v7 =	vsel vm14, v43, v7;
	vm11 =	vlt.f32 v17, v47  }
0xb0: {  	v19 =	vld [tilespmem:$0x400];
	vm13 =	vlt.f32 v16, v7;
	v49 =	vsel vm11, v17, v47  }
0xb1: {  	v7 =	vsel vm13, v16, v7;
	vm3 =	vlt.f32 v18, v49  }
0xb2: {  	v51 =	vld [tilespmem:$0x480];
	v7 =	vsel vm15, v46, v7;
	v50 =	vsel vm3, v18, v49  }
0xb3: {  	vm0 =	vlt.f32 v17, v7;
	vm1 =	vlt.f32 v48, v50  }
0xb4: {  	v20 =	vld [tilespmem:$0x500];
	v7 =	vsel vm0, v17, v7;
	v52 =	vsel vm1, v48, v50  }
0xb5: {  	v7 =	vsel vm11, v47, v7;
	vm2 =	vlt.f32 v19, v52  }
0xb6: {  	v53 =	vimm.s32 $0x0;
	v21 =	vld [tilespmem:$0x580];
	vm4 =	vlt.f32 v18, v7;
	v54 =	vsel vm2, v19, v52  }
0xb7: {  	v13 =	vsel vm4, $0xFFFFFFFF, v53;
	v7 =	vsel vm4, v18, v7;
	vm4 =	vlt.f32 v51, v54  }
0xb8: {  	v56 =	vld [tilespmem:$0x600];
	v55 =	vsel vm4, v51, v54  }
0xb9: {  	v7 =	vsel vm3, v49, v7;
	vm5 =	vlt.f32 v20, v55  }
0xba: {  	v22 =	vimm.s32 $0x0;
	v58 =	vld [tilespmem:$0x680];
	vm6 =	vlt.f32 v48, v7;
	v57 =	vsel vm5, v20, v55  }
0xbb: {  	v22 =	vsel vm6, $0xFFFFFFFF, v22;
	v7 =	vsel vm6, v48, v7;
	vm6 =	vlt.f32 v21, v57  }
0xbc: {  	v23 =	vld [tilespmem:$0x700];
	v60 =	vsel vm6, v21, v57  }
0xbd: {  	v44 =	vld [tilespmem:$0xA00];
	vm8 =	vlt.f32 v56, v60  }
0xbe: {  	v62 =	vld [tilespmem:$0x780];
	v61 =	vsel vm8, v56, v60  }
0xbf: {  	v45 =	vsel vm9, v12, v15;
	vm10 =	vlt.f32 v58, v61  }
0xc0: {  	v59 =	vimm.s32 $0x0;
	v24 =	vld [tilespmem:$0xA80];
	v9 =	vsel vm14, v42, v45;
	v63 =	vsel vm10, v58, v61  }
0xc1: {  	v25 =	vld [tilespmem:$0xB00];
	v8 =	vsel vm14, v45, v8;
	v7 =	vsel vm1, v50, v7;
	vm9 =	vlt.f32 v23, v63  }
0xc2: {  	v37 =	vld [tilespmem:$0xB80];
	v11 =	vsel vm15, v44, v9;
	vm7 =	vlt.f32 v19, v7;
	v36 =	vsel vm9, v23, v63  }
0xc3: {  	v39 =	vld [tilespmem:$0xC00];
	v12 =	vsel vm7, $0xFFFFFFFF, v59;
	v7 =	vsel vm7, v19, v7;
	vm7 =	vlt.f32 v62, v36  }
0xc4: {  	v27 =	vld [tilespmem:$0xC80];
	v8 =	vsel vm13, v44, v8;
	v7 =	vsel vm2, v52, v7;
	v38 =	vsel vm7, v62, v36  }
0xc5: {  	v41 =	vld [tilespmem:$0xD00];
	v40 =	vsel vm11, v24, v11;
	[tilespmem:$0x1FF20] =	vst v13;
	vm13 =	vlt.f32 v51, v7;
	v26 =	vperm.xlane v38, v0  }
0xc6: {  	v8 =	vsel vm15, v9, v8;
	v43 =	vsel vm3, v25, v40;
	v32 =	vld [tilespmem:$0x1FF20];
	v7 =	vsel vm13, v51, v7  }
0xc7: {  	v29 =	vld [tilespmem:$0xE00];
	v8 =	vsel vm0, v24, v8;
	v7 =	vsel vm4, v54, v7;
	v42 =	vmin.f32 v38, v26  }
0xc8: {  	v44 =	vld [tilespmem:$0xD80];
	v45 =	vsel vm1, v37, v43;
	vm12 =	vlt.f32 v20, v7;
	v28 =	vperm.xlane v42, v1  }
0xc9: {  	v30 =	vld [tilespmem:$0xF00];
	v8 =	vsel vm11, v11, v8;
	v46 =	vsel vm2, v39, v45;
	v7 =	vsel vm12, v20, v7  }
0xca: {  	v47 =	vld [tilespmem:$0xE80];
	v48 =	vsel vm4, v27, v46;
	[tilespmem:$0x1FF30] =	vst v22;
	v7 =	vsel vm5, v55, v7;
	v15 =	vmin.f32 v42, v28  }
0xcb: {  	vm15 =	vnez.u8 v32;
	v54 =	vld [tilespmem:$0x1FF30];
	vm14 =	vlt.f32 v21, v7;
	v31 =	vperm.xlane v15, v2  }
0xcc: {  	v49 =	vsel vm5, v41, v48;
	v50 =	vld [tilespmem:$0xF80];
	v8 =	vsel vm15, v25, v8;
	v7 =	vsel vm14, v21, v7  }
0xcd: {  	v51 =	vsel vm6, v44, v49;
	v7 =	vsel vm6, v57, v7;
	v15 =	vmin.f32 v15, v31  }
0xce: {  	[tilespmem:$0x1FF40] =	vst v12;
	v52 =	vsel vm8, v29, v51;
	vm0 =	vlt.f32 v56, v7;
	v31 =	vperm.xlane v15, v3  }
0xcf: {  	v8 =	vsel vm3, v40, v8;
	v53 =	vsel vm10, v47, v52;
	v7 =	vsel vm0, v56, v7;
	v56 =	vld [tilespmem:$0x1FF40]  }
0xd0: {  	v33 =	vsel vm9, v30, v53;
	vm15 =	vnez.u8 v54;
	v15 =	vmin.f32 v15, v31  }
0xd1: {  	v55 =	vsel vm7, v50, v33;
	v8 =	vsel vm15, v37, v8;
	vm15 =	veq.f32 v38, v15  }
0xd2: {  	v15 =	vsel vm15, v55, v5  }
0xd3: {  	v57 =	vperm.xlane v15, v0  }
0xd4: {  	v8 =	vsel vm1, v43, v8;
	v7 =	vsel vm8, v60, v7;
	vm15 =	vnez.u8 v56  }
0xd5: {  	vm11 =	vlt.f32 v58, v7;
	v8 =	vsel vm15, v39, v8;
	vm15 =	vlt.s32 v15, v57  }
0xd6: {  	v7 =	vsel vm11, v58, v7;
	v8 =	vsel vm2, v45, v8;
	v58 =	vsel vm15, v15, v57  }
0xd7: {  	v8 =	vsel vm13, v27, v8;
	v15 =	vperm.xlane v58, v1  }
0xd8: {  	v8 =	vsel vm4, v46, v8  }
0xd9: {  	v8 =	vsel vm12, v41, v8;
	vm1 =	vlt.s32 v58, v15  }
0xda: {  	v8 =	vsel vm5, v48, v8;
	v11 =	vsel vm1, v58, v15  }
0xdb: {  	v8 =	vsel vm14, v44, v8;
	v15 =	vperm.xlane v11, v2  }
0xdc: {  	v8 =	vsel vm6, v49, v8  }
0xdd: {  	v8 =	vsel vm0, v29, v8;
	vm1 =	vlt.s32 v11, v15  }
0xde: {  	v7 =	vsel vm10, v61, v7;
	v8 =	vsel vm8, v51, v8;
	v11 =	vsel vm1, v11, v15  }
0xdf: {  	v8 =	vsel vm11, v47, v8;
	vm11 =	vlt.f32 v23, v7;
	v59 =	vperm.xlane v11, v3  }
0xe0: {  	v7 =	vsel vm11, v23, v7  }
0xe1: {  	v7 =	vsel vm9, v63, v7;
	vm13 =	vlt.s32 v11, v59  }
0xe2: {  	vm12 =	vlt.f32 v62, v7;
	v60 =	vsel vm13, v11, v59  }
0xe3: {  	v7 =	vsel vm12, v62, v7;
	vm0 =	veq.s32 v55, v60  }
0xe4: {  	v7 =	vsel vm7, v36, v7;
	v6 =	vsel vm0, v6, v38  }
0xe5: {  	v61 =	vperm.xlane v7, v0;
	v10 =	vperm.xlane v6, v0;
	_ =	sdelay $0x1  }
0xe6: {  	v11 =	vmin.f32 v7, v61;
	v10 =	vmin.f32 v6, v10  }
0xe7: {  	v62 =	vperm.xlane v11, v1;
	v63 =	vperm.xlane v10, v1;
	_ =	sdelay $0x1  }
0xe8: {  	v11 =	vmin.f32 v11, v62;
	v10 =	vmin.f32 v10, v63  }
0xe9: {  	v12 =	vperm.xlane v11, v2;
	v13 =	vperm.xlane v10, v2;
	_ =	sdelay $0x1  }
0xea: {  	v11 =	vmin.f32 v11, v12;
	v10 =	vmin.f32 v10, v13  }
0xeb: {  	v8 =	vsel vm10, v52, v8;
	v12 =	vperm.xlane v11, v3;
	v13 =	vperm.xlane v10, v3  }
0xec: {  	v8 =	vsel vm11, v30, v8  }
0xed: {  	v8 =	vsel vm9, v53, v8;
	v11 =	vmin.f32 v11, v12;
	v10 =	vmin.f32 v10, v13  }
0xee: {  	v8 =	vsel vm12, v50, v8;
	v10 =	vmin.f32 v10, v11  }
0xef: {  	v8 =	vsel vm7, v33, v8;
	vm0 =	veq.f32 v6, v10;
	vm14 =	veq.f32 v7, v10  }
0xf0: {  	v6 =	vsel vm0, v55, v5;
	v5 =	vsel vm14, v8, v5  }
0xf1: {  	v7 =	vperm.xlane v6, v0;
	v8 =	vperm.xlane v5, v0;
	_ =	sdelay $0x1  }
0xf2: {  	vm0 =	vlt.s32 v6, v7;
	vm1 =	vlt.s32 v5, v8  }
0xf3: {  	v6 =	vsel vm0, v6, v7;
	v5 =	vsel vm1, v5, v8  }
0xf4: {  	v7 =	vperm.xlane v6, v1;
	v8 =	vperm.xlane v5, v1;
	_ =	sdelay $0x1  }
0xf5: {  	vm0 =	vlt.s32 v6, v7;
	vm1 =	vlt.s32 v5, v8  }
0xf6: {  	v6 =	vsel vm0, v6, v7;
	v5 =	vsel vm1, v5, v8  }
0xf7: {  	v7 =	vperm.xlane v6, v2;
	v8 =	vperm.xlane v5, v2;
	_ =	sdelay $0x1  }
0xf8: {  	vm0 =	vlt.s32 v6, v7;
	vm1 =	vlt.s32 v5, v8  }
0xf9: {  	v6 =	vsel vm0, v6, v7;
	v5 =	vsel vm1, v5, v8  }
0xfa: {  	v7 =	vperm.xlane v6, v3;
	v8 =	vperm.xlane v5, v3;
	_ =	sdelay $0x1  }
0xfb: {  	vm0 =	vlt.s32 v6, v7;
	vm1 =	vlt.s32 v5, v8  }
0xfc: {  	v6 =	vsel vm0, v6, v7;
	v5 =	vsel vm1, v5, v8  }
0xfd: {  	vm0 =	vlt.s32 v6, v5  }
0xfe: {  	vm15 =	vcmask $0x308;
	v5 =	vsel vm0, v6, v5  }
0xff: {  	v5 =	vsel vm15, v60, v5  }
0x100: {  	vm0 =	vgt.s32 v5, $0x0  }
0x101: {  	v5 =	vnsel vm0, $0x0, v5  }
0x102: {  	v5 =	vmin.u32 v5, $0x1869F  }
0x103: {  	s17 =	sadd.s32 $0xFFFFFFFF, s17;
	v5 =	vadd.s32 v4, v5  }
0x104: {  	p1 =	sne.s32 s17, $0x0;
	[tilespmem:$0x1000] =	vst v5  }
0x105: {  	[tilespmem:s14], [sflag:$0x1] =	stream.indirect.gather [hbm4b:s1+s12], $0x80, s13, s12, $0xb8;
	[tilespmem:$0x1980] =	vst v63  }
.Ltmp1:
0x106: {  	_ = 	snop;
	(pc) =	sbr.rel @p1 .LBB2_1-.Ltmp1, $4  }
0x107: {  	_ =	swait.ge [sflag:s15], $0x800  }
0x108: {  	[sflag:s15] =	ssyncset.done $0x0  }
0x109: {  	[sflag:s15] =	ssyncadd.s32 $0xFFFFF800  }
0x10a: {  	[hbm4b:s16+s19] =	stream.linear.scatter @!p0 [tilespmem:s20], [sflag:$0x2], $0x800, $0x38;
	[tilespmem:$0x1980] =	vst v63  }
.LBB2_2:
0x10b: {  	_ =	swait.ge @!p0 [sflag:s18], $0x800  }
0x10c: {  	[sflag:s18] =	ssyncset.done @!p0 $0x0  }
0x10d: {  	[sflag:s18] =	ssyncadd.s32 @!p0 $0xFFFFF800  }
0x10e: {  	_ =	sfence.sel $0x180000  }
0x10f: {  	[bflag:$0x0] =	sbarrier.arrive $0xFFFF  }
0x110: {  	p0 =	sne.s32 s4, $0x0;
	_ =	strace $0x9000004A  }
0x111: {  	s0 =	sadd.s32 @!p0 $0x100000, s0;
	[bflag:$0x2] =	sbarrier.arrive $0xFFFF  }
0x112: {  	[sflag:s0] =	ssyncadd.tile.s32 @!p0 $0x1;
	_ =	shalt  }
.Lfunc_end2:
_tile_overlayer_lowered:
.L_overlay_start_2:
0x113: {  	(tag) =	ssettag $0x2  }
0x114: {  	s0 =	rddreg [dreg:$0x0];
	s2 =	stileid.u32  }
0x115: {  	s1 =	rddreg [dreg:$0x1];
	p0 =	sne.s32 s2, $0x0  }
0x116: {  	s3 =	rddreg [dreg:$0x2];
	[bflag:$0x3] =	sbarrier.arrive $0xFFFF;
	s2 =	simm.s32 @!p0 $0x1C02  }
0x117: {  	[timem:s3], [sflag:s2] =	dma.local @!p0 [hbm:s0], s1  }
0x118: {  	s0 =	simm.s32 @!p0 $0x2  }
0x119: {  	_ =	swait.ge @!p0 [sflag:s0], s1  }
0x11a: {  	s1 =	ssub.s32 @!p0 $0x0, s1;
	[sflag:s0] =	ssyncset.done @!p0 $0x0  }
0x11b: {  	[sflag:s0] =	ssyncadd.s32 @!p0 s1  }
0x11c: {  	[bflag:$0x3] =	sbarrier.arrive $0xFFFF  }
0x11d: {  	_ =	shalt  }

// kernel: kernel.8.cloned.1.call-start
scs
__scs_entry_jumppad:
0x0: {  	(pc) =	sbr.rel $0x88, $3  }
0x1: {  	(tag) =	ssettag $0x0;
	lr =	simm.s32 $0x1  }
0x2: {  	[smem:$0x3F76] =	sst lr;
	_ =	strace $0xD0000000  }
0x3: {  	_ = 	snop  }
0x4: {  	_ = 	snop  }
0x5: {  	_ = 	snop  }
0x6: {  	_ = 	snop  }
0x7: {  	_ = 	snop  }
__scs_overlays_trampoline_lowered:
0x8: {  	[smem:$0x3F85] =	sst s0  }
0x9: {  	[smem:$0x3F86] =	sst s1  }
0xa: {  	[smem:$0x3F87] =	sst s2  }
0xb: {  	[smem:$0x3F88] =	sst s3  }
0xc: {  	[smem:$0x3F89] =	sst s4  }
0xd: {  	[smem:$0x3F8A] =	sst s5  }
0xe: {  	[smem:$0x3F8B] =	sst s6  }
0xf: {  	[smem:$0x3F8C] =	sst s7  }
0x10: {  	[smem:$0x3F8D] =	sst s8  }
0x11: {  	[smem:$0x3F8E] =	sst s9;
	s0 =	simm.s32 @!p0 $0x0  }
0x12: {  	s1 =	sld [smem:$0x3F74];
	s0 =	simm.s32 @p0 $0x1  }
0x13: {  	[smem:$0x3F8F] =	sst s0;
	s0 =	simm.s32 @!p1 $0x0  }
0x14: {  	s2 =	sld [smem:$0x3F73];
	s0 =	simm.s32 @p1 $0x1  }
0x15: {  	[smem:$0x3F90] =	sst s0;
	s0 =	simm.s32 @!p2 $0x0  }
0x16: {  	s3 =	sld [smem:$0x3FDB];
	s0 =	simm.s32 @p2 $0x1  }
0x17: {  	s4 =	simm.s32 $0x1BF5;
	[smem:$0x3F92] =	sst s0  }
0x18: {  	s0 =	sld [smem:$0x3F75];
	_ =	swait.ge [sflag:s4], $0x0  }
0x19: {  	s7 =	sld [smem:$0x3F76]  }
0x1a: {  	s8 =	sadd.s32 $0xFFFFE003, lr  }
0x1b: {  	s9 =	sadd.s32 $0xFFFFFEF7, lr;
	s5 =	simm.s32 $0xFFFFFFFF;
	p2 =	slt.u32 s8, $0xFFFFF086  }
0x1c: {  	p1 =	slt.u32 s9, $0xF7A;
	s5 =	simm.s32 @!p2 $0x0  }
0x1d: {  	s5 =	simm.s32 @p1 $0x1;
	p0 =	seq.s32 s7, s2  }
0x1e: {  	s7 =	smul.u32 @!p0 $0xF7A, s2;
	p2 =	seq.s32 @!p0 s5, $0x0  }
0x1f: {  	s9 =	smul.u32 $0xF7A, s1;
	s8 =	simm.s32 @!p0 $0x1BF5;
	p2 =	por !p2, p0  }
0x20: {  	[sflag:s8] =	ssyncset.s32 @!p0 $0xFFFFF086;
	s6 =	sadd.s32 @!p0 s3, s7;
	s7 =	simm.s32 @!p0 $0x108  }
0x21: {  	s3 =	sadd.s32 s3, s9;
	s6 =	sadd.s32 @!p0 $0x88, s6;
	s7 =	simm.s32 @p2 $0x1082  }
0x22: {  	[simem:s7], [sflag:s8] =	dma.local @!p0 [hbm:s6], $0xF7A  }
0x23: {  	s9 =	sor.u32 $0xD0000000, s2;
	s6 =	simm.s32 $0x108;
	_ =	swait.ge @!p0 [sflag:s8], $0x0  }
0x24: {  	s3 =	sadd.s32 $0x88, s3;
	s6 =	simm.s32 @!p1 $0x1082;
	[sflag:s4] =	ssyncset.s32 $0xFFFFF086  }
0x25: {  	[simem:s6], [sflag:s4] =	dma.local [hbm:s3], $0xF7A  }
0x26: {  	[smem:$0x3F76] =	sst s1;
	(tag) =	ssettag s2;
	_ =	strace s9  }
0x27: {  	s1 =	sld [smem:$0x3F86]  }
0x28: {  	s2 =	sld [smem:$0x3F87]  }
0x29: {  	s4 =	sld [smem:$0x3F89]  }
0x2a: {  	p0 =	seq.s32 s5, $0x0;
	s5 =	sld [smem:$0x3F8A]  }
0x2b: {  	s6 =	sld [smem:$0x3F8B]  }
0x2c: {  	s7 =	sld [smem:$0x3F8C]  }
0x2d: {  	s3 =	simm.s32 $0x108;
	s8 =	sld [smem:$0x3F8D]  }
0x2e: {  	s3 =	simm.s32 @!p0 $0x1082;
	s9 =	sld [smem:$0x3F8E]  }
0x2f: {  	lr =	sadd.s32 s0, s3;
	s0 =	sld [smem:$0x3F85]  }
0x30: {  	s3 =	sld [smem:$0x3F88]  }
0x31: {  	[smem:$0x3F91] =	sst s10  }
0x32: {  	s10 =	sld [smem:$0x3F8F];
	_ =	sdelay $0x3  }
0x33: {  	p0 =	seq.s32 s10, $0x1;
	s10 =	sld [smem:$0x3F91];
	_ =	sdelay $0x3  }
0x34: {  	[smem:$0x3F91] =	sst s10  }
0x35: {  	s10 =	sld [smem:$0x3F90];
	_ =	sdelay $0x3  }
0x36: {  	p1 =	seq.s32 s10, $0x1;
	s10 =	sld [smem:$0x3F91];
	_ =	sdelay $0x3  }
0x37: {  	[smem:$0x3F91] =	sst s10  }
0x38: {  	s10 =	sld [smem:$0x3F92]  }
0x39: {  	_ = 	snop;
	(pc) =	sbr.ind lr, $3  }
0x3a: {  	_ = 	snop  }
0x3b: {  	_ = 	snop  }
0x3c: {  	p2 =	seq.s32 s10, $0x1;
	s10 =	sld [smem:$0x3F91]  }
0x3d: {  	_ =	shalt  }
0x3e: {  	_ =	shalt  }
0x3f: {  	_ =	shalt  }
0x40: {  	_ =	shalt  }
0x41: {  	_ =	shalt  }
0x42: {  	_ =	shalt  }
0x43: {  	_ =	shalt  }
0x44: {  	_ =	shalt  }
0x45: {  	_ =	shalt  }
0x46: {  	_ =	shalt  }
0x47: {  	_ =	shalt  }
0x48: {  	_ =	shalt  }
0x49: {  	_ =	shalt  }
0x4a: {  	_ =	shalt  }
0x4b: {  	_ =	shalt  }
0x4c: {  	_ =	shalt  }
0x4d: {  	_ =	shalt  }
0x4e: {  	_ =	shalt  }
0x4f: {  	_ =	shalt  }
0x50: {  	_ =	shalt  }
0x51: {  	_ =	shalt  }
0x52: {  	_ =	shalt  }
0x53: {  	_ =	shalt  }
0x54: {  	_ =	shalt  }
0x55: {  	_ =	shalt  }
0x56: {  	_ =	shalt  }
0x57: {  	_ =	shalt  }
0x58: {  	_ =	shalt  }
0x59: {  	_ =	shalt  }
0x5a: {  	_ =	shalt  }
0x5b: {  	_ =	shalt  }
0x5c: {  	_ =	shalt  }
0x5d: {  	_ =	shalt  }
0x5e: {  	_ =	shalt  }
0x5f: {  	_ =	shalt  }
0x60: {  	_ =	shalt  }
0x61: {  	_ =	shalt  }
0x62: {  	_ =	shalt  }
0x63: {  	_ =	shalt  }
0x64: {  	_ =	shalt  }
0x65: {  	_ =	shalt  }
0x66: {  	_ =	shalt  }
0x67: {  	_ =	shalt  }
0x68: {  	_ =	shalt  }
0x69: {  	_ =	shalt  }
0x6a: {  	_ =	shalt  }
0x6b: {  	_ =	shalt  }
0x6c: {  	_ =	shalt  }
0x6d: {  	_ =	shalt  }
0x6e: {  	_ =	shalt  }
0x6f: {  	_ =	shalt  }
0x70: {  	_ =	shalt  }
0x71: {  	_ =	shalt  }
0x72: {  	_ =	shalt  }
0x73: {  	_ =	shalt  }
0x74: {  	_ =	shalt  }
0x75: {  	_ =	shalt  }
0x76: {  	_ =	shalt  }
0x77: {  	_ =	shalt  }
0x78: {  	_ =	shalt  }
0x79: {  	_ =	shalt  }
0x7a: {  	_ =	shalt  }
0x7b: {  	_ =	shalt  }
0x7c: {  	_ =	shalt  }
0x7d: {  	_ =	shalt  }
0x7e: {  	_ =	shalt  }
0x7f: {  	_ =	shalt  }
0x80: {  	_ =	shalt  }
0x81: {  	_ =	shalt  }
0x82: {  	_ =	shalt  }
0x83: {  	_ =	shalt  }
0x84: {  	_ =	shalt  }
0x85: {  	_ =	shalt  }
0x86: {  	_ =	shalt  }
0x87: {  	_ =	shalt  }
.Lfunc_end0:
.L_simem_size_0:
called_computation_lowered:
.L_overlay_start_0:
0x88: {  	s2 =	sld [smem:$0x3FD9]  }
0x89: {  	s3 =	sld [smem:$0x3FFE];
	_ =	sdelay $0x1  }
0x8a: {  	s1 =	srdreg.scid  }
0x8b: {  	s0 =	sand.u32 $0x1, s1  }
0x8c: {  	s17 =	sshll.u32 s0, $0xA;
	s2 =	sadd.s32 s3, s2  }
0x8d: {  	s2 =	sadd.s32 s2, s17  }
0x8e: {  	[smem:$0x3F9D] =	sst s2  }
0x8f: {  	_ = 	snop  }
0x90: {  	s2 =	sld [smem:$0x3FD0];
	(tm) =	ssettm $0x1  }
0x91: {  	s18 =	sld [smem:$0x3FFB];
	_ =	sdelay $0x3  }
0x92: {  	_ =	strace s18  }
0x93: {  	s3 =	sld [smem:$0x3FFC];
	_ =	sdelay $0x3  }
0x94: {  	_ =	strace s3  }
0x95: {  	s3 =	sld [smem:$0x3FFD];
	_ =	sdelay $0x3  }
0x96: {  	_ =	strace s3  }
0x97: {  	_ =	strace $0x8FFFFFFF  }
0x98: {  	s19 =	sld [smem:$0x3FDB];
	_ =	sdelay $0x1  }
0x99: {  	s4 =	simm.s32 $_scs_section_size  }
0x9a: {  	s5 =	simm.s32 $_size__tile_overlayer_lowered;
	s6 =	simm.s32 $_tile_overlayer_lowered  }
0x9b: {  	s22 =	simm.s32 $0x1BFF;
	s21 =	sshll.u32 s6, $0x1;
	s3 =	sadd.s32 s4, s19  }
0x9c: {  	s7 =	simm.s32 $0x0;
	s20 =	sshll.u32 s5, $0x1;
	s5 =	sadd.s32 s21, s3  }
0x9d: {  	[timem:s7], [sflag:s22] =	dma.local [hbm:s5], s20  }
0x9e: {  	_ =	swait.ge [sflag:s22], s20  }
0x9f: {  	s4 =	ssub.s32 $0x0, s20;
	[sflag:s22] =	ssyncset.done $0x0  }
0xa0: {  	[sflag:s22] =	ssyncadd.s32 s4;
	_ =	sdelay $0x1  }
0xa1: {  	s23 =	simm.s32 $0x1B8B  }
0xa2: {  	_ =	swait.ge [sflag:s23], $0x1  }
0xa3: {  	[sflag:s23] =	ssyncset.done $0x0  }
0xa4: {  	s25 =	simm.s32 $0x1B8E;
	s24 =	sld [smem:$0x3FFE];
	[sflag:s23] =	ssyncadd.s32 $0xFFFFFFFF  }
0xa5: {  	s26 =	simm.s32 $execute0_lowered;
	[smem:$0x3FD2] =	sst s25  }
0xa6: {  	s5 =	sshll.u32 s26, $0x1;
	_ =	strace $0x80000046;
	[dreg:$0x1] =	wrdreg $0xFFFFFFFF  }
0xa7: {  	s28 =	simm.s32 $_size_execute0_lowered;
	s3 =	sadd.s32 s3, s5;
	[dreg:$0x0] =	wrdreg $0x0  }
0xa8: {  	s5 =	sshll.u32 s28, $0x1;
	[dreg:$0x2] =	wrdreg s3  }
0xa9: {  	[dreg:$0x3] =	wrdreg s5  }
0xaa: {  	[dreg:$0x4] =	wrdreg $0xC0  }
0xab: {  	_ =	task [dreg:s7], $0x5FFFF  }
0xac: {  	[dreg:$0x1] =	wrdreg $0xFFFFFFFF  }
0xad: {  	[dreg:$0x0] =	wrdreg $0x60  }
0xae: {  	[dreg:$0x2] =	wrdreg s24  }
0xaf: {  	[dreg:$0x3] =	wrdreg s2  }
0xb0: {  	[dreg:$0x4] =	wrdreg $0x9  }
0xb1: {  	_ =	task.clear_ibuf [dreg:s7], $0x5FFFF;
	_ =	strace $0x90000046  }
0xb2: {  	s29 =	simm.s32 $0x9;
	_ =	strace $0x80000048  }
0xb3: {  	_ =	swait.ge [sflag:s29], $0x1  }
0xb4: {  	[sflag:s29] =	ssyncadd.s32 $0xFFFFFFFF  }
0xb5: {  	_ =	strace $0x90000048  }
0xb6: {  	_ =	sfence  }
0xb7: {  	s30 =	sld [smem:$0x0];
	_ =	sdelay $0x2  }
0xb8: {  	s31 =	sshll.u32 s1, $0xD;
	s1 =	sshrl.u32 s1, $0x2  }
0xb9: {  	s3 =	sand.u32 $0x4000, s31;
	s1 =	sadd.s32 s1, s30  }
0xba: {  	s0 =	sor.u32 s3, s0;
	s1 =	sshll.u32 s1, $0x11  }
0xbb: {  	s0 =	sor.u32 s1, s0  }
0xbc: {  	s0 =	sadd.s32 $0x8F2B, s0  }
0xbd: {  	[sflag:s0] =	ssyncadd.remote.s32 $0x1  }
0xbe: {  	_ =	sfence.sel $0xFFFF  }
0xbf: {  	[dreg:$0x0] =	wrdreg $0xFFFFFFFF;
	(pc) =	sbr.abs _section_cstart, $3  }
0xc0: {  	[dreg:$0x1] =	wrdreg $0xFFFFFFFF  }
0xc1: {  	_ =	task.clear_ibuf [dreg:s7], $0x2FFFF;
	_ =	strace $0x9FFFFFFF  }
0xc2: {  	(tm) =	ssettm $0x7FFFFFFF  }
0xc3: {  	_ =	shalt  }
tec
execute0_lowered:
.L_overlay_start_1:
0x0: {  	(tag) =	ssettag $0x1  }
0x1: {  	s1 =	srdreg.scid;
	v0 =	vimm.s32 $0xEFCDAB89;
	s6 =	rddreg [dreg:$0x0]  }
0x2: {  	s0 =	stileid.u32;
	s3 =	rddreg [dreg:$0x1];
	v1 =	vimm.s32 $0x67452301;
	v2 =	vimm.s32 $0xDCFE98BA;
	v3 =	vimm.s32 $0x54761032  }
0x3: {  	s4 =	simm.s32 $0x0;
	v4 =	vimm.s32 $0xBA98FEDC;
	v5 =	vimm.s32 $0x32107654;
	s14 =	simm.s32 $0x1A00;
	s15 =	simm.s32 $0x1  }
0x4: {  	v6 =	vimm.s32 $0xFEDCBA98;
	v7 =	vimm.s32 $0x76543210;
	s16 =	simm.s32 $0x1880;
	s17 =	simm.s32 $0x1900;
	s18 =	simm.s32 $0x0;
	v0 =	vunpack.c.l.s4.s8 v0  }
0x5: {  	s7 =	sand.u32 $0x1, s1;
	s2 =	smul.u32 $0x1880, s0;
	s1 =	rddreg [dreg:$0x2];
	v1 =	vunpack.c.l.s4.s8 v1;
	v2 =	vunpack.c.l.s4.s8 v2;
	v3 =	vunpack.c.l.s4.s8 v3  }
0x6: {  	[smem:$0x7FF] =	sst s4;
	v4 =	vunpack.c.l.s4.s8 v4;
	s10 =	sadd.s32 $0x16E00, s6;
	v5 =	vunpack.c.l.s4.s8 v5;
	s11 =	sshll.u32 s0, $0x4;
	v6 =	vunpack.c.l.s4.s8 v6  }
0x7: {  	s12 =	sadd.s32 $0x17200, s6;
	s5 =	smul.u32 $0x18800, s7;
	s8 =	ssub.s32 $0x2, s7;
	v0 =	vunpack.c.0.s8.s32 v0;
	v1 =	vunpack.c.0.s8.s32 v1;
	v2 =	vunpack.c.0.s8.s32 v2  }
0x8: {  	_ =	strace $0x80000047;
	s7 =	sshll.u32 s7, $0x8;
	v3 =	vunpack.c.0.s8.s32 v3;
	v4 =	vunpack.c.0.s8.s32 v4;
	s31 =	sshrl.u32 s8, $0x1;
	v5 =	vunpack.c.0.s8.s32 v5  }
0x9: {  	v7 =	vunpack.c.l.s4.s8 v7;
	s11 =	sor.u32 s7, s11;
	s5 =	sadd.s32 s2, s5;
	s13 =	ssub.s32 s8, s31;
	v1 =	vcombine.low v1, v0  }
0xa: {  	s7 =	sadd.s32 s10, s11;
	s8 =	sadd.s32 s12, s11;
	s11 =	sor.u32 $0x200, s11;
	v2 =	vcombine.low v3, v2;
	v3 =	vcombine.low v5, v4;
	v4 =	vunpack.c.0.s8.s32 v6  }
0xb: {  	vm0 =	vcmask $0x3F08;
	vm1 =	vmmov $0x1;
	s5 =	sshrl.u32 s5, $0x3;
	s10 =	sadd.s32 s10, s11;
	s11 =	sadd.s32 s12, s11;
	v5 =	vunpack.c.0.s8.s32 v7  }
0xc: {  	s12 =	smax.u32 s13, $0x1;
	v0 =	vlaneseq.u32;
	s13 =	simm.s32 $0x1980;
	s9 =	sadd.s32 s5, s6;
	v1 =	vand.u32 $0xF, v1;
	v4 =	vand.u32 $0xF, v4  }
0xd: {  	s5 =	sadd.s32 $0x16800, s6;
	s6 =	sadd.s32 $0xA400, s9;
	s9 =	sadd.s32 $0x10600, s9;
	v2 =	vand.u32 $0xF, v2;
	v3 =	vand.u32 $0xF, v3;
	v4 =	vcombine.low v4, v5  }
.LBB2_1:
0xe: {  	[tilespmem:s13], [sflag:$0x1] =	stream.linear.gather [hbm4b:s3+s4], $0x1, $0x38;
	[tilespmem:$0x1A80] =	vst v63  }
0xf: {  	_ = 	snop  }
0x10: {  	[tilespmem:s14], [sflag:$0x1] =	stream.linear.gather [hbm4b:s5+s4], $0x1, $0x38;
	[tilespmem:$0x1A80] =	vst v63  }
0x11: {  	_ =	swait.ge [sflag:s15], $0x1  }
0x12: {  	[sflag:s15] =	ssyncset.done $0x0  }
0x13: {  	[sflag:s15] =	ssyncadd.s32 $0xFFFFFFFF  }
0x14: {  	_ =	swait.ge [sflag:s15], $0x1  }
0x15: {  	[sflag:s15] =	ssyncset.done $0x0  }
0x16: {  	[sflag:s15] =	ssyncadd.s32 $0xFFFFFFFF  }
0x17: {  	v6 =	vld [tilespmem:$0x1A00]  }
0x18: {  	v5 =	vld.msk [tilespmem:$0x1980 ss:$0x0], $0xffff;
	[tilespmem:s4], [sflag:$0x1] =	stream.linear.gather [hbm4b:s6+s4], $0x1880, $0x38  }
0x19: {  	_ =	swait.ge [sflag:s15], $0x1880  }
0x1a: {  	[sflag:s15] =	ssyncset.done $0x0  }
0x1b: {  	s19 =	simm.s32 $0x0;
	[sflag:s15] =	ssyncadd.s32 $0xFFFFE780  }
0x1c: {  	v10 =	vld [tilespmem:s19+$0x0];
	_ =	sdelay $0x3  }
0x1d: {  	v7 =	vimm.s32 $0x0;
	s20 =	simm.s32 $0x40;
	v8 =	vimm.s32 $0x0;
	s19 =	smov.u32 s2;
	v11 =	vmovc v5;
	v9 =	vmov v5  }
.LBB2_2:
0x1e: {  	s21 =	sshra.s32 s20, $0x2;
	p0 =	sne.s32 s20, $0x61C0;
	s20 =	sadd.s32 $0x40, s20;
	v12 =	vor.u32 s19, v0;
	vm2 =	vlt.f32 v10, v11;
	v13 =	vmov v10  }
.Ltmp0:
0x1f: {  	v10 =	vld [tilespmem:s21+$0x0];
	vm3 =	vlt.f32 v13, v9;
	v11 =	vsel vm2, v13, v11;
	v7 =	vsel vm2, v12, v7;
	(pc) =	sbr.rel @p0 .LBB2_2-.Ltmp0, $3  }
0x20: {  	v11 =	vsel vm3, v9, v11;
	v7 =	vsel vm3, v8, v7;
	v9 =	vsel vm3, v13, v9  }
0x21: {  	v8 =	vsel vm3, v12, v8;
	_ =	sdelay $0x1  }
0x22: {  	s19 =	sadd.s32 $0x10, s19  }
0x23: {  	vm2 =	vlt.f32 v10, v9  }
0x24: {  	v12 =	vsel vm2, v10, v9  }
0x25: {  	v13 =	vperm.xlane v12, v1;
	_ =	sdelay $0x1  }
0x26: {  	v13 =	vmin.f32 v12, v13  }
0x27: {  	v14 =	vperm.xlane v13, v2;
	_ =	sdelay $0x1  }
0x28: {  	v13 =	vmin.f32 v13, v14  }
0x29: {  	v14 =	vperm.xlane v13, v3;
	_ =	sdelay $0x1  }
0x2a: {  	v13 =	vmin.f32 v13, v14  }
0x2b: {  	v14 =	vperm.xlane v13, v4;
	_ =	sdelay $0x1  }
0x2c: {  	v15 =	vor.u32 s19, v0;
	v6 =	vbroadcast v6, $0x0;
	v13 =	vmin.f32 v13, v14  }
0x2d: {  	v61 =	vsel vm2, v15, v8;
	vm3 =	veq.f32 v12, v13  }
0x2e: {  	v16 =	vsel vm3, v61, v6  }
0x2f: {  	v17 =	vperm.xlane v16, v1;
	_ =	sdelay $0x1  }
0x30: {  	vm3 =	vlt.s32 v16, v17  }
0x31: {  	v16 =	vsel vm3, v16, v17  }
0x32: {  	v17 =	vperm.xlane v16, v2;
	_ =	sdelay $0x1  }
0x33: {  	vm3 =	vlt.s32 v16, v17  }
0x34: {  	v16 =	vsel vm3, v16, v17  }
0x35: {  	v17 =	vperm.xlane v16, v3;
	_ =	sdelay $0x1  }
0x36: {  	vm3 =	vlt.s32 v16, v17  }
0x37: {  	v16 =	vsel vm3, v16, v17  }
0x38: {  	v17 =	vperm.xlane v16, v4;
	_ =	sdelay $0x1  }
0x39: {  	vm3 =	vlt.s32 v16, v17  }
0x3a: {  	vm4 =	vlt.f32 v10, v11;
	v16 =	vsel vm3, v16, v17  }
0x3b: {  	v10 =	vsel vm4, v10, v11;
	vm3 =	veq.s32 v61, v16  }
0x3c: {  	v9 =	vsel vm2, v9, v10;
	v11 =	vsel vm3, v5, v12  }
0x3d: {  	v62 =	vperm.xlane v9, v1;
	v10 =	vperm.xlane v11, v1;
	_ =	sdelay $0x1  }
0x3e: {  	v12 =	vmin.f32 v9, v62;
	v10 =	vmin.f32 v11, v10  }
0x3f: {  	v18 =	vperm.xlane v12, v2;
	v63 =	vperm.xlane v10, v2;
	_ =	sdelay $0x1  }
0x40: {  	v12 =	vmin.f32 v12, v18;
	v10 =	vmin.f32 v10, v63  }
0x41: {  	v18 =	vperm.xlane v12, v3;
	v17 =	vperm.xlane v10, v3;
	_ =	sdelay $0x1  }
0x42: {  	v12 =	vmin.f32 v12, v18;
	v10 =	vmin.f32 v10, v17  }
0x43: {  	v18 =	vperm.xlane v12, v4;
	v17 =	vperm.xlane v10, v4;
	_ =	sdelay $0x1  }
0x44: {  	v12 =	vmin.f32 v12, v18;
	v10 =	vmin.f32 v10, v17  }
0x45: {  	v7 =	vsel vm4, v15, v7;
	v10 =	vmin.f32 v10, v12  }
0x46: {  	v7 =	vsel vm2, v8, v7;
	vm2 =	veq.f32 v11, v10;
	vm3 =	veq.f32 v9, v10  }
0x47: {  	v8 =	vsel vm2, v61, v6;
	v7 =	vsel vm3, v7, v6  }
0x48: {  	v9 =	vperm.xlane v8, v1;
	v11 =	vperm.xlane v7, v1;
	_ =	sdelay $0x1  }
0x49: {  	vm2 =	vlt.s32 v8, v9;
	vm3 =	vlt.s32 v7, v11  }
0x4a: {  	v8 =	vsel vm2, v8, v9;
	v7 =	vsel vm3, v7, v11  }
0x4b: {  	v9 =	vperm.xlane v8, v2;
	v11 =	vperm.xlane v7, v2;
	_ =	sdelay $0x1  }
0x4c: {  	vm2 =	vlt.s32 v8, v9;
	vm3 =	vlt.s32 v7, v11  }
0x4d: {  	v8 =	vsel vm2, v8, v9;
	v7 =	vsel vm3, v7, v11  }
0x4e: {  	v9 =	vperm.xlane v8, v3;
	v11 =	vperm.xlane v7, v3;
	_ =	sdelay $0x1  }
0x4f: {  	vm2 =	vlt.s32 v8, v9;
	vm3 =	vlt.s32 v7, v11  }
0x50: {  	v8 =	vsel vm2, v8, v9;
	v7 =	vsel vm3, v7, v11  }
0x51: {  	v9 =	vperm.xlane v8, v4;
	v11 =	vperm.xlane v7, v4;
	_ =	sdelay $0x1  }
0x52: {  	vm2 =	vlt.s32 v8, v9;
	vm3 =	vlt.s32 v7, v11  }
0x53: {  	v8 =	vsel vm2, v8, v9;
	v7 =	vsel vm3, v7, v11  }
0x54: {  	vm2 =	vlt.s32 v8, v7  }
0x55: {  	v7 =	vsel vm2, v8, v7;
	v8 =	vsel vm0, v5, v10  }
0x56: {  	v8 =	vsel vm1, v13, v8;
	v7 =	vsel vm0, $0x0, v7  }
0x57: {  	[tilespmem:$0x1880] =	vst v8;
	v7 =	vsel vm1, v16, v7  }
0x58: {  	s30 =	simm.s32 $0x0;
	[tilespmem:$0x1900] =	vst v7  }
0x59: {  	[hbm4b:s7+s30] =	stream.linear.scatter [tilespmem:s16], [sflag:$0x1], $0x80, $0x38;
	[tilespmem:$0x1A80] =	vst v63  }
0x5a: {  	_ =	swait.ge [sflag:s15], $0x80  }
0x5b: {  	[sflag:s15] =	ssyncset.done $0x0  }
0x5c: {  	[sflag:s15] =	ssyncadd.s32 $0xFFFFFF80  }
0x5d: {  	[hbm4b:s8+s30] =	stream.linear.scatter [tilespmem:s17], [sflag:$0x1], $0x80, $0x38;
	[tilespmem:$0x1A80] =	vst v63  }
0x5e: {  	_ =	swait.ge [sflag:s15], $0x80  }
0x5f: {  	[sflag:s15] =	ssyncset.done $0x0  }
0x60: {  	[sflag:s15] =	ssyncadd.s32 $0xFFFFFF80  }
0x61: {  	[tilespmem:s30], [sflag:$0x1] =	stream.linear.gather [hbm4b:s9+s30], $0x1880, $0x38;
	[tilespmem:$0x1A80] =	vst v63  }
0x62: {  	_ =	swait.ge [sflag:s15], $0x1880  }
0x63: {  	[sflag:s15] =	ssyncset.done $0x0  }
0x64: {  	s31 =	simm.s32 $0x0;
	[sflag:s15] =	ssyncadd.s32 $0xFFFFE780  }
0x65: {  	v10 =	vld [tilespmem:s31+$0x0];
	_ =	sdelay $0x3  }
0x66: {  	s20 =	simm.s32 $0x40;
	s19 =	smov.u32 s2;
	v11 =	vmovc v5;
	v9 =	vmov v5;
	v8 =	vimm.s32 $0x0;
	v7 =	vimm.s32 $0x0  }
.LBB2_4:
0x67: {  	s21 =	sshra.s32 s20, $0x2;
	p0 =	sne.s32 s20, $0x61C0;
	s20 =	sadd.s32 $0x40, s20;
	v12 =	vor.u32 s19, v0;
	vm2 =	vlt.f32 v10, v11;
	v13 =	vmov v10  }
.Ltmp1:
0x68: {  	v10 =	vld [tilespmem:s21+$0x0];
	vm3 =	vlt.f32 v13, v9;
	v11 =	vsel vm2, v13, v11;
	v7 =	vsel vm2, v12, v7;
	(pc) =	sbr.rel @p0 .LBB2_4-.Ltmp1, $3  }
0x69: {  	v11 =	vsel vm3, v9, v11;
	v7 =	vsel vm3, v8, v7;
	v9 =	vsel vm3, v13, v9  }
0x6a: {  	v8 =	vsel vm3, v12, v8;
	_ =	sdelay $0x1  }
0x6b: {  	s19 =	sadd.s32 $0x10, s19  }
0x6c: {  	vm2 =	vlt.f32 v10, v9  }
0x6d: {  	v12 =	vsel vm2, v10, v9  }
0x6e: {  	v13 =	vperm.xlane v12, v1;
	_ =	sdelay $0x1  }
0x6f: {  	v13 =	vmin.f32 v12, v13  }
0x70: {  	v14 =	vperm.xlane v13, v2;
	_ =	sdelay $0x1  }
0x71: {  	v13 =	vmin.f32 v13, v14  }
0x72: {  	v14 =	vperm.xlane v13, v3;
	_ =	sdelay $0x1  }
0x73: {  	v13 =	vmin.f32 v13, v14  }
0x74: {  	v14 =	vperm.xlane v13, v4;
	_ =	sdelay $0x1  }
0x75: {  	v15 =	vor.u32 s19, v0;
	v13 =	vmin.f32 v13, v14  }
0x76: {  	v56 =	vsel vm2, v15, v8;
	vm3 =	veq.f32 v12, v13  }
0x77: {  	v16 =	vsel vm3, v56, v6  }
0x78: {  	v17 =	vperm.xlane v16, v1;
	_ =	sdelay $0x1  }
0x79: {  	vm3 =	vlt.s32 v16, v17  }
0x7a: {  	v16 =	vsel vm3, v16, v17  }
0x7b: {  	v17 =	vperm.xlane v16, v2;
	_ =	sdelay $0x1  }
0x7c: {  	vm3 =	vlt.s32 v16, v17  }
0x7d: {  	v16 =	vsel vm3, v16, v17  }
0x7e: {  	v17 =	vperm.xlane v16, v3;
	_ =	sdelay $0x1  }
0x7f: {  	vm3 =	vlt.s32 v16, v17  }
0x80: {  	v16 =	vsel vm3, v16, v17  }
0x81: {  	v17 =	vperm.xlane v16, v4;
	_ =	sdelay $0x1  }
0x82: {  	vm3 =	vlt.s32 v16, v17  }
0x83: {  	vm4 =	vlt.f32 v10, v11;
	v16 =	vsel vm3, v16, v17  }
0x84: {  	v10 =	vsel vm4, v10, v11;
	vm3 =	veq.s32 v56, v16  }
0x85: {  	v58 =	vsel vm2, v9, v10;
	v57 =	vsel vm3, v5, v12  }
0x86: {  	v60 =	vperm.xlane v58, v1;
	v59 =	vperm.xlane v57, v1;
	_ =	sdelay $0x1  }
0x87: {  	v12 =	vmin.f32 v58, v60;
	v10 =	vmin.f32 v57, v59  }
0x88: {  	v18 =	vperm.xlane v12, v2;
	v61 =	vperm.xlane v10, v2;
	_ =	sdelay $0x1  }
0x89: {  	v12 =	vmin.f32 v12, v18;
	v10 =	vmin.f32 v10, v61  }
0x8a: {  	v18 =	vperm.xlane v12, v3;
	v17 =	vperm.xlane v10, v3;
	_ =	sdelay $0x1  }
0x8b: {  	v12 =	vmin.f32 v12, v18;
	v10 =	vmin.f32 v10, v17  }
0x8c: {  	v18 =	vperm.xlane v12, v4;
	v17 =	vperm.xlane v10, v4;
	_ =	sdelay $0x1  }
0x8d: {  	v12 =	vmin.f32 v12, v18;
	v10 =	vmin.f32 v10, v17  }
0x8e: {  	v7 =	vsel vm4, v15, v7;
	v10 =	vmin.f32 v10, v12  }
0x8f: {  	v7 =	vsel vm2, v8, v7;
	vm2 =	veq.f32 v57, v10;
	vm3 =	veq.f32 v58, v10  }
0x90: {  	v62 =	vsel vm2, v56, v6;
	v6 =	vsel vm3, v7, v6  }
0x91: {  	v7 =	vperm.xlane v62, v1;
	v63 =	vperm.xlane v6, v1;
	_ =	sdelay $0x1  }
0x92: {  	vm2 =	vlt.s32 v62, v7;
	vm3 =	vlt.s32 v6, v63  }
0x93: {  	v7 =	vsel vm2, v62, v7;
	v6 =	vsel vm3, v6, v63  }
0x94: {  	v8 =	vperm.xlane v7, v2;
	v9 =	vperm.xlane v6, v2;
	_ =	sdelay $0x1  }
0x95: {  	vm2 =	vlt.s32 v7, v8;
	vm3 =	vlt.s32 v6, v9  }
0x96: {  	v7 =	vsel vm2, v7, v8;
	v6 =	vsel vm3, v6, v9  }
0x97: {  	v8 =	vperm.xlane v7, v3;
	v9 =	vperm.xlane v6, v3;
	_ =	sdelay $0x1  }
0x98: {  	vm2 =	vlt.s32 v7, v8;
	vm3 =	vlt.s32 v6, v9  }
0x99: {  	v7 =	vsel vm2, v7, v8;
	v6 =	vsel vm3, v6, v9  }
0x9a: {  	v8 =	vperm.xlane v7, v4;
	v9 =	vperm.xlane v6, v4;
	_ =	sdelay $0x1  }
0x9b: {  	vm2 =	vlt.s32 v7, v8;
	vm3 =	vlt.s32 v6, v9  }
0x9c: {  	v7 =	vsel vm2, v7, v8;
	v6 =	vsel vm3, v6, v9  }
0x9d: {  	vm2 =	vlt.s32 v7, v6  }
0x9e: {  	v5 =	vsel vm0, v5, v10;
	v6 =	vsel vm2, v7, v6  }
0x9f: {  	v5 =	vsel vm1, v13, v5;
	v6 =	vsel vm0, $0x0, v6  }
0xa0: {  	[tilespmem:$0x1880] =	vst v5;
	v5 =	vsel vm1, v16, v6  }
0xa1: {  	[tilespmem:$0x1900] =	vst v5  }
0xa2: {  	[hbm4b:s10+s4] =	stream.linear.scatter [tilespmem:s16], [sflag:$0x1], $0x80, $0x38;
	[tilespmem:$0x1A80] =	vst v63  }
0xa3: {  	s18 =	sadd.s32 $0x1, s18;
	_ =	swait.ge [sflag:s15], $0x80  }
0xa4: {  	p0 =	sne.s32 s18, s12;
	[sflag:s15] =	ssyncset.done $0x0  }
.Ltmp2:
0xa5: {  	[sflag:s15] =	ssyncadd.s32 $0xFFFFFF80;
	(pc) =	sbr.rel @p0 .LBB2_1-.Ltmp2, $4  }
0xa6: {  	[hbm4b:s11+s4] =	stream.linear.scatter [tilespmem:s17], [sflag:$0x1], $0x80, $0x38;
	[tilespmem:$0x1A80] =	vst v63  }
0xa7: {  	_ =	swait.ge [sflag:s15], $0x80  }
0xa8: {  	[sflag:s15] =	ssyncset.done $0x0  }
0xa9: {  	[sflag:s15] =	ssyncadd.s32 $0xFFFFFF80  }
0xaa: {  	_ =	sfence.sel $0x180000  }
0xab: {  	[bflag:$0x0] =	sbarrier.arrive $0xFFFF  }
0xac: {  	p0 =	sne.s32 s0, $0x0;
	_ =	strace $0x90000047  }
0xad: {  	s0 =	sadd.s32 @!p0 $0x100000, s1;
	[bflag:$0x2] =	sbarrier.arrive $0xFFFF  }
0xae: {  	[sflag:s0] =	ssyncadd.tile.s32 @!p0 $0x1;
	_ =	shalt  }
.Lfunc_end2:
_tile_overlayer_lowered:
.L_overlay_start_2:
0xaf: {  	(tag) =	ssettag $0x2  }
0xb0: {  	s0 =	rddreg [dreg:$0x0];
	s2 =	stileid.u32  }
0xb1: {  	s1 =	rddreg [dreg:$0x1];
	p0 =	sne.s32 s2, $0x0  }
0xb2: {  	s3 =	rddreg [dreg:$0x2];
	[bflag:$0x3] =	sbarrier.arrive $0xFFFF;
	s2 =	simm.s32 @!p0 $0x1C01  }
0xb3: {  	[timem:s3], [sflag:s2] =	dma.local @!p0 [hbm:s0], s1  }
0xb4: {  	s0 =	simm.s32 @!p0 $0x1  }
0xb5: {  	_ =	swait.ge @!p0 [sflag:s0], s1  }
0xb6: {  	s1 =	ssub.s32 @!p0 $0x0, s1;
	[sflag:s0] =	ssyncset.done @!p0 $0x0  }
0xb7: {  	[sflag:s0] =	ssyncadd.s32 @!p0 s1  }
0xb8: {  	[bflag:$0x3] =	sbarrier.arrive $0xFFFF  }
0xb9: {  	_ =	shalt  }

</sc_bundles>
